<compile_context>
chip_gen: v7x
topology: tpu7x:2x2x1
jax: 0.10.2.dev20260603
libtpu: 0.0.44.dev20260713+nightly
codegen_flags: <defaults>
</compile_context>

<pallas_src>
import functools

import jax
import jax.numpy as jnp
from jax import lax
from jax.experimental import pallas as pl
from jax.experimental.pallas import tpu as pltpu
from jax.experimental.pallas import tpu_sc as plsc

NC = 2
NS = 16
NW = NC * NS
LANES = 16
IDX_PER_DMA = 128
BCHUNK = 512
NBUF = 2


@functools.partial(jax.jit, static_argnames=("batch", "seq", "dim"))
def _embed(idx3, token_table, pos_t, *, batch, seq, dim):
    units_per_s = batch // BCHUNK
    n_units = seq * units_per_s
    units_per_w = n_units // NW
    dmas_per_unit = BCHUNK // IDX_PER_DMA
    idx_rows_per_w = units_per_w * dmas_per_unit
    tr_n = dim // 8
    tc_n = batch // 128
    tc_per_unit = BCHUNK // 128

    def body(idx_hbm, tok_hbm, pos_hbm, out_hbm, idx_v, pos_v,
             rows0, rows1, outt0, outt1, gsem, osem):
        rbufs = (rows0, rows1)
        obufs = (outt0, outt1)
        wid = lax.axis_index("s") * NC + lax.axis_index("c")

        pltpu.sync_copy(idx_hbm.at[wid], idx_v)
        pltpu.sync_copy(pos_hbm, pos_v.at[:, pl.ds(0, seq)])

        iota = lax.iota(jnp.int32, LANES)

        def unit_su(g):
            u = wid * units_per_w + g
            return u // units_per_s, lax.rem(u, units_per_s)

        def start_gather(g, b):
            for q in range(dmas_per_unit):
                pltpu.async_copy(
                    tok_hbm.at[idx_v.at[dmas_per_unit * g + q]],
                    rbufs[b].at[pl.ds(q * IDX_PER_DMA, IDX_PER_DMA)],
                    gsem.at[b])

        def wait_gather(g, b):
            for q in range(dmas_per_unit):
                pltpu.make_async_copy(
                    tok_hbm.at[idx_v.at[dmas_per_unit * g + q]],
                    rbufs[b].at[pl.ds(q * IDX_PER_DMA, IDX_PER_DMA)],
                    gsem.at[b]).wait()

        def out_slice(g):
            s, bc = unit_su(g)
            return out_hbm.at[s, :, pl.ds(bc * tc_per_unit, tc_per_unit),
                              :, :]

        def start_out(g, b):
            pltpu.async_copy(obufs[b], out_slice(g), osem.at[b])

        def wait_out(g, b):
            pltpu.make_async_copy(obufs[b], out_slice(g), osem.at[b]).wait()

        def transpose_add(g, b):
            s, _ = unit_su(g)
            rows = rbufs[b]
            outt = obufs[b]
            svec = jnp.full((LANES,), s, jnp.int32)

            def kbody(kk, carry):
                h = (kk // LANES) * LANES
                k = lax.rem(kk, LANES)
                dcol = lax.bitwise_and(k + iota, LANES - 1) + h
                tr_v = lax.shift_right_logical(dcol, 3)
                r_v = lax.bitwise_and(dcol, 7)
                pvec = plsc.load_gather(pos_v, [dcol, svec])
                for tcl in range(tc_per_unit):
                    tcl_v = jnp.full((LANES,), tcl, jnp.int32)
                    for c0 in range(0, 128, LANES):
                        rid = iota + (tcl * 128 + c0)
                        vals = plsc.load_gather(rows, [rid, dcol])
                        plsc.store_scatter(outt,
                                           [tr_v, tcl_v, r_v, iota + c0],
                                           vals + pvec)
                return carry

            lax.fori_loop(0, (dim // LANES) * LANES, kbody, 0)

        start_gather(0, 0)

        def gg_body(gg, carry):
            for b in range(NBUF):
                g = gg * NBUF + b
                nb = (b + 1) % NBUF

                @pl.when(g + 1 < units_per_w)
                def _():
                    start_gather(g + 1, nb)

                wait_gather(g, b)

                @pl.when(g >= NBUF)
                def _():
                    wait_out(g - NBUF, b)

                transpose_add(g, b)
                start_out(g, b)
            return carry

        lax.fori_loop(0, units_per_w // NBUF, gg_body, 0)
        for k in range(NBUF):
            g = units_per_w - NBUF + k
            wait_out(g, g % NBUF)

    grid_kernel = pl.kernel(
        body,
        out_type=jax.ShapeDtypeStruct((seq, tr_n, tc_n, 8, 128),
                                      jnp.float32),
        mesh=plsc.VectorSubcoreMesh(core_axis_name="c", subcore_axis_name="s"),
        scratch_types=[
            pltpu.VMEM((idx_rows_per_w, IDX_PER_DMA), jnp.int32),
            pltpu.VMEM((dim, 257), jnp.float32),
            pltpu.VMEM((BCHUNK, dim), jnp.float32),
            pltpu.VMEM((BCHUNK, dim), jnp.float32),
            pltpu.VMEM((tr_n, tc_per_unit, 8, 128), jnp.float32),
            pltpu.VMEM((tr_n, tc_per_unit, 8, 128), jnp.float32),
            pltpu.SemaphoreType.DMA((NBUF,)),
            pltpu.SemaphoreType.DMA((NBUF,)),
        ],
        compiler_params=pltpu.CompilerParams(use_tc_tiling_on_sc=False,
                                             needs_layout_passes=False),
    )
    return grid_kernel(idx3, token_table, pos_t)


def kernel(inputs, token_table, pos_table):
    batch, seq = inputs.shape
    _, dim = token_table.shape
    total = batch * seq
    rows_per_w = total // NW
    idx3 = inputs.astype(jnp.int32).T.reshape(
        NW, rows_per_w // IDX_PER_DMA, IDX_PER_DMA)
    pos_t = pos_table.T
    out5 = _embed(idx3, token_table, pos_t, batch=batch, seq=seq, dim=dim)
    return out5.transpose(2, 4, 0, 1, 3).reshape(batch, seq, dim)

# --- scband reference (transcript-rebuilt; emitter-appended) ---
"""Pipeline reference for scband-positional-embedding-12678743458216 (READ-ONLY COPY).

The authoritative reference and input builder live on the scoring server;
editing this copy changes nothing except your own understanding.
"""

import jax, jax.numpy as jnp
import numpy as np

VOCAB = 1000000
SEQ_LEN = 200
BATCH = 4096
DIM = 32

def setup_inputs(seed: int = 0) -> dict:
    key = jax.random.key(seed)
    k1, k2, k3 = jax.random.split(key, 3)
    inputs = jax.random.randint(k1, (BATCH, SEQ_LEN), 0, VOCAB, dtype=jnp.int64 if jax.config.jax_enable_x64 else jnp.int32)
    token_table = jax.random.normal(k2, (VOCAB, DIM), dtype=jnp.float32) * 0.02
    pos_table = jax.random.normal(k3, (SEQ_LEN, DIM), dtype=jnp.float32) * 0.02
    return {"inputs": inputs, "token_table": token_table, "pos_table": pos_table}

def reference(inputs, token_table, pos_table):
    length = inputs.shape[-1]
    positions = jnp.arange(length)
    embedded_tokens = jnp.take(token_table, inputs, axis=0)
    embedded_positions = jnp.take(pos_table, positions, axis=0)
    return embedded_tokens + embedded_positions

if __name__ == "__main__":
    import jax
    _d = setup_inputs()
    print(jax.jit(kernel)(*tuple(_d.values())))

</pallas_src>

<mosaic_0001>
#map = affine_map<(d0, d1) -> (0, 0, 0)>
#map1 = affine_map<(d0, d1) -> (0, 0)>
#map2 = affine_map<(d0, d1) -> (0, 0, 0, 0, 0)>
module attributes {stable_mosaic.version = 14 : i64} {
  func.func @body(%arg0: i32, %arg1: i32, %arg2: memref<32x200x128xi32, #tpu.memory_space<hbm>>, %arg3: memref<1000000x32xf32, #tpu.memory_space<hbm>>, %arg4: memref<32x200xf32, #tpu.memory_space<hbm>>, %arg5: memref<200x4x32x8x128xf32, #tpu.memory_space<hbm>>, %arg6: memref<200x128xi32, #tpu.memory_space<vmem>>, %arg7: memref<32x257xf32, #tpu.memory_space<vmem>>, %arg8: memref<512x32xf32, #tpu.memory_space<vmem>>, %arg9: memref<512x32xf32, #tpu.memory_space<vmem>>, %arg10: memref<4x4x8x128xf32, #tpu.memory_space<vmem>>, %arg11: memref<4x4x8x128xf32, #tpu.memory_space<vmem>>, %arg12: memref<2x!tpu.dma_semaphore, #tpu.memory_space<semaphore_mem>>, %arg13: memref<2x!tpu.dma_semaphore, #tpu.memory_space<semaphore_mem>>) attributes {dimension_semantics = [#tpu.dimension_semantics<core_parallel>, #tpu.dimension_semantics<subcore_parallel>], iteration_bounds = array<i64: 2, 16>, scalar_prefetch = 0 : i64, scratch_operands = 8 : i64, tpu.core_type = #tpu.core_type<sc_vector_subcore>, window_params = [{transform_indices = #map}, {transform_indices = #map1}, {transform_indices = #map1}, {transform_indices = #map2}]} {
    %mul3A = arith.constant 2 : i32
    %mul3A_0 = arith.muli %arg1, %mul3A : i32
    %add3A = arith.addi %mul3A_0, %arg0 : i32
    "tpu.region"() ({
      %run_scoped3A = tpu.sem_alloc : memref<!tpu.dma_semaphore, #tpu.memory_space<semaphore_mem>>
      %dma_start3A_138 = arith.constant 0 : i32
      %dma_start3A_139 = arith.constant 0 : i32
      %dma_start3A_140 = tpu.memref_slice %arg2[%add3A, %dma_start3A_138, %dma_start3A_139] : memref<32x200x128xi32, #tpu.memory_space<hbm>> -> memref<1x200x128xi32, #tpu.memory_space<hbm>>
      %dma_start3A_141 = tpu.memref_squeeze %dma_start3A_140 : memref<1x200x128xi32, #tpu.memory_space<hbm>> -> memref<200x128xi32, #tpu.memory_space<hbm>>
      %dma_start3A_142 = arith.constant 0 : i32
      %dma_start3A_143 = arith.constant 0 : i32
      %dma_start3A_144 = tpu.memref_slice %arg2[%add3A, %dma_start3A_142, %dma_start3A_143] : memref<32x200x128xi32, #tpu.memory_space<hbm>> -> memref<1x200x128xi32, #tpu.memory_space<hbm>>
      %dma_start3A_145 = tpu.memref_squeeze %dma_start3A_144 : memref<1x200x128xi32, #tpu.memory_space<hbm>> -> memref<200x128xi32, #tpu.memory_space<hbm>>
      tpu.enqueue_dma source(%dma_start3A_145 : memref<200x128xi32, #tpu.memory_space<hbm>>) target(%arg6 : memref<200x128xi32, #tpu.memory_space<vmem>>) target_semaphore(%run_scoped3A : memref<!tpu.dma_semaphore, #tpu.memory_space<semaphore_mem>>)
      %dma_wait3A_146 = arith.constant 0 : i32
      %dma_wait3A_147 = arith.constant 0 : i32
      %dma_wait3A_148 = tpu.memref_slice %arg2[%add3A, %dma_wait3A_146, %dma_wait3A_147] : memref<32x200x128xi32, #tpu.memory_space<hbm>> -> memref<1x200x128xi32, #tpu.memory_space<hbm>>
      %dma_wait3A_149 = tpu.memref_squeeze %dma_wait3A_148 : memref<1x200x128xi32, #tpu.memory_space<hbm>> -> memref<200x128xi32, #tpu.memory_space<hbm>>
      %dma_wait3A_150 = arith.constant 0 : i32
      %dma_wait3A_151 = arith.constant 0 : i32
      %dma_wait3A_152 = tpu.memref_slice %arg2[%add3A, %dma_wait3A_150, %dma_wait3A_151] : memref<32x200x128xi32, #tpu.memory_space<hbm>> -> memref<1x200x128xi32, #tpu.memory_space<hbm>>
      %dma_wait3A_153 = tpu.memref_squeeze %dma_wait3A_152 : memref<1x200x128xi32, #tpu.memory_space<hbm>> -> memref<200x128xi32, #tpu.memory_space<hbm>>
      tpu.wait_dma2 semaphore(%run_scoped3A : memref<!tpu.dma_semaphore, #tpu.memory_space<semaphore_mem>>) src(%dma_wait3A_153 : memref<200x128xi32, #tpu.memory_space<hbm>>) dst(%arg6 : memref<200x128xi32, #tpu.memory_space<vmem>>)
      tpu.yield
    }) : () -> ()
    "tpu.region"() ({
      %run_scoped3A = tpu.sem_alloc : memref<!tpu.dma_semaphore, #tpu.memory_space<semaphore_mem>>
      %dma_start3A_138 = arith.constant 0 : i32
      %dma_start3A_139 = arith.constant 0 : i32
      %dma_start3A_140 = tpu.memref_slice %arg7[%dma_start3A_138, %dma_start3A_139] : memref<32x257xf32, #tpu.memory_space<vmem>> -> memref<32x200xf32, #tpu.memory_space<vmem>>
      %dma_start3A_141 = arith.constant 0 : i32
      %dma_start3A_142 = arith.constant 0 : i32
      %dma_start3A_143 = tpu.memref_slice %arg7[%dma_start3A_141, %dma_start3A_142] : memref<32x257xf32, #tpu.memory_space<vmem>> -> memref<32x200xf32, #tpu.memory_space<vmem>>
      tpu.enqueue_dma source(%arg4 : memref<32x200xf32, #tpu.memory_space<hbm>>) target(%dma_start3A_143 : memref<32x200xf32, #tpu.memory_space<vmem>>) target_semaphore(%run_scoped3A : memref<!tpu.dma_semaphore, #tpu.memory_space<semaphore_mem>>)
      %dma_wait3A_144 = arith.constant 0 : i32
      %dma_wait3A_145 = arith.constant 0 : i32
      %dma_wait3A_146 = tpu.memref_slice %arg7[%dma_wait3A_144, %dma_wait3A_145] : memref<32x257xf32, #tpu.memory_space<vmem>> -> memref<32x200xf32, #tpu.memory_space<vmem>>
      %dma_wait3A_147 = arith.constant 0 : i32
      %dma_wait3A_148 = arith.constant 0 : i32
      %dma_wait3A_149 = tpu.memref_slice %arg7[%dma_wait3A_147, %dma_wait3A_148] : memref<32x257xf32, #tpu.memory_space<vmem>> -> memref<32x200xf32, #tpu.memory_space<vmem>>
      tpu.wait_dma2 semaphore(%run_scoped3A : memref<!tpu.dma_semaphore, #tpu.memory_space<semaphore_mem>>) src(%arg4 : memref<32x200xf32, #tpu.memory_space<hbm>>) dst(%dma_wait3A_149 : memref<32x200xf32, #tpu.memory_space<vmem>>)
      tpu.yield
    }) : () -> ()
    %iota3A = tpu.iota {dimensions = array<i32: 0>} : vector<16xi32>
    %dma_start3A = arith.constant 0 : i32
    %dma_start3A_1 = arith.constant 0 : i32
    %dma_start3A_2 = arith.constant 0 : i32
    %dma_start3A_3 = arith.constant 0 : i32
    %dma_start3A_4 = tpu.memref_slice %arg8[%dma_start3A_2, %dma_start3A_3] : memref<512x32xf32, #tpu.memory_space<vmem>> -> memref<128x32xf32, #tpu.memory_space<vmem>>
    %dma_start3A_5 = arith.constant 0 : i32
    %dma_start3A_6 = tpu.memref_slice %arg6[%dma_start3A, %dma_start3A_5] : memref<200x128xi32, #tpu.memory_space<vmem>> -> memref<1x128xi32, #tpu.memory_space<vmem>>
    %dma_start3A_7 = tpu.memref_squeeze %dma_start3A_6 : memref<1x128xi32, #tpu.memory_space<vmem>> -> memref<128xi32, #tpu.memory_space<vmem>>
    %dma_start3A_8 = arith.constant 0 : i32
    %dma_start3A_9 = arith.constant 0 : i32
    %dma_start3A_10 = tpu.memref_slice %arg3[%dma_start3A_8, %dma_start3A_9] : memref<1000000x32xf32, #tpu.memory_space<hbm>> -> memref<1000000x32xf32, #tpu.memory_space<hbm>>
    %dma_start3A_11 = tpu.memref_slice %arg12[%dma_start3A_1] : memref<2x!tpu.dma_semaphore, #tpu.memory_space<semaphore_mem>> -> memref<1x!tpu.dma_semaphore, #tpu.memory_space<semaphore_mem>>
    %dma_start3A_12 = tpu.memref_squeeze %dma_start3A_11 : memref<1x!tpu.dma_semaphore, #tpu.memory_space<semaphore_mem>> -> memref<!tpu.dma_semaphore, #tpu.memory_space<semaphore_mem>>
    tpu.enqueue_indirect_dma source(%dma_start3A_10 : memref<1000000x32xf32, #tpu.memory_space<hbm>>) target(%dma_start3A_4 : memref<128x32xf32, #tpu.memory_space<vmem>>) offsets(%dma_start3A_7 : memref<128xi32, #tpu.memory_space<vmem>>) semaphore(%dma_start3A_12 : memref<!tpu.dma_semaphore, #tpu.memory_space<semaphore_mem>>)
    %dma_start3A_13 = arith.constant 1 : i32
    %dma_start3A_14 = arith.constant 0 : i32
    %dma_start3A_15 = arith.constant 128 : i32
    %dma_start3A_16 = arith.constant 0 : i32
    %dma_start3A_17 = tpu.memref_slice %arg8[%dma_start3A_15, %dma_start3A_16] : memref<512x32xf32, #tpu.memory_space<vmem>> -> memref<128x32xf32, #tpu.memory_space<vmem>>
    %dma_start3A_18 = arith.constant 0 : i32
    %dma_start3A_19 = tpu.memref_slice %arg6[%dma_start3A_13, %dma_start3A_18] : memref<200x128xi32, #tpu.memory_space<vmem>> -> memref<1x128xi32, #tpu.memory_space<vmem>>
    %dma_start3A_20 = tpu.memref_squeeze %dma_start3A_19 : memref<1x128xi32, #tpu.memory_space<vmem>> -> memref<128xi32, #tpu.memory_space<vmem>>
    %dma_start3A_21 = arith.constant 0 : i32
    %dma_start3A_22 = arith.constant 0 : i32
    %dma_start3A_23 = tpu.memref_slice %arg3[%dma_start3A_21, %dma_start3A_22] : memref<1000000x32xf32, #tpu.memory_space<hbm>> -> memref<1000000x32xf32, #tpu.memory_space<hbm>>
    %dma_start3A_24 = tpu.memref_slice %arg12[%dma_start3A_14] : memref<2x!tpu.dma_semaphore, #tpu.memory_space<semaphore_mem>> -> memref<1x!tpu.dma_semaphore, #tpu.memory_space<semaphore_mem>>
    %dma_start3A_25 = tpu.memref_squeeze %dma_start3A_24 : memref<1x!tpu.dma_semaphore, #tpu.memory_space<semaphore_mem>> -> memref<!tpu.dma_semaphore, #tpu.memory_space<semaphore_mem>>
    tpu.enqueue_indirect_dma source(%dma_start3A_23 : memref<1000000x32xf32, #tpu.memory_space<hbm>>) target(%dma_start3A_17 : memref<128x32xf32, #tpu.memory_space<vmem>>) offsets(%dma_start3A_20 : memref<128xi32, #tpu.memory_space<vmem>>) semaphore(%dma_start3A_25 : memref<!tpu.dma_semaphore, #tpu.memory_space<semaphore_mem>>)
    %dma_start3A_26 = arith.constant 2 : i32
    %dma_start3A_27 = arith.constant 0 : i32
    %dma_start3A_28 = arith.constant 256 : i32
    %dma_start3A_29 = arith.constant 0 : i32
    %dma_start3A_30 = tpu.memref_slice %arg8[%dma_start3A_28, %dma_start3A_29] : memref<512x32xf32, #tpu.memory_space<vmem>> -> memref<128x32xf32, #tpu.memory_space<vmem>>
    %dma_start3A_31 = arith.constant 0 : i32
    %dma_start3A_32 = tpu.memref_slice %arg6[%dma_start3A_26, %dma_start3A_31] : memref<200x128xi32, #tpu.memory_space<vmem>> -> memref<1x128xi32, #tpu.memory_space<vmem>>
    %dma_start3A_33 = tpu.memref_squeeze %dma_start3A_32 : memref<1x128xi32, #tpu.memory_space<vmem>> -> memref<128xi32, #tpu.memory_space<vmem>>
    %dma_start3A_34 = arith.constant 0 : i32
    %dma_start3A_35 = arith.constant 0 : i32
    %dma_start3A_36 = tpu.memref_slice %arg3[%dma_start3A_34, %dma_start3A_35] : memref<1000000x32xf32, #tpu.memory_space<hbm>> -> memref<1000000x32xf32, #tpu.memory_space<hbm>>
    %dma_start3A_37 = tpu.memref_slice %arg12[%dma_start3A_27] : memref<2x!tpu.dma_semaphore, #tpu.memory_space<semaphore_mem>> -> memref<1x!tpu.dma_semaphore, #tpu.memory_space<semaphore_mem>>
    %dma_start3A_38 = tpu.memref_squeeze %dma_start3A_37 : memref<1x!tpu.dma_semaphore, #tpu.memory_space<semaphore_mem>> -> memref<!tpu.dma_semaphore, #tpu.memory_space<semaphore_mem>>
    tpu.enqueue_indirect_dma source(%dma_start3A_36 : memref<1000000x32xf32, #tpu.memory_space<hbm>>) target(%dma_start3A_30 : memref<128x32xf32, #tpu.memory_space<vmem>>) offsets(%dma_start3A_33 : memref<128xi32, #tpu.memory_space<vmem>>) semaphore(%dma_start3A_38 : memref<!tpu.dma_semaphore, #tpu.memory_space<semaphore_mem>>)
    %dma_start3A_39 = arith.constant 3 : i32
    %dma_start3A_40 = arith.constant 0 : i32
    %dma_start3A_41 = arith.constant 384 : i32
    %dma_start3A_42 = arith.constant 0 : i32
    %dma_start3A_43 = tpu.memref_slice %arg8[%dma_start3A_41, %dma_start3A_42] : memref<512x32xf32, #tpu.memory_space<vmem>> -> memref<128x32xf32, #tpu.memory_space<vmem>>
    %dma_start3A_44 = arith.constant 0 : i32
    %dma_start3A_45 = tpu.memref_slice %arg6[%dma_start3A_39, %dma_start3A_44] : memref<200x128xi32, #tpu.memory_space<vmem>> -> memref<1x128xi32, #tpu.memory_space<vmem>>
    %dma_start3A_46 = tpu.memref_squeeze %dma_start3A_45 : memref<1x128xi32, #tpu.memory_space<vmem>> -> memref<128xi32, #tpu.memory_space<vmem>>
    %dma_start3A_47 = arith.constant 0 : i32
    %dma_start3A_48 = arith.constant 0 : i32
    %dma_start3A_49 = tpu.memref_slice %arg3[%dma_start3A_47, %dma_start3A_48] : memref<1000000x32xf32, #tpu.memory_space<hbm>> -> memref<1000000x32xf32, #tpu.memory_space<hbm>>
    %dma_start3A_50 = tpu.memref_slice %arg12[%dma_start3A_40] : memref<2x!tpu.dma_semaphore, #tpu.memory_space<semaphore_mem>> -> memref<1x!tpu.dma_semaphore, #tpu.memory_space<semaphore_mem>>
    %dma_start3A_51 = tpu.memref_squeeze %dma_start3A_50 : memref<1x!tpu.dma_semaphore, #tpu.memory_space<semaphore_mem>> -> memref<!tpu.dma_semaphore, #tpu.memory_space<semaphore_mem>>
    tpu.enqueue_indirect_dma source(%dma_start3A_49 : memref<1000000x32xf32, #tpu.memory_space<hbm>>) target(%dma_start3A_43 : memref<128x32xf32, #tpu.memory_space<vmem>>) offsets(%dma_start3A_46 : memref<128xi32, #tpu.memory_space<vmem>>) semaphore(%dma_start3A_51 : memref<!tpu.dma_semaphore, #tpu.memory_space<semaphore_mem>>)
    %scan3A = arith.constant 0 : i32
    %scan3A_52 = arith.constant 0 : i32
    %scan3A_53 = arith.constant 25 : i32
    %scan3A_54 = arith.addi %scan3A_52, %scan3A_53 : i32
    %scan3A_55 = arith.constant 1 : i32
    scf.for %scan3A_138 = %scan3A_52 to %scan3A_54 step %scan3A_55  : i32 {
      %mul3A_139 = arith.constant 2 : i32
      %mul3A_140 = arith.muli %scan3A_138, %mul3A_139 : i32
      %add3A_141 = arith.constant 0 : i32
      %add3A_142 = arith.addi %mul3A_140, %add3A_141 : i32
      %add3A_143 = arith.constant 1 : i32
      %add3A_144 = arith.addi %add3A_142, %add3A_143 : i32
      %lt3A = arith.constant 50 : i32
      %lt3A_145 = arith.cmpi slt, %add3A_144, %lt3A : i32
      %convert_element_type3A = arith.extui %lt3A_145 : i1 to i32
      %cond3A = arith.constant 0 : i32
      %cond3A_146 = arith.cmpi ne, %convert_element_type3A, %cond3A : i32
      scf.if %cond3A_146 {
        %add3A_454 = arith.constant 1 : i32
        %add3A_455 = arith.addi %add3A_142, %add3A_454 : i32
        %mul3A_456 = arith.constant 4 : i32
        %mul3A_457 = arith.muli %mul3A_456, %add3A_455 : i32
        %add3A_458 = arith.constant 0 : i32
        %add3A_459 = arith.addi %mul3A_457, %add3A_458 : i32
        %dma_start3A_460 = arith.constant 1 : i32
        %dma_start3A_461 = arith.constant 0 : i32
        %dma_start3A_462 = arith.constant 0 : i32
        %dma_start3A_463 = tpu.memref_slice %arg9[%dma_start3A_461, %dma_start3A_462] : memref<512x32xf32, #tpu.memory_space<vmem>> -> memref<128x32xf32, #tpu.memory_space<vmem>>
        %dma_start3A_464 = arith.constant 0 : i32
        %dma_start3A_465 = tpu.memref_slice %arg6[%add3A_459, %dma_start3A_464] : memref<200x128xi32, #tpu.memory_space<vmem>> -> memref<1x128xi32, #tpu.memory_space<vmem>>
        %dma_start3A_466 = tpu.memref_squeeze %dma_start3A_465 : memref<1x128xi32, #tpu.memory_space<vmem>> -> memref<128xi32, #tpu.memory_space<vmem>>
        %dma_start3A_467 = arith.constant 0 : i32
        %dma_start3A_468 = arith.constant 0 : i32
        %dma_start3A_469 = tpu.memref_slice %arg3[%dma_start3A_467, %dma_start3A_468] : memref<1000000x32xf32, #tpu.memory_space<hbm>> -> memref<1000000x32xf32, #tpu.memory_space<hbm>>
        %dma_start3A_470 = tpu.memref_slice %arg12[%dma_start3A_460] : memref<2x!tpu.dma_semaphore, #tpu.memory_space<semaphore_mem>> -> memref<1x!tpu.dma_semaphore, #tpu.memory_space<semaphore_mem>>
        %dma_start3A_471 = tpu.memref_squeeze %dma_start3A_470 : memref<1x!tpu.dma_semaphore, #tpu.memory_space<semaphore_mem>> -> memref<!tpu.dma_semaphore, #tpu.memory_space<semaphore_mem>>
        tpu.enqueue_indirect_dma source(%dma_start3A_469 : memref<1000000x32xf32, #tpu.memory_space<hbm>>) target(%dma_start3A_463 : memref<128x32xf32, #tpu.memory_space<vmem>>) offsets(%dma_start3A_466 : memref<128xi32, #tpu.memory_space<vmem>>) semaphore(%dma_start3A_471 : memref<!tpu.dma_semaphore, #tpu.memory_space<semaphore_mem>>)
        %mul3A_472 = arith.constant 4 : i32
        %mul3A_473 = arith.muli %mul3A_472, %add3A_455 : i32
        %add3A_474 = arith.constant 1 : i32
        %add3A_475 = arith.addi %mul3A_473, %add3A_474 : i32
        %dma_start3A_476 = arith.constant 1 : i32
        %dma_start3A_477 = arith.constant 128 : i32
        %dma_start3A_478 = arith.constant 0 : i32
        %dma_start3A_479 = tpu.memref_slice %arg9[%dma_start3A_477, %dma_start3A_478] : memref<512x32xf32, #tpu.memory_space<vmem>> -> memref<128x32xf32, #tpu.memory_space<vmem>>
        %dma_start3A_480 = arith.constant 0 : i32
        %dma_start3A_481 = tpu.memref_slice %arg6[%add3A_475, %dma_start3A_480] : memref<200x128xi32, #tpu.memory_space<vmem>> -> memref<1x128xi32, #tpu.memory_space<vmem>>
        %dma_start3A_482 = tpu.memref_squeeze %dma_start3A_481 : memref<1x128xi32, #tpu.memory_space<vmem>> -> memref<128xi32, #tpu.memory_space<vmem>>
        %dma_start3A_483 = arith.constant 0 : i32
        %dma_start3A_484 = arith.constant 0 : i32
        %dma_start3A_485 = tpu.memref_slice %arg3[%dma_start3A_483, %dma_start3A_484] : memref<1000000x32xf32, #tpu.memory_space<hbm>> -> memref<1000000x32xf32, #tpu.memory_space<hbm>>
        %dma_start3A_486 = tpu.memref_slice %arg12[%dma_start3A_476] : memref<2x!tpu.dma_semaphore, #tpu.memory_space<semaphore_mem>> -> memref<1x!tpu.dma_semaphore, #tpu.memory_space<semaphore_mem>>
        %dma_start3A_487 = tpu.memref_squeeze %dma_start3A_486 : memref<1x!tpu.dma_semaphore, #tpu.memory_space<semaphore_mem>> -> memref<!tpu.dma_semaphore, #tpu.memory_space<semaphore_mem>>
        tpu.enqueue_indirect_dma source(%dma_start3A_485 : memref<1000000x32xf32, #tpu.memory_space<hbm>>) target(%dma_start3A_479 : memref<128x32xf32, #tpu.memory_space<vmem>>) offsets(%dma_start3A_482 : memref<128xi32, #tpu.memory_space<vmem>>) semaphore(%dma_start3A_487 : memref<!tpu.dma_semaphore, #tpu.memory_space<semaphore_mem>>)
        %mul3A_488 = arith.constant 4 : i32
        %mul3A_489 = arith.muli %mul3A_488, %add3A_455 : i32
        %add3A_490 = arith.constant 2 : i32
        %add3A_491 = arith.addi %mul3A_489, %add3A_490 : i32
        %dma_start3A_492 = arith.constant 1 : i32
        %dma_start3A_493 = arith.constant 256 : i32
        %dma_start3A_494 = arith.constant 0 : i32
        %dma_start3A_495 = tpu.memref_slice %arg9[%dma_start3A_493, %dma_start3A_494] : memref<512x32xf32, #tpu.memory_space<vmem>> -> memref<128x32xf32, #tpu.memory_space<vmem>>
        %dma_start3A_496 = arith.constant 0 : i32
        %dma_start3A_497 = tpu.memref_slice %arg6[%add3A_491, %dma_start3A_496] : memref<200x128xi32, #tpu.memory_space<vmem>> -> memref<1x128xi32, #tpu.memory_space<vmem>>
        %dma_start3A_498 = tpu.memref_squeeze %dma_start3A_497 : memref<1x128xi32, #tpu.memory_space<vmem>> -> memref<128xi32, #tpu.memory_space<vmem>>
        %dma_start3A_499 = arith.constant 0 : i32
        %dma_start3A_500 = arith.constant 0 : i32
        %dma_start3A_501 = tpu.memref_slice %arg3[%dma_start3A_499, %dma_start3A_500] : memref<1000000x32xf32, #tpu.memory_space<hbm>> -> memref<1000000x32xf32, #tpu.memory_space<hbm>>
        %dma_start3A_502 = tpu.memref_slice %arg12[%dma_start3A_492] : memref<2x!tpu.dma_semaphore, #tpu.memory_space<semaphore_mem>> -> memref<1x!tpu.dma_semaphore, #tpu.memory_space<semaphore_mem>>
        %dma_start3A_503 = tpu.memref_squeeze %dma_start3A_502 : memref<1x!tpu.dma_semaphore, #tpu.memory_space<semaphore_mem>> -> memref<!tpu.dma_semaphore, #tpu.memory_space<semaphore_mem>>
        tpu.enqueue_indirect_dma source(%dma_start3A_501 : memref<1000000x32xf32, #tpu.memory_space<hbm>>) target(%dma_start3A_495 : memref<128x32xf32, #tpu.memory_space<vmem>>) offsets(%dma_start3A_498 : memref<128xi32, #tpu.memory_space<vmem>>) semaphore(%dma_start3A_503 : memref<!tpu.dma_semaphore, #tpu.memory_space<semaphore_mem>>)
        %mul3A_504 = arith.constant 4 : i32
        %mul3A_505 = arith.muli %mul3A_504, %add3A_455 : i32
        %add3A_506 = arith.constant 3 : i32
        %add3A_507 = arith.addi %mul3A_505, %add3A_506 : i32
        %dma_start3A_508 = arith.constant 1 : i32
        %dma_start3A_509 = arith.constant 384 : i32
        %dma_start3A_510 = arith.constant 0 : i32
        %dma_start3A_511 = tpu.memref_slice %arg9[%dma_start3A_509, %dma_start3A_510] : memref<512x32xf32, #tpu.memory_space<vmem>> -> memref<128x32xf32, #tpu.memory_space<vmem>>
        %dma_start3A_512 = arith.constant 0 : i32
        %dma_start3A_513 = tpu.memref_slice %arg6[%add3A_507, %dma_start3A_512] : memref<200x128xi32, #tpu.memory_space<vmem>> -> memref<1x128xi32, #tpu.memory_space<vmem>>
        %dma_start3A_514 = tpu.memref_squeeze %dma_start3A_513 : memref<1x128xi32, #tpu.memory_space<vmem>> -> memref<128xi32, #tpu.memory_space<vmem>>
        %dma_start3A_515 = arith.constant 0 : i32
        %dma_start3A_516 = arith.constant 0 : i32
        %dma_start3A_517 = tpu.memref_slice %arg3[%dma_start3A_515, %dma_start3A_516] : memref<1000000x32xf32, #tpu.memory_space<hbm>> -> memref<1000000x32xf32, #tpu.memory_space<hbm>>
        %dma_start3A_518 = tpu.memref_slice %arg12[%dma_start3A_508] : memref<2x!tpu.dma_semaphore, #tpu.memory_space<semaphore_mem>> -> memref<1x!tpu.dma_semaphore, #tpu.memory_space<semaphore_mem>>
        %dma_start3A_519 = tpu.memref_squeeze %dma_start3A_518 : memref<1x!tpu.dma_semaphore, #tpu.memory_space<semaphore_mem>> -> memref<!tpu.dma_semaphore, #tpu.memory_space<semaphore_mem>>
        tpu.enqueue_indirect_dma source(%dma_start3A_517 : memref<1000000x32xf32, #tpu.memory_space<hbm>>) target(%dma_start3A_511 : memref<128x32xf32, #tpu.memory_space<vmem>>) offsets(%dma_start3A_514 : memref<128xi32, #tpu.memory_space<vmem>>) semaphore(%dma_start3A_519 : memref<!tpu.dma_semaphore, #tpu.memory_space<semaphore_mem>>)
      } else {
      }
      %mul3A_147 = arith.constant 4 : i32
      %mul3A_148 = arith.muli %mul3A_147, %add3A_142 : i32
      %add3A_149 = arith.constant 0 : i32
      %add3A_150 = arith.addi %mul3A_148, %add3A_149 : i32
      %dma_wait3A_151 = arith.constant 0 : i32
      %dma_wait3A_152 = arith.constant 0 : i32
      %dma_wait3A_153 = arith.constant 0 : i32
      %dma_wait3A_154 = tpu.memref_slice %arg8[%dma_wait3A_152, %dma_wait3A_153] : memref<512x32xf32, #tpu.memory_space<vmem>> -> memref<128x32xf32, #tpu.memory_space<vmem>>
      %dma_wait3A_155 = arith.constant 0 : i32
      %dma_wait3A_156 = tpu.memref_slice %arg6[%add3A_150, %dma_wait3A_155] : memref<200x128xi32, #tpu.memory_space<vmem>> -> memref<1x128xi32, #tpu.memory_space<vmem>>
      %dma_wait3A_157 = tpu.memref_squeeze %dma_wait3A_156 : memref<1x128xi32, #tpu.memory_space<vmem>> -> memref<128xi32, #tpu.memory_space<vmem>>
      %dma_wait3A_158 = arith.constant 0 : i32
      %dma_wait3A_159 = arith.constant 0 : i32
      %dma_wait3A_160 = tpu.memref_slice %arg3[%dma_wait3A_158, %dma_wait3A_159] : memref<1000000x32xf32, #tpu.memory_space<hbm>> -> memref<1000000x32xf32, #tpu.memory_space<hbm>>
      %dma_wait3A_161 = tpu.memref_slice %arg12[%dma_wait3A_151] : memref<2x!tpu.dma_semaphore, #tpu.memory_space<semaphore_mem>> -> memref<1x!tpu.dma_semaphore, #tpu.memory_space<semaphore_mem>>
      %dma_wait3A_162 = tpu.memref_squeeze %dma_wait3A_161 : memref<1x!tpu.dma_semaphore, #tpu.memory_space<semaphore_mem>> -> memref<!tpu.dma_semaphore, #tpu.memory_space<semaphore_mem>>
      tpu.wait_indirect_dma semaphore(%dma_wait3A_162 : memref<!tpu.dma_semaphore, #tpu.memory_space<semaphore_mem>>) src(%dma_wait3A_160 : memref<1000000x32xf32, #tpu.memory_space<hbm>>) dst(%dma_wait3A_154 : memref<128x32xf32, #tpu.memory_space<vmem>>)
      %mul3A_163 = arith.constant 4 : i32
      %mul3A_164 = arith.muli %mul3A_163, %add3A_142 : i32
      %add3A_165 = arith.constant 1 : i32
      %add3A_166 = arith.addi %mul3A_164, %add3A_165 : i32
      %dma_wait3A_167 = arith.constant 0 : i32
      %dma_wait3A_168 = arith.constant 128 : i32
      %dma_wait3A_169 = arith.constant 0 : i32
      %dma_wait3A_170 = tpu.memref_slice %arg8[%dma_wait3A_168, %dma_wait3A_169] : memref<512x32xf32, #tpu.memory_space<vmem>> -> memref<128x32xf32, #tpu.memory_space<vmem>>
      %dma_wait3A_171 = arith.constant 0 : i32
      %dma_wait3A_172 = tpu.memref_slice %arg6[%add3A_166, %dma_wait3A_171] : memref<200x128xi32, #tpu.memory_space<vmem>> -> memref<1x128xi32, #tpu.memory_space<vmem>>
      %dma_wait3A_173 = tpu.memref_squeeze %dma_wait3A_172 : memref<1x128xi32, #tpu.memory_space<vmem>> -> memref<128xi32, #tpu.memory_space<vmem>>
      %dma_wait3A_174 = arith.constant 0 : i32
      %dma_wait3A_175 = arith.constant 0 : i32
      %dma_wait3A_176 = tpu.memref_slice %arg3[%dma_wait3A_174, %dma_wait3A_175] : memref<1000000x32xf32, #tpu.memory_space<hbm>> -> memref<1000000x32xf32, #tpu.memory_space<hbm>>
      %dma_wait3A_177 = tpu.memref_slice %arg12[%dma_wait3A_167] : memref<2x!tpu.dma_semaphore, #tpu.memory_space<semaphore_mem>> -> memref<1x!tpu.dma_semaphore, #tpu.memory_space<semaphore_mem>>
      %dma_wait3A_178 = tpu.memref_squeeze %dma_wait3A_177 : memref<1x!tpu.dma_semaphore, #tpu.memory_space<semaphore_mem>> -> memref<!tpu.dma_semaphore, #tpu.memory_space<semaphore_mem>>
      tpu.wait_indirect_dma semaphore(%dma_wait3A_178 : memref<!tpu.dma_semaphore, #tpu.memory_space<semaphore_mem>>) src(%dma_wait3A_176 : memref<1000000x32xf32, #tpu.memory_space<hbm>>) dst(%dma_wait3A_170 : memref<128x32xf32, #tpu.memory_space<vmem>>)
      %mul3A_179 = arith.constant 4 : i32
      %mul3A_180 = arith.muli %mul3A_179, %add3A_142 : i32
      %add3A_181 = arith.constant 2 : i32
      %add3A_182 = arith.addi %mul3A_180, %add3A_181 : i32
      %dma_wait3A_183 = arith.constant 0 : i32
      %dma_wait3A_184 = arith.constant 256 : i32
      %dma_wait3A_185 = arith.constant 0 : i32
      %dma_wait3A_186 = tpu.memref_slice %arg8[%dma_wait3A_184, %dma_wait3A_185] : memref<512x32xf32, #tpu.memory_space<vmem>> -> memref<128x32xf32, #tpu.memory_space<vmem>>
      %dma_wait3A_187 = arith.constant 0 : i32
      %dma_wait3A_188 = tpu.memref_slice %arg6[%add3A_182, %dma_wait3A_187] : memref<200x128xi32, #tpu.memory_space<vmem>> -> memref<1x128xi32, #tpu.memory_space<vmem>>
      %dma_wait3A_189 = tpu.memref_squeeze %dma_wait3A_188 : memref<1x128xi32, #tpu.memory_space<vmem>> -> memref<128xi32, #tpu.memory_space<vmem>>
      %dma_wait3A_190 = arith.constant 0 : i32
      %dma_wait3A_191 = arith.constant 0 : i32
      %dma_wait3A_192 = tpu.memref_slice %arg3[%dma_wait3A_190, %dma_wait3A_191] : memref<1000000x32xf32, #tpu.memory_space<hbm>> -> memref<1000000x32xf32, #tpu.memory_space<hbm>>
      %dma_wait3A_193 = tpu.memref_slice %arg12[%dma_wait3A_183] : memref<2x!tpu.dma_semaphore, #tpu.memory_space<semaphore_mem>> -> memref<1x!tpu.dma_semaphore, #tpu.memory_space<semaphore_mem>>
      %dma_wait3A_194 = tpu.memref_squeeze %dma_wait3A_193 : memref<1x!tpu.dma_semaphore, #tpu.memory_space<semaphore_mem>> -> memref<!tpu.dma_semaphore, #tpu.memory_space<semaphore_mem>>
      tpu.wait_indirect_dma semaphore(%dma_wait3A_194 : memref<!tpu.dma_semaphore, #tpu.memory_space<semaphore_mem>>) src(%dma_wait3A_192 : memref<1000000x32xf32, #tpu.memory_space<hbm>>) dst(%dma_wait3A_186 : memref<128x32xf32, #tpu.memory_space<vmem>>)
      %mul3A_195 = arith.constant 4 : i32
      %mul3A_196 = arith.muli %mul3A_195, %add3A_142 : i32
      %add3A_197 = arith.constant 3 : i32
      %add3A_198 = arith.addi %mul3A_196, %add3A_197 : i32
      %dma_wait3A_199 = arith.constant 0 : i32
      %dma_wait3A_200 = arith.constant 384 : i32
      %dma_wait3A_201 = arith.constant 0 : i32
      %dma_wait3A_202 = tpu.memref_slice %arg8[%dma_wait3A_200, %dma_wait3A_201] : memref<512x32xf32, #tpu.memory_space<vmem>> -> memref<128x32xf32, #tpu.memory_space<vmem>>
      %dma_wait3A_203 = arith.constant 0 : i32
      %dma_wait3A_204 = tpu.memref_slice %arg6[%add3A_198, %dma_wait3A_203] : memref<200x128xi32, #tpu.memory_space<vmem>> -> memref<1x128xi32, #tpu.memory_space<vmem>>
      %dma_wait3A_205 = tpu.memref_squeeze %dma_wait3A_204 : memref<1x128xi32, #tpu.memory_space<vmem>> -> memref<128xi32, #tpu.memory_space<vmem>>
      %dma_wait3A_206 = arith.constant 0 : i32
      %dma_wait3A_207 = arith.constant 0 : i32
      %dma_wait3A_208 = tpu.memref_slice %arg3[%dma_wait3A_206, %dma_wait3A_207] : memref<1000000x32xf32, #tpu.memory_space<hbm>> -> memref<1000000x32xf32, #tpu.memory_space<hbm>>
      %dma_wait3A_209 = tpu.memref_slice %arg12[%dma_wait3A_199] : memref<2x!tpu.dma_semaphore, #tpu.memory_space<semaphore_mem>> -> memref<1x!tpu.dma_semaphore, #tpu.memory_space<semaphore_mem>>
      %dma_wait3A_210 = tpu.memref_squeeze %dma_wait3A_209 : memref<1x!tpu.dma_semaphore, #tpu.memory_space<semaphore_mem>> -> memref<!tpu.dma_semaphore, #tpu.memory_space<semaphore_mem>>
      tpu.wait_indirect_dma semaphore(%dma_wait3A_210 : memref<!tpu.dma_semaphore, #tpu.memory_space<semaphore_mem>>) src(%dma_wait3A_208 : memref<1000000x32xf32, #tpu.memory_space<hbm>>) dst(%dma_wait3A_202 : memref<128x32xf32, #tpu.memory_space<vmem>>)
      %ge3A = arith.constant 2 : i32
      %ge3A_211 = arith.cmpi sge, %add3A_142, %ge3A : i32
      %convert_element_type3A_212 = arith.extui %ge3A_211 : i1 to i32
      %cond3A_213 = arith.constant 0 : i32
      %cond3A_214 = arith.cmpi ne, %convert_element_type3A_212, %cond3A_213 : i32
      scf.if %cond3A_214 {
        %sub3A_454 = arith.constant 2 : i32
        %sub3A_455 = arith.subi %add3A_142, %sub3A_454 : i32
        %mul3A_456 = arith.constant 50 : i32
        %mul3A_457 = arith.muli %add3A, %mul3A_456 : i32
        %add3A_458 = arith.addi %mul3A_457, %sub3A_455 : i32
        %jit3A_459 = arith.constant 8 : i32
        %div3A_460 = arith.divsi %add3A_458, %jit3A_459 : i32
        %sign3A_461 = arith.constant 0 : i32
        %sign3A_462 = arith.cmpi sgt, %add3A_458, %sign3A_461 : i32
        %sign3A_463 = arith.extui %sign3A_462 : i1 to i32
        %sign3A_464 = arith.constant 0 : i32
        %sign3A_465 = arith.cmpi slt, %add3A_458, %sign3A_464 : i32
        %sign3A_466 = arith.extui %sign3A_465 : i1 to i32
        %sign3A_467 = arith.subi %sign3A_463, %sign3A_466 : i32
        %sign3A_468 = arith.constant 0 : i32
        %sign3A_469 = arith.cmpi sgt, %jit3A_459, %sign3A_468 : i32
        %sign3A_470 = arith.extui %sign3A_469 : i1 to i32
        %sign3A_471 = arith.constant 0 : i32
        %sign3A_472 = arith.cmpi slt, %jit3A_459, %sign3A_471 : i32
        %sign3A_473 = arith.extui %sign3A_472 : i1 to i32
        %sign3A_474 = arith.subi %sign3A_470, %sign3A_473 : i32
        %ne3A_475 = arith.cmpi ne, %sign3A_467, %sign3A_474 : i32
        %rem3A_476 = arith.remsi %add3A_458, %jit3A_459 : i32
        %ne3A_477 = arith.constant 0 : i32
        %ne3A_478 = arith.cmpi ne, %rem3A_476, %ne3A_477 : i32
        %and3A_479 = arith.andi %ne3A_475, %ne3A_478 : i1
        %sub3A_480 = arith.constant 1 : i32
        %sub3A_481 = arith.subi %div3A_460, %sub3A_480 : i32
        %select_n3A_482 = arith.select %and3A_479, %sub3A_481, %div3A_460 : i32
        %rem3A_483 = arith.constant 8 : i32
        %rem3A_484 = arith.remsi %add3A_458, %rem3A_483 : i32
        %mul3A_485 = arith.constant 4 : i32
        %mul3A_486 = arith.muli %rem3A_484, %mul3A_485 : i32
        %dma_wait3A_487 = arith.constant 0 : i32
        %dma_wait3A_488 = arith.constant 0 : i32
        %dma_wait3A_489 = arith.constant 0 : i32
        %dma_wait3A_490 = arith.constant 0 : i32
        %dma_wait3A_491 = tpu.memref_slice %arg5[%select_n3A_482, %dma_wait3A_488, %mul3A_486, %dma_wait3A_489, %dma_wait3A_490] : memref<200x4x32x8x128xf32, #tpu.memory_space<hbm>> -> memref<1x4x4x8x128xf32, #tpu.memory_space<hbm>>
        %dma_wait3A_492 = tpu.memref_squeeze %dma_wait3A_491 : memref<1x4x4x8x128xf32, #tpu.memory_space<hbm>> -> memref<4x4x8x128xf32, #tpu.memory_space<hbm>>
        %dma_wait3A_493 = tpu.memref_slice %arg13[%dma_wait3A_487] : memref<2x!tpu.dma_semaphore, #tpu.memory_space<semaphore_mem>> -> memref<1x!tpu.dma_semaphore, #tpu.memory_space<semaphore_mem>>
        %dma_wait3A_494 = tpu.memref_squeeze %dma_wait3A_493 : memref<1x!tpu.dma_semaphore, #tpu.memory_space<semaphore_mem>> -> memref<!tpu.dma_semaphore, #tpu.memory_space<semaphore_mem>>
        %dma_wait3A_495 = arith.constant 0 : i32
        %dma_wait3A_496 = arith.constant 0 : i32
        %dma_wait3A_497 = arith.constant 0 : i32
        %dma_wait3A_498 = tpu.memref_slice %arg5[%select_n3A_482, %dma_wait3A_495, %mul3A_486, %dma_wait3A_496, %dma_wait3A_497] : memref<200x4x32x8x128xf32, #tpu.memory_space<hbm>> -> memref<1x4x4x8x128xf32, #tpu.memory_space<hbm>>
        %dma_wait3A_499 = tpu.memref_squeeze %dma_wait3A_498 : memref<1x4x4x8x128xf32, #tpu.memory_space<hbm>> -> memref<4x4x8x128xf32, #tpu.memory_space<hbm>>
        tpu.wait_dma2 semaphore(%dma_wait3A_494 : memref<!tpu.dma_semaphore, #tpu.memory_space<semaphore_mem>>) src(%arg10 : memref<4x4x8x128xf32, #tpu.memory_space<vmem>>) dst(%dma_wait3A_499 : memref<4x4x8x128xf32, #tpu.memory_space<hbm>>)
      } else {
      }
      %mul3A_215 = arith.constant 50 : i32
      %mul3A_216 = arith.muli %add3A, %mul3A_215 : i32
      %add3A_217 = arith.addi %mul3A_216, %add3A_142 : i32
      %jit3A_218 = arith.constant 8 : i32
      %div3A_219 = arith.divsi %add3A_217, %jit3A_218 : i32
      %sign3A_220 = arith.constant 0 : i32
      %sign3A_221 = arith.cmpi sgt, %add3A_217, %sign3A_220 : i32
      %sign3A_222 = arith.extui %sign3A_221 : i1 to i32
      %sign3A_223 = arith.constant 0 : i32
      %sign3A_224 = arith.cmpi slt, %add3A_217, %sign3A_223 : i32
      %sign3A_225 = arith.extui %sign3A_224 : i1 to i32
      %sign3A_226 = arith.subi %sign3A_222, %sign3A_225 : i32
      %sign3A_227 = arith.constant 0 : i32
      %sign3A_228 = arith.cmpi sgt, %jit3A_218, %sign3A_227 : i32
      %sign3A_229 = arith.extui %sign3A_228 : i1 to i32
      %sign3A_230 = arith.constant 0 : i32
      %sign3A_231 = arith.cmpi slt, %jit3A_218, %sign3A_230 : i32
      %sign3A_232 = arith.extui %sign3A_231 : i1 to i32
      %sign3A_233 = arith.subi %sign3A_229, %sign3A_232 : i32
      %ne3A_234 = arith.cmpi ne, %sign3A_226, %sign3A_233 : i32
      %rem3A_235 = arith.remsi %add3A_217, %jit3A_218 : i32
      %ne3A_236 = arith.constant 0 : i32
      %ne3A_237 = arith.cmpi ne, %rem3A_235, %ne3A_236 : i32
      %and3A_238 = arith.andi %ne3A_234, %ne3A_237 : i1
      %sub3A_239 = arith.constant 1 : i32
      %sub3A_240 = arith.subi %div3A_219, %sub3A_239 : i32
      %select_n3A_241 = arith.select %and3A_238, %sub3A_240, %div3A_219 : i32
      %rem3A_242 = arith.constant 8 : i32
      %rem3A_243 = arith.remsi %add3A_217, %rem3A_242 : i32
      %broadcast_in_dim3A = vector.broadcast %select_n3A_241 : i32 to vector<16xi32>
      %scan3A_244 = arith.constant 0 : i32
      %scan3A_245 = arith.constant 0 : i32
      %scan3A_246 = arith.constant 32 : i32
      %scan3A_247 = arith.addi %scan3A_245, %scan3A_246 : i32
      %scan3A_248 = arith.constant 1 : i32
      scf.for %scan3A_454 = %scan3A_245 to %scan3A_247 step %scan3A_248  : i32 {
        %jit3A_455 = arith.constant 16 : i32
        %div3A_456 = arith.divsi %scan3A_454, %jit3A_455 : i32
        %sign3A_457 = arith.constant 0 : i32
        %sign3A_458 = arith.cmpi sgt, %scan3A_454, %sign3A_457 : i32
        %sign3A_459 = arith.extui %sign3A_458 : i1 to i32
        %sign3A_460 = arith.constant 0 : i32
        %sign3A_461 = arith.cmpi slt, %scan3A_454, %sign3A_460 : i32
        %sign3A_462 = arith.extui %sign3A_461 : i1 to i32
        %sign3A_463 = arith.subi %sign3A_459, %sign3A_462 : i32
        %sign3A_464 = arith.constant 0 : i32
        %sign3A_465 = arith.cmpi sgt, %jit3A_455, %sign3A_464 : i32
        %sign3A_466 = arith.extui %sign3A_465 : i1 to i32
        %sign3A_467 = arith.constant 0 : i32
        %sign3A_468 = arith.cmpi slt, %jit3A_455, %sign3A_467 : i32
        %sign3A_469 = arith.extui %sign3A_468 : i1 to i32
        %sign3A_470 = arith.subi %sign3A_466, %sign3A_469 : i32
        %ne3A_471 = arith.cmpi ne, %sign3A_463, %sign3A_470 : i32
        %rem3A_472 = arith.remsi %scan3A_454, %jit3A_455 : i32
        %ne3A_473 = arith.constant 0 : i32
        %ne3A_474 = arith.cmpi ne, %rem3A_472, %ne3A_473 : i32
        %and3A_475 = arith.andi %ne3A_471, %ne3A_474 : i1
        %sub3A_476 = arith.constant 1 : i32
        %sub3A_477 = arith.subi %div3A_456, %sub3A_476 : i32
        %select_n3A_478 = arith.select %and3A_475, %sub3A_477, %div3A_456 : i32
        %mul3A_479 = arith.constant 16 : i32
        %mul3A_480 = arith.muli %select_n3A_478, %mul3A_479 : i32
        %rem3A_481 = arith.constant 16 : i32
        %rem3A_482 = arith.remsi %scan3A_454, %rem3A_481 : i32
        %add3A_483 = vector.broadcast %rem3A_482 : i32 to vector<16xi32>
        %add3A_484 = arith.addi %add3A_483, %iota3A : vector<16xi32>
        %and3A_485 = arith.constant 15 : i32
        %and3A_486 = vector.broadcast %and3A_485 : i32 to vector<16xi32>
        %and3A_487 = arith.andi %add3A_484, %and3A_486 : vector<16xi32>
        %add3A_488 = vector.broadcast %mul3A_480 : i32 to vector<16xi32>
        %add3A_489 = arith.addi %and3A_487, %add3A_488 : vector<16xi32>
        %shift_right_logical3A = arith.constant 3 : i32
        %shift_right_logical3A_490 = vector.broadcast %shift_right_logical3A : i32 to vector<16xi32>
        %shift_right_logical3A_491 = arith.shrui %add3A_489, %shift_right_logical3A_490 : vector<16xi32>
        %and3A_492 = arith.constant 7 : i32
        %and3A_493 = vector.broadcast %and3A_492 : i32 to vector<16xi32>
        %and3A_494 = arith.andi %add3A_489, %and3A_493 : vector<16xi32>
        %gather3A = tpu.vector_load_idx %arg7[%add3A_489, %broadcast_in_dim3A] : memref<32x257xf32, #tpu.memory_space<vmem>>[vector<16xi32>, vector<16xi32>], vector<16xf32>,
        %broadcast_in_dim3A_495 = arith.constant 0 : i32
        %broadcast_in_dim3A_496 = vector.broadcast %broadcast_in_dim3A_495 : i32 to vector<16xi32>
        %add3A_497 = arith.constant 0 : i32
        %add3A_498 = vector.broadcast %add3A_497 : i32 to vector<16xi32>
        %add3A_499 = arith.addi %iota3A, %add3A_498 : vector<16xi32>
        %gather3A_500 = tpu.vector_load_idx %arg8[%add3A_499, %add3A_489] : memref<512x32xf32, #tpu.memory_space<vmem>>[vector<16xi32>, vector<16xi32>], vector<16xf32>,
        %add3A_501 = arith.constant 0 : i32
        %add3A_502 = vector.broadcast %add3A_501 : i32 to vector<16xi32>
        %add3A_503 = arith.addi %iota3A, %add3A_502 : vector<16xi32>
        %add3A_504 = arith.addf %gather3A_500, %gather3A : vector<16xf32>
        tpu.vector_store_idx %arg10[%shift_right_logical3A_491, %broadcast_in_dim3A_496, %and3A_494, %add3A_503], %add3A_504 : memref<4x4x8x128xf32, #tpu.memory_space<vmem>>[vector<16xi32>, vector<16xi32>, vector<16xi32>, vector<16xi32>], vector<16xf32>,
        %add3A_505 = arith.constant 16 : i32
        %add3A_506 = vector.broadcast %add3A_505 : i32 to vector<16xi32>
        %add3A_507 = arith.addi %iota3A, %add3A_506 : vector<16xi32>
        %gather3A_508 = tpu.vector_load_idx %arg8[%add3A_507, %add3A_489] : memref<512x32xf32, #tpu.memory_space<vmem>>[vector<16xi32>, vector<16xi32>], vector<16xf32>,
        %add3A_509 = arith.constant 16 : i32
        %add3A_510 = vector.broadcast %add3A_509 : i32 to vector<16xi32>
        %add3A_511 = arith.addi %iota3A, %add3A_510 : vector<16xi32>
        %add3A_512 = arith.addf %gather3A_508, %gather3A : vector<16xf32>
        tpu.vector_store_idx %arg10[%shift_right_logical3A_491, %broadcast_in_dim3A_496, %and3A_494, %add3A_511], %add3A_512 : memref<4x4x8x128xf32, #tpu.memory_space<vmem>>[vector<16xi32>, vector<16xi32>, vector<16xi32>, vector<16xi32>], vector<16xf32>,
        %add3A_513 = arith.constant 32 : i32
        %add3A_514 = vector.broadcast %add3A_513 : i32 to vector<16xi32>
        %add3A_515 = arith.addi %iota3A, %add3A_514 : vector<16xi32>
        %gather3A_516 = tpu.vector_load_idx %arg8[%add3A_515, %add3A_489] : memref<512x32xf32, #tpu.memory_space<vmem>>[vector<16xi32>, vector<16xi32>], vector<16xf32>,
        %add3A_517 = arith.constant 32 : i32
        %add3A_518 = vector.broadcast %add3A_517 : i32 to vector<16xi32>
        %add3A_519 = arith.addi %iota3A, %add3A_518 : vector<16xi32>
        %add3A_520 = arith.addf %gather3A_516, %gather3A : vector<16xf32>
        tpu.vector_store_idx %arg10[%shift_right_logical3A_491, %broadcast_in_dim3A_496, %and3A_494, %add3A_519], %add3A_520 : memref<4x4x8x128xf32, #tpu.memory_space<vmem>>[vector<16xi32>, vector<16xi32>, vector<16xi32>, vector<16xi32>], vector<16xf32>,
        %add3A_521 = arith.constant 48 : i32
        %add3A_522 = vector.broadcast %add3A_521 : i32 to vector<16xi32>
        %add3A_523 = arith.addi %iota3A, %add3A_522 : vector<16xi32>
        %gather3A_524 = tpu.vector_load_idx %arg8[%add3A_523, %add3A_489] : memref<512x32xf32, #tpu.memory_space<vmem>>[vector<16xi32>, vector<16xi32>], vector<16xf32>,
        %add3A_525 = arith.constant 48 : i32
        %add3A_526 = vector.broadcast %add3A_525 : i32 to vector<16xi32>
        %add3A_527 = arith.addi %iota3A, %add3A_526 : vector<16xi32>
        %add3A_528 = arith.addf %gather3A_524, %gather3A : vector<16xf32>
        tpu.vector_store_idx %arg10[%shift_right_logical3A_491, %broadcast_in_dim3A_496, %and3A_494, %add3A_527], %add3A_528 : memref<4x4x8x128xf32, #tpu.memory_space<vmem>>[vector<16xi32>, vector<16xi32>, vector<16xi32>, vector<16xi32>], vector<16xf32>,
        %add3A_529 = arith.constant 64 : i32
        %add3A_530 = vector.broadcast %add3A_529 : i32 to vector<16xi32>
        %add3A_531 = arith.addi %iota3A, %add3A_530 : vector<16xi32>
        %gather3A_532 = tpu.vector_load_idx %arg8[%add3A_531, %add3A_489] : memref<512x32xf32, #tpu.memory_space<vmem>>[vector<16xi32>, vector<16xi32>], vector<16xf32>,
        %add3A_533 = arith.constant 64 : i32
        %add3A_534 = vector.broadcast %add3A_533 : i32 to vector<16xi32>
        %add3A_535 = arith.addi %iota3A, %add3A_534 : vector<16xi32>
        %add3A_536 = arith.addf %gather3A_532, %gather3A : vector<16xf32>
        tpu.vector_store_idx %arg10[%shift_right_logical3A_491, %broadcast_in_dim3A_496, %and3A_494, %add3A_535], %add3A_536 : memref<4x4x8x128xf32, #tpu.memory_space<vmem>>[vector<16xi32>, vector<16xi32>, vector<16xi32>, vector<16xi32>], vector<16xf32>,
        %add3A_537 = arith.constant 80 : i32
        %add3A_538 = vector.broadcast %add3A_537 : i32 to vector<16xi32>
        %add3A_539 = arith.addi %iota3A, %add3A_538 : vector<16xi32>
        %gather3A_540 = tpu.vector_load_idx %arg8[%add3A_539, %add3A_489] : memref<512x32xf32, #tpu.memory_space<vmem>>[vector<16xi32>, vector<16xi32>], vector<16xf32>,
        %add3A_541 = arith.constant 80 : i32
        %add3A_542 = vector.broadcast %add3A_541 : i32 to vector<16xi32>
        %add3A_543 = arith.addi %iota3A, %add3A_542 : vector<16xi32>
        %add3A_544 = arith.addf %gather3A_540, %gather3A : vector<16xf32>
        tpu.vector_store_idx %arg10[%shift_right_logical3A_491, %broadcast_in_dim3A_496, %and3A_494, %add3A_543], %add3A_544 : memref<4x4x8x128xf32, #tpu.memory_space<vmem>>[vector<16xi32>, vector<16xi32>, vector<16xi32>, vector<16xi32>], vector<16xf32>,
        %add3A_545 = arith.constant 96 : i32
        %add3A_546 = vector.broadcast %add3A_545 : i32 to vector<16xi32>
        %add3A_547 = arith.addi %iota3A, %add3A_546 : vector<16xi32>
        %gather3A_548 = tpu.vector_load_idx %arg8[%add3A_547, %add3A_489] : memref<512x32xf32, #tpu.memory_space<vmem>>[vector<16xi32>, vector<16xi32>], vector<16xf32>,
        %add3A_549 = arith.constant 96 : i32
        %add3A_550 = vector.broadcast %add3A_549 : i32 to vector<16xi32>
        %add3A_551 = arith.addi %iota3A, %add3A_550 : vector<16xi32>
        %add3A_552 = arith.addf %gather3A_548, %gather3A : vector<16xf32>
        tpu.vector_store_idx %arg10[%shift_right_logical3A_491, %broadcast_in_dim3A_496, %and3A_494, %add3A_551], %add3A_552 : memref<4x4x8x128xf32, #tpu.memory_space<vmem>>[vector<16xi32>, vector<16xi32>, vector<16xi32>, vector<16xi32>], vector<16xf32>,
        %add3A_553 = arith.constant 112 : i32
        %add3A_554 = vector.broadcast %add3A_553 : i32 to vector<16xi32>
        %add3A_555 = arith.addi %iota3A, %add3A_554 : vector<16xi32>
        %gather3A_556 = tpu.vector_load_idx %arg8[%add3A_555, %add3A_489] : memref<512x32xf32, #tpu.memory_space<vmem>>[vector<16xi32>, vector<16xi32>], vector<16xf32>,
        %add3A_557 = arith.constant 112 : i32
        %add3A_558 = vector.broadcast %add3A_557 : i32 to vector<16xi32>
        %add3A_559 = arith.addi %iota3A, %add3A_558 : vector<16xi32>
        %add3A_560 = arith.addf %gather3A_556, %gather3A : vector<16xf32>
        tpu.vector_store_idx %arg10[%shift_right_logical3A_491, %broadcast_in_dim3A_496, %and3A_494, %add3A_559], %add3A_560 : memref<4x4x8x128xf32, #tpu.memory_space<vmem>>[vector<16xi32>, vector<16xi32>, vector<16xi32>, vector<16xi32>], vector<16xf32>,
        %broadcast_in_dim3A_561 = arith.constant 1 : i32
        %broadcast_in_dim3A_562 = vector.broadcast %broadcast_in_dim3A_561 : i32 to vector<16xi32>
        %add3A_563 = arith.constant 128 : i32
        %add3A_564 = vector.broadcast %add3A_563 : i32 to vector<16xi32>
        %add3A_565 = arith.addi %iota3A, %add3A_564 : vector<16xi32>
        %gather3A_566 = tpu.vector_load_idx %arg8[%add3A_565, %add3A_489] : memref<512x32xf32, #tpu.memory_space<vmem>>[vector<16xi32>, vector<16xi32>], vector<16xf32>,
        %add3A_567 = arith.constant 0 : i32
        %add3A_568 = vector.broadcast %add3A_567 : i32 to vector<16xi32>
        %add3A_569 = arith.addi %iota3A, %add3A_568 : vector<16xi32>
        %add3A_570 = arith.addf %gather3A_566, %gather3A : vector<16xf32>
        tpu.vector_store_idx %arg10[%shift_right_logical3A_491, %broadcast_in_dim3A_562, %and3A_494, %add3A_569], %add3A_570 : memref<4x4x8x128xf32, #tpu.memory_space<vmem>>[vector<16xi32>, vector<16xi32>, vector<16xi32>, vector<16xi32>], vector<16xf32>,
        %add3A_571 = arith.constant 144 : i32
        %add3A_572 = vector.broadcast %add3A_571 : i32 to vector<16xi32>
        %add3A_573 = arith.addi %iota3A, %add3A_572 : vector<16xi32>
        %gather3A_574 = tpu.vector_load_idx %arg8[%add3A_573, %add3A_489] : memref<512x32xf32, #tpu.memory_space<vmem>>[vector<16xi32>, vector<16xi32>], vector<16xf32>,
        %add3A_575 = arith.constant 16 : i32
        %add3A_576 = vector.broadcast %add3A_575 : i32 to vector<16xi32>
        %add3A_577 = arith.addi %iota3A, %add3A_576 : vector<16xi32>
        %add3A_578 = arith.addf %gather3A_574, %gather3A : vector<16xf32>
        tpu.vector_store_idx %arg10[%shift_right_logical3A_491, %broadcast_in_dim3A_562, %and3A_494, %add3A_577], %add3A_578 : memref<4x4x8x128xf32, #tpu.memory_space<vmem>>[vector<16xi32>, vector<16xi32>, vector<16xi32>, vector<16xi32>], vector<16xf32>,
        %add3A_579 = arith.constant 160 : i32
        %add3A_580 = vector.broadcast %add3A_579 : i32 to vector<16xi32>
        %add3A_581 = arith.addi %iota3A, %add3A_580 : vector<16xi32>
        %gather3A_582 = tpu.vector_load_idx %arg8[%add3A_581, %add3A_489] : memref<512x32xf32, #tpu.memory_space<vmem>>[vector<16xi32>, vector<16xi32>], vector<16xf32>,
        %add3A_583 = arith.constant 32 : i32
        %add3A_584 = vector.broadcast %add3A_583 : i32 to vector<16xi32>
        %add3A_585 = arith.addi %iota3A, %add3A_584 : vector<16xi32>
        %add3A_586 = arith.addf %gather3A_582, %gather3A : vector<16xf32>
        tpu.vector_store_idx %arg10[%shift_right_logical3A_491, %broadcast_in_dim3A_562, %and3A_494, %add3A_585], %add3A_586 : memref<4x4x8x128xf32, #tpu.memory_space<vmem>>[vector<16xi32>, vector<16xi32>, vector<16xi32>, vector<16xi32>], vector<16xf32>,
        %add3A_587 = arith.constant 176 : i32
        %add3A_588 = vector.broadcast %add3A_587 : i32 to vector<16xi32>
        %add3A_589 = arith.addi %iota3A, %add3A_588 : vector<16xi32>
        %gather3A_590 = tpu.vector_load_idx %arg8[%add3A_589, %add3A_489] : memref<512x32xf32, #tpu.memory_space<vmem>>[vector<16xi32>, vector<16xi32>], vector<16xf32>,
        %add3A_591 = arith.constant 48 : i32
        %add3A_592 = vector.broadcast %add3A_591 : i32 to vector<16xi32>
        %add3A_593 = arith.addi %iota3A, %add3A_592 : vector<16xi32>
        %add3A_594 = arith.addf %gather3A_590, %gather3A : vector<16xf32>
        tpu.vector_store_idx %arg10[%shift_right_logical3A_491, %broadcast_in_dim3A_562, %and3A_494, %add3A_593], %add3A_594 : memref<4x4x8x128xf32, #tpu.memory_space<vmem>>[vector<16xi32>, vector<16xi32>, vector<16xi32>, vector<16xi32>], vector<16xf32>,
        %add3A_595 = arith.constant 192 : i32
        %add3A_596 = vector.broadcast %add3A_595 : i32 to vector<16xi32>
        %add3A_597 = arith.addi %iota3A, %add3A_596 : vector<16xi32>
        %gather3A_598 = tpu.vector_load_idx %arg8[%add3A_597, %add3A_489] : memref<512x32xf32, #tpu.memory_space<vmem>>[vector<16xi32>, vector<16xi32>], vector<16xf32>,
        %add3A_599 = arith.constant 64 : i32
        %add3A_600 = vector.broadcast %add3A_599 : i32 to vector<16xi32>
        %add3A_601 = arith.addi %iota3A, %add3A_600 : vector<16xi32>
        %add3A_602 = arith.addf %gather3A_598, %gather3A : vector<16xf32>
        tpu.vector_store_idx %arg10[%shift_right_logical3A_491, %broadcast_in_dim3A_562, %and3A_494, %add3A_601], %add3A_602 : memref<4x4x8x128xf32, #tpu.memory_space<vmem>>[vector<16xi32>, vector<16xi32>, vector<16xi32>, vector<16xi32>], vector<16xf32>,
        %add3A_603 = arith.constant 208 : i32
        %add3A_604 = vector.broadcast %add3A_603 : i32 to vector<16xi32>
        %add3A_605 = arith.addi %iota3A, %add3A_604 : vector<16xi32>
        %gather3A_606 = tpu.vector_load_idx %arg8[%add3A_605, %add3A_489] : memref<512x32xf32, #tpu.memory_space<vmem>>[vector<16xi32>, vector<16xi32>], vector<16xf32>,
        %add3A_607 = arith.constant 80 : i32
        %add3A_608 = vector.broadcast %add3A_607 : i32 to vector<16xi32>
        %add3A_609 = arith.addi %iota3A, %add3A_608 : vector<16xi32>
        %add3A_610 = arith.addf %gather3A_606, %gather3A : vector<16xf32>
        tpu.vector_store_idx %arg10[%shift_right_logical3A_491, %broadcast_in_dim3A_562, %and3A_494, %add3A_609], %add3A_610 : memref<4x4x8x128xf32, #tpu.memory_space<vmem>>[vector<16xi32>, vector<16xi32>, vector<16xi32>, vector<16xi32>], vector<16xf32>,
        %add3A_611 = arith.constant 224 : i32
        %add3A_612 = vector.broadcast %add3A_611 : i32 to vector<16xi32>
        %add3A_613 = arith.addi %iota3A, %add3A_612 : vector<16xi32>
        %gather3A_614 = tpu.vector_load_idx %arg8[%add3A_613, %add3A_489] : memref<512x32xf32, #tpu.memory_space<vmem>>[vector<16xi32>, vector<16xi32>], vector<16xf32>,
        %add3A_615 = arith.constant 96 : i32
        %add3A_616 = vector.broadcast %add3A_615 : i32 to vector<16xi32>
        %add3A_617 = arith.addi %iota3A, %add3A_616 : vector<16xi32>
        %add3A_618 = arith.addf %gather3A_614, %gather3A : vector<16xf32>
        tpu.vector_store_idx %arg10[%shift_right_logical3A_491, %broadcast_in_dim3A_562, %and3A_494, %add3A_617], %add3A_618 : memref<4x4x8x128xf32, #tpu.memory_space<vmem>>[vector<16xi32>, vector<16xi32>, vector<16xi32>, vector<16xi32>], vector<16xf32>,
        %add3A_619 = arith.constant 240 : i32
        %add3A_620 = vector.broadcast %add3A_619 : i32 to vector<16xi32>
        %add3A_621 = arith.addi %iota3A, %add3A_620 : vector<16xi32>
        %gather3A_622 = tpu.vector_load_idx %arg8[%add3A_621, %add3A_489] : memref<512x32xf32, #tpu.memory_space<vmem>>[vector<16xi32>, vector<16xi32>], vector<16xf32>,
        %add3A_623 = arith.constant 112 : i32
        %add3A_624 = vector.broadcast %add3A_623 : i32 to vector<16xi32>
        %add3A_625 = arith.addi %iota3A, %add3A_624 : vector<16xi32>
        %add3A_626 = arith.addf %gather3A_622, %gather3A : vector<16xf32>
        tpu.vector_store_idx %arg10[%shift_right_logical3A_491, %broadcast_in_dim3A_562, %and3A_494, %add3A_625], %add3A_626 : memref<4x4x8x128xf32, #tpu.memory_space<vmem>>[vector<16xi32>, vector<16xi32>, vector<16xi32>, vector<16xi32>], vector<16xf32>,
        %broadcast_in_dim3A_627 = arith.constant 2 : i32
        %broadcast_in_dim3A_628 = vector.broadcast %broadcast_in_dim3A_627 : i32 to vector<16xi32>
        %add3A_629 = arith.constant 256 : i32
        %add3A_630 = vector.broadcast %add3A_629 : i32 to vector<16xi32>
        %add3A_631 = arith.addi %iota3A, %add3A_630 : vector<16xi32>
        %gather3A_632 = tpu.vector_load_idx %arg8[%add3A_631, %add3A_489] : memref<512x32xf32, #tpu.memory_space<vmem>>[vector<16xi32>, vector<16xi32>], vector<16xf32>,
        %add3A_633 = arith.constant 0 : i32
        %add3A_634 = vector.broadcast %add3A_633 : i32 to vector<16xi32>
        %add3A_635 = arith.addi %iota3A, %add3A_634 : vector<16xi32>
        %add3A_636 = arith.addf %gather3A_632, %gather3A : vector<16xf32>
        tpu.vector_store_idx %arg10[%shift_right_logical3A_491, %broadcast_in_dim3A_628, %and3A_494, %add3A_635], %add3A_636 : memref<4x4x8x128xf32, #tpu.memory_space<vmem>>[vector<16xi32>, vector<16xi32>, vector<16xi32>, vector<16xi32>], vector<16xf32>,
        %add3A_637 = arith.constant 272 : i32
        %add3A_638 = vector.broadcast %add3A_637 : i32 to vector<16xi32>
        %add3A_639 = arith.addi %iota3A, %add3A_638 : vector<16xi32>
        %gather3A_640 = tpu.vector_load_idx %arg8[%add3A_639, %add3A_489] : memref<512x32xf32, #tpu.memory_space<vmem>>[vector<16xi32>, vector<16xi32>], vector<16xf32>,
        %add3A_641 = arith.constant 16 : i32
        %add3A_642 = vector.broadcast %add3A_641 : i32 to vector<16xi32>
        %add3A_643 = arith.addi %iota3A, %add3A_642 : vector<16xi32>
        %add3A_644 = arith.addf %gather3A_640, %gather3A : vector<16xf32>
        tpu.vector_store_idx %arg10[%shift_right_logical3A_491, %broadcast_in_dim3A_628, %and3A_494, %add3A_643], %add3A_644 : memref<4x4x8x128xf32, #tpu.memory_space<vmem>>[vector<16xi32>, vector<16xi32>, vector<16xi32>, vector<16xi32>], vector<16xf32>,
        %add3A_645 = arith.constant 288 : i32
        %add3A_646 = vector.broadcast %add3A_645 : i32 to vector<16xi32>
        %add3A_647 = arith.addi %iota3A, %add3A_646 : vector<16xi32>
        %gather3A_648 = tpu.vector_load_idx %arg8[%add3A_647, %add3A_489] : memref<512x32xf32, #tpu.memory_space<vmem>>[vector<16xi32>, vector<16xi32>], vector<16xf32>,
        %add3A_649 = arith.constant 32 : i32
        %add3A_650 = vector.broadcast %add3A_649 : i32 to vector<16xi32>
        %add3A_651 = arith.addi %iota3A, %add3A_650 : vector<16xi32>
        %add3A_652 = arith.addf %gather3A_648, %gather3A : vector<16xf32>
        tpu.vector_store_idx %arg10[%shift_right_logical3A_491, %broadcast_in_dim3A_628, %and3A_494, %add3A_651], %add3A_652 : memref<4x4x8x128xf32, #tpu.memory_space<vmem>>[vector<16xi32>, vector<16xi32>, vector<16xi32>, vector<16xi32>], vector<16xf32>,
        %add3A_653 = arith.constant 304 : i32
        %add3A_654 = vector.broadcast %add3A_653 : i32 to vector<16xi32>
        %add3A_655 = arith.addi %iota3A, %add3A_654 : vector<16xi32>
        %gather3A_656 = tpu.vector_load_idx %arg8[%add3A_655, %add3A_489] : memref<512x32xf32, #tpu.memory_space<vmem>>[vector<16xi32>, vector<16xi32>], vector<16xf32>,
        %add3A_657 = arith.constant 48 : i32
        %add3A_658 = vector.broadcast %add3A_657 : i32 to vector<16xi32>
        %add3A_659 = arith.addi %iota3A, %add3A_658 : vector<16xi32>
        %add3A_660 = arith.addf %gather3A_656, %gather3A : vector<16xf32>
        tpu.vector_store_idx %arg10[%shift_right_logical3A_491, %broadcast_in_dim3A_628, %and3A_494, %add3A_659], %add3A_660 : memref<4x4x8x128xf32, #tpu.memory_space<vmem>>[vector<16xi32>, vector<16xi32>, vector<16xi32>, vector<16xi32>], vector<16xf32>,
        %add3A_661 = arith.constant 320 : i32
        %add3A_662 = vector.broadcast %add3A_661 : i32 to vector<16xi32>
        %add3A_663 = arith.addi %iota3A, %add3A_662 : vector<16xi32>
        %gather3A_664 = tpu.vector_load_idx %arg8[%add3A_663, %add3A_489] : memref<512x32xf32, #tpu.memory_space<vmem>>[vector<16xi32>, vector<16xi32>], vector<16xf32>,
        %add3A_665 = arith.constant 64 : i32
        %add3A_666 = vector.broadcast %add3A_665 : i32 to vector<16xi32>
        %add3A_667 = arith.addi %iota3A, %add3A_666 : vector<16xi32>
        %add3A_668 = arith.addf %gather3A_664, %gather3A : vector<16xf32>
        tpu.vector_store_idx %arg10[%shift_right_logical3A_491, %broadcast_in_dim3A_628, %and3A_494, %add3A_667], %add3A_668 : memref<4x4x8x128xf32, #tpu.memory_space<vmem>>[vector<16xi32>, vector<16xi32>, vector<16xi32>, vector<16xi32>], vector<16xf32>,
        %add3A_669 = arith.constant 336 : i32
        %add3A_670 = vector.broadcast %add3A_669 : i32 to vector<16xi32>
        %add3A_671 = arith.addi %iota3A, %add3A_670 : vector<16xi32>
        %gather3A_672 = tpu.vector_load_idx %arg8[%add3A_671, %add3A_489] : memref<512x32xf32, #tpu.memory_space<vmem>>[vector<16xi32>, vector<16xi32>], vector<16xf32>,
        %add3A_673 = arith.constant 80 : i32
        %add3A_674 = vector.broadcast %add3A_673 : i32 to vector<16xi32>
        %add3A_675 = arith.addi %iota3A, %add3A_674 : vector<16xi32>
        %add3A_676 = arith.addf %gather3A_672, %gather3A : vector<16xf32>
        tpu.vector_store_idx %arg10[%shift_right_logical3A_491, %broadcast_in_dim3A_628, %and3A_494, %add3A_675], %add3A_676 : memref<4x4x8x128xf32, #tpu.memory_space<vmem>>[vector<16xi32>, vector<16xi32>, vector<16xi32>, vector<16xi32>], vector<16xf32>,
        %add3A_677 = arith.constant 352 : i32
        %add3A_678 = vector.broadcast %add3A_677 : i32 to vector<16xi32>
        %add3A_679 = arith.addi %iota3A, %add3A_678 : vector<16xi32>
        %gather3A_680 = tpu.vector_load_idx %arg8[%add3A_679, %add3A_489] : memref<512x32xf32, #tpu.memory_space<vmem>>[vector<16xi32>, vector<16xi32>], vector<16xf32>,
        %add3A_681 = arith.constant 96 : i32
        %add3A_682 = vector.broadcast %add3A_681 : i32 to vector<16xi32>
        %add3A_683 = arith.addi %iota3A, %add3A_682 : vector<16xi32>
        %add3A_684 = arith.addf %gather3A_680, %gather3A : vector<16xf32>
        tpu.vector_store_idx %arg10[%shift_right_logical3A_491, %broadcast_in_dim3A_628, %and3A_494, %add3A_683], %add3A_684 : memref<4x4x8x128xf32, #tpu.memory_space<vmem>>[vector<16xi32>, vector<16xi32>, vector<16xi32>, vector<16xi32>], vector<16xf32>,
        %add3A_685 = arith.constant 368 : i32
        %add3A_686 = vector.broadcast %add3A_685 : i32 to vector<16xi32>
        %add3A_687 = arith.addi %iota3A, %add3A_686 : vector<16xi32>
        %gather3A_688 = tpu.vector_load_idx %arg8[%add3A_687, %add3A_489] : memref<512x32xf32, #tpu.memory_space<vmem>>[vector<16xi32>, vector<16xi32>], vector<16xf32>,
        %add3A_689 = arith.constant 112 : i32
        %add3A_690 = vector.broadcast %add3A_689 : i32 to vector<16xi32>
        %add3A_691 = arith.addi %iota3A, %add3A_690 : vector<16xi32>
        %add3A_692 = arith.addf %gather3A_688, %gather3A : vector<16xf32>
        tpu.vector_store_idx %arg10[%shift_right_logical3A_491, %broadcast_in_dim3A_628, %and3A_494, %add3A_691], %add3A_692 : memref<4x4x8x128xf32, #tpu.memory_space<vmem>>[vector<16xi32>, vector<16xi32>, vector<16xi32>, vector<16xi32>], vector<16xf32>,
        %broadcast_in_dim3A_693 = arith.constant 3 : i32
        %broadcast_in_dim3A_694 = vector.broadcast %broadcast_in_dim3A_693 : i32 to vector<16xi32>
        %add3A_695 = arith.constant 384 : i32
        %add3A_696 = vector.broadcast %add3A_695 : i32 to vector<16xi32>
        %add3A_697 = arith.addi %iota3A, %add3A_696 : vector<16xi32>
        %gather3A_698 = tpu.vector_load_idx %arg8[%add3A_697, %add3A_489] : memref<512x32xf32, #tpu.memory_space<vmem>>[vector<16xi32>, vector<16xi32>], vector<16xf32>,
        %add3A_699 = arith.constant 0 : i32
        %add3A_700 = vector.broadcast %add3A_699 : i32 to vector<16xi32>
        %add3A_701 = arith.addi %iota3A, %add3A_700 : vector<16xi32>
        %add3A_702 = arith.addf %gather3A_698, %gather3A : vector<16xf32>
        tpu.vector_store_idx %arg10[%shift_right_logical3A_491, %broadcast_in_dim3A_694, %and3A_494, %add3A_701], %add3A_702 : memref<4x4x8x128xf32, #tpu.memory_space<vmem>>[vector<16xi32>, vector<16xi32>, vector<16xi32>, vector<16xi32>], vector<16xf32>,
        %add3A_703 = arith.constant 400 : i32
        %add3A_704 = vector.broadcast %add3A_703 : i32 to vector<16xi32>
        %add3A_705 = arith.addi %iota3A, %add3A_704 : vector<16xi32>
        %gather3A_706 = tpu.vector_load_idx %arg8[%add3A_705, %add3A_489] : memref<512x32xf32, #tpu.memory_space<vmem>>[vector<16xi32>, vector<16xi32>], vector<16xf32>,
        %add3A_707 = arith.constant 16 : i32
        %add3A_708 = vector.broadcast %add3A_707 : i32 to vector<16xi32>
        %add3A_709 = arith.addi %iota3A, %add3A_708 : vector<16xi32>
        %add3A_710 = arith.addf %gather3A_706, %gather3A : vector<16xf32>
        tpu.vector_store_idx %arg10[%shift_right_logical3A_491, %broadcast_in_dim3A_694, %and3A_494, %add3A_709], %add3A_710 : memref<4x4x8x128xf32, #tpu.memory_space<vmem>>[vector<16xi32>, vector<16xi32>, vector<16xi32>, vector<16xi32>], vector<16xf32>,
        %add3A_711 = arith.constant 416 : i32
        %add3A_712 = vector.broadcast %add3A_711 : i32 to vector<16xi32>
        %add3A_713 = arith.addi %iota3A, %add3A_712 : vector<16xi32>
        %gather3A_714 = tpu.vector_load_idx %arg8[%add3A_713, %add3A_489] : memref<512x32xf32, #tpu.memory_space<vmem>>[vector<16xi32>, vector<16xi32>], vector<16xf32>,
        %add3A_715 = arith.constant 32 : i32
        %add3A_716 = vector.broadcast %add3A_715 : i32 to vector<16xi32>
        %add3A_717 = arith.addi %iota3A, %add3A_716 : vector<16xi32>
        %add3A_718 = arith.addf %gather3A_714, %gather3A : vector<16xf32>
        tpu.vector_store_idx %arg10[%shift_right_logical3A_491, %broadcast_in_dim3A_694, %and3A_494, %add3A_717], %add3A_718 : memref<4x4x8x128xf32, #tpu.memory_space<vmem>>[vector<16xi32>, vector<16xi32>, vector<16xi32>, vector<16xi32>], vector<16xf32>,
        %add3A_719 = arith.constant 432 : i32
        %add3A_720 = vector.broadcast %add3A_719 : i32 to vector<16xi32>
        %add3A_721 = arith.addi %iota3A, %add3A_720 : vector<16xi32>
        %gather3A_722 = tpu.vector_load_idx %arg8[%add3A_721, %add3A_489] : memref<512x32xf32, #tpu.memory_space<vmem>>[vector<16xi32>, vector<16xi32>], vector<16xf32>,
        %add3A_723 = arith.constant 48 : i32
        %add3A_724 = vector.broadcast %add3A_723 : i32 to vector<16xi32>
        %add3A_725 = arith.addi %iota3A, %add3A_724 : vector<16xi32>
        %add3A_726 = arith.addf %gather3A_722, %gather3A : vector<16xf32>
        tpu.vector_store_idx %arg10[%shift_right_logical3A_491, %broadcast_in_dim3A_694, %and3A_494, %add3A_725], %add3A_726 : memref<4x4x8x128xf32, #tpu.memory_space<vmem>>[vector<16xi32>, vector<16xi32>, vector<16xi32>, vector<16xi32>], vector<16xf32>,
        %add3A_727 = arith.constant 448 : i32
        %add3A_728 = vector.broadcast %add3A_727 : i32 to vector<16xi32>
        %add3A_729 = arith.addi %iota3A, %add3A_728 : vector<16xi32>
        %gather3A_730 = tpu.vector_load_idx %arg8[%add3A_729, %add3A_489] : memref<512x32xf32, #tpu.memory_space<vmem>>[vector<16xi32>, vector<16xi32>], vector<16xf32>,
        %add3A_731 = arith.constant 64 : i32
        %add3A_732 = vector.broadcast %add3A_731 : i32 to vector<16xi32>
        %add3A_733 = arith.addi %iota3A, %add3A_732 : vector<16xi32>
        %add3A_734 = arith.addf %gather3A_730, %gather3A : vector<16xf32>
        tpu.vector_store_idx %arg10[%shift_right_logical3A_491, %broadcast_in_dim3A_694, %and3A_494, %add3A_733], %add3A_734 : memref<4x4x8x128xf32, #tpu.memory_space<vmem>>[vector<16xi32>, vector<16xi32>, vector<16xi32>, vector<16xi32>], vector<16xf32>,
        %add3A_735 = arith.constant 464 : i32
        %add3A_736 = vector.broadcast %add3A_735 : i32 to vector<16xi32>
        %add3A_737 = arith.addi %iota3A, %add3A_736 : vector<16xi32>
        %gather3A_738 = tpu.vector_load_idx %arg8[%add3A_737, %add3A_489] : memref<512x32xf32, #tpu.memory_space<vmem>>[vector<16xi32>, vector<16xi32>], vector<16xf32>,
        %add3A_739 = arith.constant 80 : i32
        %add3A_740 = vector.broadcast %add3A_739 : i32 to vector<16xi32>
        %add3A_741 = arith.addi %iota3A, %add3A_740 : vector<16xi32>
        %add3A_742 = arith.addf %gather3A_738, %gather3A : vector<16xf32>
        tpu.vector_store_idx %arg10[%shift_right_logical3A_491, %broadcast_in_dim3A_694, %and3A_494, %add3A_741], %add3A_742 : memref<4x4x8x128xf32, #tpu.memory_space<vmem>>[vector<16xi32>, vector<16xi32>, vector<16xi32>, vector<16xi32>], vector<16xf32>,
        %add3A_743 = arith.constant 480 : i32
        %add3A_744 = vector.broadcast %add3A_743 : i32 to vector<16xi32>
        %add3A_745 = arith.addi %iota3A, %add3A_744 : vector<16xi32>
        %gather3A_746 = tpu.vector_load_idx %arg8[%add3A_745, %add3A_489] : memref<512x32xf32, #tpu.memory_space<vmem>>[vector<16xi32>, vector<16xi32>], vector<16xf32>,
        %add3A_747 = arith.constant 96 : i32
        %add3A_748 = vector.broadcast %add3A_747 : i32 to vector<16xi32>
        %add3A_749 = arith.addi %iota3A, %add3A_748 : vector<16xi32>
        %add3A_750 = arith.addf %gather3A_746, %gather3A : vector<16xf32>
        tpu.vector_store_idx %arg10[%shift_right_logical3A_491, %broadcast_in_dim3A_694, %and3A_494, %add3A_749], %add3A_750 : memref<4x4x8x128xf32, #tpu.memory_space<vmem>>[vector<16xi32>, vector<16xi32>, vector<16xi32>, vector<16xi32>], vector<16xf32>,
        %add3A_751 = arith.constant 496 : i32
        %add3A_752 = vector.broadcast %add3A_751 : i32 to vector<16xi32>
        %add3A_753 = arith.addi %iota3A, %add3A_752 : vector<16xi32>
        %gather3A_754 = tpu.vector_load_idx %arg8[%add3A_753, %add3A_489] : memref<512x32xf32, #tpu.memory_space<vmem>>[vector<16xi32>, vector<16xi32>], vector<16xf32>,
        %add3A_755 = arith.constant 112 : i32
        %add3A_756 = vector.broadcast %add3A_755 : i32 to vector<16xi32>
        %add3A_757 = arith.addi %iota3A, %add3A_756 : vector<16xi32>
        %add3A_758 = arith.addf %gather3A_754, %gather3A : vector<16xf32>
        tpu.vector_store_idx %arg10[%shift_right_logical3A_491, %broadcast_in_dim3A_694, %and3A_494, %add3A_757], %add3A_758 : memref<4x4x8x128xf32, #tpu.memory_space<vmem>>[vector<16xi32>, vector<16xi32>, vector<16xi32>, vector<16xi32>], vector<16xf32>,
      }
      %scan3A_249 = arith.constant 32 : i32
      %mul3A_250 = arith.constant 50 : i32
      %mul3A_251 = arith.muli %add3A, %mul3A_250 : i32
      %add3A_252 = arith.addi %mul3A_251, %add3A_142 : i32
      %jit3A_253 = arith.constant 8 : i32
      %div3A_254 = arith.divsi %add3A_252, %jit3A_253 : i32
      %sign3A_255 = arith.constant 0 : i32
      %sign3A_256 = arith.cmpi sgt, %add3A_252, %sign3A_255 : i32
      %sign3A_257 = arith.extui %sign3A_256 : i1 to i32
      %sign3A_258 = arith.constant 0 : i32
      %sign3A_259 = arith.cmpi slt, %add3A_252, %sign3A_258 : i32
      %sign3A_260 = arith.extui %sign3A_259 : i1 to i32
      %sign3A_261 = arith.subi %sign3A_257, %sign3A_260 : i32
      %sign3A_262 = arith.constant 0 : i32
      %sign3A_263 = arith.cmpi sgt, %jit3A_253, %sign3A_262 : i32
      %sign3A_264 = arith.extui %sign3A_263 : i1 to i32
      %sign3A_265 = arith.constant 0 : i32
      %sign3A_266 = arith.cmpi slt, %jit3A_253, %sign3A_265 : i32
      %sign3A_267 = arith.extui %sign3A_266 : i1 to i32
      %sign3A_268 = arith.subi %sign3A_264, %sign3A_267 : i32
      %ne3A_269 = arith.cmpi ne, %sign3A_261, %sign3A_268 : i32
      %rem3A_270 = arith.remsi %add3A_252, %jit3A_253 : i32
      %ne3A_271 = arith.constant 0 : i32
      %ne3A_272 = arith.cmpi ne, %rem3A_270, %ne3A_271 : i32
      %and3A_273 = arith.andi %ne3A_269, %ne3A_272 : i1
      %sub3A_274 = arith.constant 1 : i32
      %sub3A_275 = arith.subi %div3A_254, %sub3A_274 : i32
      %select_n3A_276 = arith.select %and3A_273, %sub3A_275, %div3A_254 : i32
      %rem3A_277 = arith.constant 8 : i32
      %rem3A_278 = arith.remsi %add3A_252, %rem3A_277 : i32
      %mul3A_279 = arith.constant 4 : i32
      %mul3A_280 = arith.muli %rem3A_278, %mul3A_279 : i32
      %dma_start3A_281 = arith.constant 0 : i32
      %dma_start3A_282 = arith.constant 0 : i32
      %dma_start3A_283 = arith.constant 0 : i32
      %dma_start3A_284 = arith.constant 0 : i32
      %dma_start3A_285 = tpu.memref_slice %arg5[%select_n3A_276, %dma_start3A_282, %mul3A_280, %dma_start3A_283, %dma_start3A_284] : memref<200x4x32x8x128xf32, #tpu.memory_space<hbm>> -> memref<1x4x4x8x128xf32, #tpu.memory_space<hbm>>
      %dma_start3A_286 = tpu.memref_squeeze %dma_start3A_285 : memref<1x4x4x8x128xf32, #tpu.memory_space<hbm>> -> memref<4x4x8x128xf32, #tpu.memory_space<hbm>>
      %dma_start3A_287 = tpu.memref_slice %arg13[%dma_start3A_281] : memref<2x!tpu.dma_semaphore, #tpu.memory_space<semaphore_mem>> -> memref<1x!tpu.dma_semaphore, #tpu.memory_space<semaphore_mem>>
      %dma_start3A_288 = tpu.memref_squeeze %dma_start3A_287 : memref<1x!tpu.dma_semaphore, #tpu.memory_space<semaphore_mem>> -> memref<!tpu.dma_semaphore, #tpu.memory_space<semaphore_mem>>
      %dma_start3A_289 = arith.constant 0 : i32
      %dma_start3A_290 = arith.constant 0 : i32
      %dma_start3A_291 = arith.constant 0 : i32
      %dma_start3A_292 = tpu.memref_slice %arg5[%select_n3A_276, %dma_start3A_289, %mul3A_280, %dma_start3A_290, %dma_start3A_291] : memref<200x4x32x8x128xf32, #tpu.memory_space<hbm>> -> memref<1x4x4x8x128xf32, #tpu.memory_space<hbm>>
      %dma_start3A_293 = tpu.memref_squeeze %dma_start3A_292 : memref<1x4x4x8x128xf32, #tpu.memory_space<hbm>> -> memref<4x4x8x128xf32, #tpu.memory_space<hbm>>
      tpu.enqueue_dma source(%arg10 : memref<4x4x8x128xf32, #tpu.memory_space<vmem>>) target(%dma_start3A_293 : memref<4x4x8x128xf32, #tpu.memory_space<hbm>>) target_semaphore(%dma_start3A_288 : memref<!tpu.dma_semaphore, #tpu.memory_space<semaphore_mem>>)
      %mul3A_294 = arith.constant 2 : i32
      %mul3A_295 = arith.muli %scan3A_138, %mul3A_294 : i32
      %add3A_296 = arith.constant 1 : i32
      %add3A_297 = arith.addi %mul3A_295, %add3A_296 : i32
      %add3A_298 = arith.constant 1 : i32
      %add3A_299 = arith.addi %add3A_297, %add3A_298 : i32
      %lt3A_300 = arith.constant 50 : i32
      %lt3A_301 = arith.cmpi slt, %add3A_299, %lt3A_300 : i32
      %convert_element_type3A_302 = arith.extui %lt3A_301 : i1 to i32
      %cond3A_303 = arith.constant 0 : i32
      %cond3A_304 = arith.cmpi ne, %convert_element_type3A_302, %cond3A_303 : i32
      scf.if %cond3A_304 {
        %add3A_454 = arith.constant 1 : i32
        %add3A_455 = arith.addi %add3A_297, %add3A_454 : i32
        %mul3A_456 = arith.constant 4 : i32
        %mul3A_457 = arith.muli %mul3A_456, %add3A_455 : i32
        %add3A_458 = arith.constant 0 : i32
        %add3A_459 = arith.addi %mul3A_457, %add3A_458 : i32
        %dma_start3A_460 = arith.constant 0 : i32
        %dma_start3A_461 = arith.constant 0 : i32
        %dma_start3A_462 = arith.constant 0 : i32
        %dma_start3A_463 = tpu.memref_slice %arg8[%dma_start3A_461, %dma_start3A_462] : memref<512x32xf32, #tpu.memory_space<vmem>> -> memref<128x32xf32, #tpu.memory_space<vmem>>
        %dma_start3A_464 = arith.constant 0 : i32
        %dma_start3A_465 = tpu.memref_slice %arg6[%add3A_459, %dma_start3A_464] : memref<200x128xi32, #tpu.memory_space<vmem>> -> memref<1x128xi32, #tpu.memory_space<vmem>>
        %dma_start3A_466 = tpu.memref_squeeze %dma_start3A_465 : memref<1x128xi32, #tpu.memory_space<vmem>> -> memref<128xi32, #tpu.memory_space<vmem>>
        %dma_start3A_467 = arith.constant 0 : i32
        %dma_start3A_468 = arith.constant 0 : i32
        %dma_start3A_469 = tpu.memref_slice %arg3[%dma_start3A_467, %dma_start3A_468] : memref<1000000x32xf32, #tpu.memory_space<hbm>> -> memref<1000000x32xf32, #tpu.memory_space<hbm>>
        %dma_start3A_470 = tpu.memref_slice %arg12[%dma_start3A_460] : memref<2x!tpu.dma_semaphore, #tpu.memory_space<semaphore_mem>> -> memref<1x!tpu.dma_semaphore, #tpu.memory_space<semaphore_mem>>
        %dma_start3A_471 = tpu.memref_squeeze %dma_start3A_470 : memref<1x!tpu.dma_semaphore, #tpu.memory_space<semaphore_mem>> -> memref<!tpu.dma_semaphore, #tpu.memory_space<semaphore_mem>>
        tpu.enqueue_indirect_dma source(%dma_start3A_469 : memref<1000000x32xf32, #tpu.memory_space<hbm>>) target(%dma_start3A_463 : memref<128x32xf32, #tpu.memory_space<vmem>>) offsets(%dma_start3A_466 : memref<128xi32, #tpu.memory_space<vmem>>) semaphore(%dma_start3A_471 : memref<!tpu.dma_semaphore, #tpu.memory_space<semaphore_mem>>)
        %mul3A_472 = arith.constant 4 : i32
        %mul3A_473 = arith.muli %mul3A_472, %add3A_455 : i32
        %add3A_474 = arith.constant 1 : i32
        %add3A_475 = arith.addi %mul3A_473, %add3A_474 : i32
        %dma_start3A_476 = arith.constant 0 : i32
        %dma_start3A_477 = arith.constant 128 : i32
        %dma_start3A_478 = arith.constant 0 : i32
        %dma_start3A_479 = tpu.memref_slice %arg8[%dma_start3A_477, %dma_start3A_478] : memref<512x32xf32, #tpu.memory_space<vmem>> -> memref<128x32xf32, #tpu.memory_space<vmem>>
        %dma_start3A_480 = arith.constant 0 : i32
        %dma_start3A_481 = tpu.memref_slice %arg6[%add3A_475, %dma_start3A_480] : memref<200x128xi32, #tpu.memory_space<vmem>> -> memref<1x128xi32, #tpu.memory_space<vmem>>
        %dma_start3A_482 = tpu.memref_squeeze %dma_start3A_481 : memref<1x128xi32, #tpu.memory_space<vmem>> -> memref<128xi32, #tpu.memory_space<vmem>>
        %dma_start3A_483 = arith.constant 0 : i32
        %dma_start3A_484 = arith.constant 0 : i32
        %dma_start3A_485 = tpu.memref_slice %arg3[%dma_start3A_483, %dma_start3A_484] : memref<1000000x32xf32, #tpu.memory_space<hbm>> -> memref<1000000x32xf32, #tpu.memory_space<hbm>>
        %dma_start3A_486 = tpu.memref_slice %arg12[%dma_start3A_476] : memref<2x!tpu.dma_semaphore, #tpu.memory_space<semaphore_mem>> -> memref<1x!tpu.dma_semaphore, #tpu.memory_space<semaphore_mem>>
        %dma_start3A_487 = tpu.memref_squeeze %dma_start3A_486 : memref<1x!tpu.dma_semaphore, #tpu.memory_space<semaphore_mem>> -> memref<!tpu.dma_semaphore, #tpu.memory_space<semaphore_mem>>
        tpu.enqueue_indirect_dma source(%dma_start3A_485 : memref<1000000x32xf32, #tpu.memory_space<hbm>>) target(%dma_start3A_479 : memref<128x32xf32, #tpu.memory_space<vmem>>) offsets(%dma_start3A_482 : memref<128xi32, #tpu.memory_space<vmem>>) semaphore(%dma_start3A_487 : memref<!tpu.dma_semaphore, #tpu.memory_space<semaphore_mem>>)
        %mul3A_488 = arith.constant 4 : i32
        %mul3A_489 = arith.muli %mul3A_488, %add3A_455 : i32
        %add3A_490 = arith.constant 2 : i32
        %add3A_491 = arith.addi %mul3A_489, %add3A_490 : i32
        %dma_start3A_492 = arith.constant 0 : i32
        %dma_start3A_493 = arith.constant 256 : i32
        %dma_start3A_494 = arith.constant 0 : i32
        %dma_start3A_495 = tpu.memref_slice %arg8[%dma_start3A_493, %dma_start3A_494] : memref<512x32xf32, #tpu.memory_space<vmem>> -> memref<128x32xf32, #tpu.memory_space<vmem>>
        %dma_start3A_496 = arith.constant 0 : i32
        %dma_start3A_497 = tpu.memref_slice %arg6[%add3A_491, %dma_start3A_496] : memref<200x128xi32, #tpu.memory_space<vmem>> -> memref<1x128xi32, #tpu.memory_space<vmem>>
        %dma_start3A_498 = tpu.memref_squeeze %dma_start3A_497 : memref<1x128xi32, #tpu.memory_space<vmem>> -> memref<128xi32, #tpu.memory_space<vmem>>
        %dma_start3A_499 = arith.constant 0 : i32
        %dma_start3A_500 = arith.constant 0 : i32
        %dma_start3A_501 = tpu.memref_slice %arg3[%dma_start3A_499, %dma_start3A_500] : memref<1000000x32xf32, #tpu.memory_space<hbm>> -> memref<1000000x32xf32, #tpu.memory_space<hbm>>
        %dma_start3A_502 = tpu.memref_slice %arg12[%dma_start3A_492] : memref<2x!tpu.dma_semaphore, #tpu.memory_space<semaphore_mem>> -> memref<1x!tpu.dma_semaphore, #tpu.memory_space<semaphore_mem>>
        %dma_start3A_503 = tpu.memref_squeeze %dma_start3A_502 : memref<1x!tpu.dma_semaphore, #tpu.memory_space<semaphore_mem>> -> memref<!tpu.dma_semaphore, #tpu.memory_space<semaphore_mem>>
        tpu.enqueue_indirect_dma source(%dma_start3A_501 : memref<1000000x32xf32, #tpu.memory_space<hbm>>) target(%dma_start3A_495 : memref<128x32xf32, #tpu.memory_space<vmem>>) offsets(%dma_start3A_498 : memref<128xi32, #tpu.memory_space<vmem>>) semaphore(%dma_start3A_503 : memref<!tpu.dma_semaphore, #tpu.memory_space<semaphore_mem>>)
        %mul3A_504 = arith.constant 4 : i32
        %mul3A_505 = arith.muli %mul3A_504, %add3A_455 : i32
        %add3A_506 = arith.constant 3 : i32
        %add3A_507 = arith.addi %mul3A_505, %add3A_506 : i32
        %dma_start3A_508 = arith.constant 0 : i32
        %dma_start3A_509 = arith.constant 384 : i32
        %dma_start3A_510 = arith.constant 0 : i32
        %dma_start3A_511 = tpu.memref_slice %arg8[%dma_start3A_509, %dma_start3A_510] : memref<512x32xf32, #tpu.memory_space<vmem>> -> memref<128x32xf32, #tpu.memory_space<vmem>>
        %dma_start3A_512 = arith.constant 0 : i32
        %dma_start3A_513 = tpu.memref_slice %arg6[%add3A_507, %dma_start3A_512] : memref<200x128xi32, #tpu.memory_space<vmem>> -> memref<1x128xi32, #tpu.memory_space<vmem>>
        %dma_start3A_514 = tpu.memref_squeeze %dma_start3A_513 : memref<1x128xi32, #tpu.memory_space<vmem>> -> memref<128xi32, #tpu.memory_space<vmem>>
        %dma_start3A_515 = arith.constant 0 : i32
        %dma_start3A_516 = arith.constant 0 : i32
        %dma_start3A_517 = tpu.memref_slice %arg3[%dma_start3A_515, %dma_start3A_516] : memref<1000000x32xf32, #tpu.memory_space<hbm>> -> memref<1000000x32xf32, #tpu.memory_space<hbm>>
        %dma_start3A_518 = tpu.memref_slice %arg12[%dma_start3A_508] : memref<2x!tpu.dma_semaphore, #tpu.memory_space<semaphore_mem>> -> memref<1x!tpu.dma_semaphore, #tpu.memory_space<semaphore_mem>>
        %dma_start3A_519 = tpu.memref_squeeze %dma_start3A_518 : memref<1x!tpu.dma_semaphore, #tpu.memory_space<semaphore_mem>> -> memref<!tpu.dma_semaphore, #tpu.memory_space<semaphore_mem>>
        tpu.enqueue_indirect_dma source(%dma_start3A_517 : memref<1000000x32xf32, #tpu.memory_space<hbm>>) target(%dma_start3A_511 : memref<128x32xf32, #tpu.memory_space<vmem>>) offsets(%dma_start3A_514 : memref<128xi32, #tpu.memory_space<vmem>>) semaphore(%dma_start3A_519 : memref<!tpu.dma_semaphore, #tpu.memory_space<semaphore_mem>>)
      } else {
      }
      %mul3A_305 = arith.constant 4 : i32
      %mul3A_306 = arith.muli %mul3A_305, %add3A_297 : i32
      %add3A_307 = arith.constant 0 : i32
      %add3A_308 = arith.addi %mul3A_306, %add3A_307 : i32
      %dma_wait3A_309 = arith.constant 1 : i32
      %dma_wait3A_310 = arith.constant 0 : i32
      %dma_wait3A_311 = arith.constant 0 : i32
      %dma_wait3A_312 = tpu.memref_slice %arg9[%dma_wait3A_310, %dma_wait3A_311] : memref<512x32xf32, #tpu.memory_space<vmem>> -> memref<128x32xf32, #tpu.memory_space<vmem>>
      %dma_wait3A_313 = arith.constant 0 : i32
      %dma_wait3A_314 = tpu.memref_slice %arg6[%add3A_308, %dma_wait3A_313] : memref<200x128xi32, #tpu.memory_space<vmem>> -> memref<1x128xi32, #tpu.memory_space<vmem>>
      %dma_wait3A_315 = tpu.memref_squeeze %dma_wait3A_314 : memref<1x128xi32, #tpu.memory_space<vmem>> -> memref<128xi32, #tpu.memory_space<vmem>>
      %dma_wait3A_316 = arith.constant 0 : i32
      %dma_wait3A_317 = arith.constant 0 : i32
      %dma_wait3A_318 = tpu.memref_slice %arg3[%dma_wait3A_316, %dma_wait3A_317] : memref<1000000x32xf32, #tpu.memory_space<hbm>> -> memref<1000000x32xf32, #tpu.memory_space<hbm>>
      %dma_wait3A_319 = tpu.memref_slice %arg12[%dma_wait3A_309] : memref<2x!tpu.dma_semaphore, #tpu.memory_space<semaphore_mem>> -> memref<1x!tpu.dma_semaphore, #tpu.memory_space<semaphore_mem>>
      %dma_wait3A_320 = tpu.memref_squeeze %dma_wait3A_319 : memref<1x!tpu.dma_semaphore, #tpu.memory_space<semaphore_mem>> -> memref<!tpu.dma_semaphore, #tpu.memory_space<semaphore_mem>>
      tpu.wait_indirect_dma semaphore(%dma_wait3A_320 : memref<!tpu.dma_semaphore, #tpu.memory_space<semaphore_mem>>) src(%dma_wait3A_318 : memref<1000000x32xf32, #tpu.memory_space<hbm>>) dst(%dma_wait3A_312 : memref<128x32xf32, #tpu.memory_space<vmem>>)
      %mul3A_321 = arith.constant 4 : i32
      %mul3A_322 = arith.muli %mul3A_321, %add3A_297 : i32
      %add3A_323 = arith.constant 1 : i32
      %add3A_324 = arith.addi %mul3A_322, %add3A_323 : i32
      %dma_wait3A_325 = arith.constant 1 : i32
      %dma_wait3A_326 = arith.constant 128 : i32
      %dma_wait3A_327 = arith.constant 0 : i32
      %dma_wait3A_328 = tpu.memref_slice %arg9[%dma_wait3A_326, %dma_wait3A_327] : memref<512x32xf32, #tpu.memory_space<vmem>> -> memref<128x32xf32, #tpu.memory_space<vmem>>
      %dma_wait3A_329 = arith.constant 0 : i32
      %dma_wait3A_330 = tpu.memref_slice %arg6[%add3A_324, %dma_wait3A_329] : memref<200x128xi32, #tpu.memory_space<vmem>> -> memref<1x128xi32, #tpu.memory_space<vmem>>
      %dma_wait3A_331 = tpu.memref_squeeze %dma_wait3A_330 : memref<1x128xi32, #tpu.memory_space<vmem>> -> memref<128xi32, #tpu.memory_space<vmem>>
      %dma_wait3A_332 = arith.constant 0 : i32
      %dma_wait3A_333 = arith.constant 0 : i32
      %dma_wait3A_334 = tpu.memref_slice %arg3[%dma_wait3A_332, %dma_wait3A_333] : memref<1000000x32xf32, #tpu.memory_space<hbm>> -> memref<1000000x32xf32, #tpu.memory_space<hbm>>
      %dma_wait3A_335 = tpu.memref_slice %arg12[%dma_wait3A_325] : memref<2x!tpu.dma_semaphore, #tpu.memory_space<semaphore_mem>> -> memref<1x!tpu.dma_semaphore, #tpu.memory_space<semaphore_mem>>
      %dma_wait3A_336 = tpu.memref_squeeze %dma_wait3A_335 : memref<1x!tpu.dma_semaphore, #tpu.memory_space<semaphore_mem>> -> memref<!tpu.dma_semaphore, #tpu.memory_space<semaphore_mem>>
      tpu.wait_indirect_dma semaphore(%dma_wait3A_336 : memref<!tpu.dma_semaphore, #tpu.memory_space<semaphore_mem>>) src(%dma_wait3A_334 : memref<1000000x32xf32, #tpu.memory_space<hbm>>) dst(%dma_wait3A_328 : memref<128x32xf32, #tpu.memory_space<vmem>>)
      %mul3A_337 = arith.constant 4 : i32
      %mul3A_338 = arith.muli %mul3A_337, %add3A_297 : i32
      %add3A_339 = arith.constant 2 : i32
      %add3A_340 = arith.addi %mul3A_338, %add3A_339 : i32
      %dma_wait3A_341 = arith.constant 1 : i32
      %dma_wait3A_342 = arith.constant 256 : i32
      %dma_wait3A_343 = arith.constant 0 : i32
      %dma_wait3A_344 = tpu.memref_slice %arg9[%dma_wait3A_342, %dma_wait3A_343] : memref<512x32xf32, #tpu.memory_space<vmem>> -> memref<128x32xf32, #tpu.memory_space<vmem>>
      %dma_wait3A_345 = arith.constant 0 : i32
      %dma_wait3A_346 = tpu.memref_slice %arg6[%add3A_340, %dma_wait3A_345] : memref<200x128xi32, #tpu.memory_space<vmem>> -> memref<1x128xi32, #tpu.memory_space<vmem>>
      %dma_wait3A_347 = tpu.memref_squeeze %dma_wait3A_346 : memref<1x128xi32, #tpu.memory_space<vmem>> -> memref<128xi32, #tpu.memory_space<vmem>>
      %dma_wait3A_348 = arith.constant 0 : i32
      %dma_wait3A_349 = arith.constant 0 : i32
      %dma_wait3A_350 = tpu.memref_slice %arg3[%dma_wait3A_348, %dma_wait3A_349] : memref<1000000x32xf32, #tpu.memory_space<hbm>> -> memref<1000000x32xf32, #tpu.memory_space<hbm>>
      %dma_wait3A_351 = tpu.memref_slice %arg12[%dma_wait3A_341] : memref<2x!tpu.dma_semaphore, #tpu.memory_space<semaphore_mem>> -> memref<1x!tpu.dma_semaphore, #tpu.memory_space<semaphore_mem>>
      %dma_wait3A_352 = tpu.memref_squeeze %dma_wait3A_351 : memref<1x!tpu.dma_semaphore, #tpu.memory_space<semaphore_mem>> -> memref<!tpu.dma_semaphore, #tpu.memory_space<semaphore_mem>>
      tpu.wait_indirect_dma semaphore(%dma_wait3A_352 : memref<!tpu.dma_semaphore, #tpu.memory_space<semaphore_mem>>) src(%dma_wait3A_350 : memref<1000000x32xf32, #tpu.memory_space<hbm>>) dst(%dma_wait3A_344 : memref<128x32xf32, #tpu.memory_space<vmem>>)
      %mul3A_353 = arith.constant 4 : i32
      %mul3A_354 = arith.muli %mul3A_353, %add3A_297 : i32
      %add3A_355 = arith.constant 3 : i32
      %add3A_356 = arith.addi %mul3A_354, %add3A_355 : i32
      %dma_wait3A_357 = arith.constant 1 : i32
      %dma_wait3A_358 = arith.constant 384 : i32
      %dma_wait3A_359 = arith.constant 0 : i32
      %dma_wait3A_360 = tpu.memref_slice %arg9[%dma_wait3A_358, %dma_wait3A_359] : memref<512x32xf32, #tpu.memory_space<vmem>> -> memref<128x32xf32, #tpu.memory_space<vmem>>
      %dma_wait3A_361 = arith.constant 0 : i32
      %dma_wait3A_362 = tpu.memref_slice %arg6[%add3A_356, %dma_wait3A_361] : memref<200x128xi32, #tpu.memory_space<vmem>> -> memref<1x128xi32, #tpu.memory_space<vmem>>
      %dma_wait3A_363 = tpu.memref_squeeze %dma_wait3A_362 : memref<1x128xi32, #tpu.memory_space<vmem>> -> memref<128xi32, #tpu.memory_space<vmem>>
      %dma_wait3A_364 = arith.constant 0 : i32
      %dma_wait3A_365 = arith.constant 0 : i32
      %dma_wait3A_366 = tpu.memref_slice %arg3[%dma_wait3A_364, %dma_wait3A_365] : memref<1000000x32xf32, #tpu.memory_space<hbm>> -> memref<1000000x32xf32, #tpu.memory_space<hbm>>
      %dma_wait3A_367 = tpu.memref_slice %arg12[%dma_wait3A_357] : memref<2x!tpu.dma_semaphore, #tpu.memory_space<semaphore_mem>> -> memref<1x!tpu.dma_semaphore, #tpu.memory_space<semaphore_mem>>
      %dma_wait3A_368 = tpu.memref_squeeze %dma_wait3A_367 : memref<1x!tpu.dma_semaphore, #tpu.memory_space<semaphore_mem>> -> memref<!tpu.dma_semaphore, #tpu.memory_space<semaphore_mem>>
      tpu.wait_indirect_dma semaphore(%dma_wait3A_368 : memref<!tpu.dma_semaphore, #tpu.memory_space<semaphore_mem>>) src(%dma_wait3A_366 : memref<1000000x32xf32, #tpu.memory_space<hbm>>) dst(%dma_wait3A_360 : memref<128x32xf32, #tpu.memory_space<vmem>>)
      %ge3A_369 = arith.constant 2 : i32
      %ge3A_370 = arith.cmpi sge, %add3A_297, %ge3A_369 : i32
      %convert_element_type3A_371 = arith.extui %ge3A_370 : i1 to i32
      %cond3A_372 = arith.constant 0 : i32
      %cond3A_373 = arith.cmpi ne, %convert_element_type3A_371, %cond3A_372 : i32
      scf.if %cond3A_373 {
        %sub3A_454 = arith.constant 2 : i32
        %sub3A_455 = arith.subi %add3A_297, %sub3A_454 : i32
        %mul3A_456 = arith.constant 50 : i32
        %mul3A_457 = arith.muli %add3A, %mul3A_456 : i32
        %add3A_458 = arith.addi %mul3A_457, %sub3A_455 : i32
        %jit3A_459 = arith.constant 8 : i32
        %div3A_460 = arith.divsi %add3A_458, %jit3A_459 : i32
        %sign3A_461 = arith.constant 0 : i32
        %sign3A_462 = arith.cmpi sgt, %add3A_458, %sign3A_461 : i32
        %sign3A_463 = arith.extui %sign3A_462 : i1 to i32
        %sign3A_464 = arith.constant 0 : i32
        %sign3A_465 = arith.cmpi slt, %add3A_458, %sign3A_464 : i32
        %sign3A_466 = arith.extui %sign3A_465 : i1 to i32
        %sign3A_467 = arith.subi %sign3A_463, %sign3A_466 : i32
        %sign3A_468 = arith.constant 0 : i32
        %sign3A_469 = arith.cmpi sgt, %jit3A_459, %sign3A_468 : i32
        %sign3A_470 = arith.extui %sign3A_469 : i1 to i32
        %sign3A_471 = arith.constant 0 : i32
        %sign3A_472 = arith.cmpi slt, %jit3A_459, %sign3A_471 : i32
        %sign3A_473 = arith.extui %sign3A_472 : i1 to i32
        %sign3A_474 = arith.subi %sign3A_470, %sign3A_473 : i32
        %ne3A_475 = arith.cmpi ne, %sign3A_467, %sign3A_474 : i32
        %rem3A_476 = arith.remsi %add3A_458, %jit3A_459 : i32
        %ne3A_477 = arith.constant 0 : i32
        %ne3A_478 = arith.cmpi ne, %rem3A_476, %ne3A_477 : i32
        %and3A_479 = arith.andi %ne3A_475, %ne3A_478 : i1
        %sub3A_480 = arith.constant 1 : i32
        %sub3A_481 = arith.subi %div3A_460, %sub3A_480 : i32
        %select_n3A_482 = arith.select %and3A_479, %sub3A_481, %div3A_460 : i32
        %rem3A_483 = arith.constant 8 : i32
        %rem3A_484 = arith.remsi %add3A_458, %rem3A_483 : i32
        %mul3A_485 = arith.constant 4 : i32
        %mul3A_486 = arith.muli %rem3A_484, %mul3A_485 : i32
        %dma_wait3A_487 = arith.constant 1 : i32
        %dma_wait3A_488 = arith.constant 0 : i32
        %dma_wait3A_489 = arith.constant 0 : i32
        %dma_wait3A_490 = arith.constant 0 : i32
        %dma_wait3A_491 = tpu.memref_slice %arg5[%select_n3A_482, %dma_wait3A_488, %mul3A_486, %dma_wait3A_489, %dma_wait3A_490] : memref<200x4x32x8x128xf32, #tpu.memory_space<hbm>> -> memref<1x4x4x8x128xf32, #tpu.memory_space<hbm>>
        %dma_wait3A_492 = tpu.memref_squeeze %dma_wait3A_491 : memref<1x4x4x8x128xf32, #tpu.memory_space<hbm>> -> memref<4x4x8x128xf32, #tpu.memory_space<hbm>>
        %dma_wait3A_493 = tpu.memref_slice %arg13[%dma_wait3A_487] : memref<2x!tpu.dma_semaphore, #tpu.memory_space<semaphore_mem>> -> memref<1x!tpu.dma_semaphore, #tpu.memory_space<semaphore_mem>>
        %dma_wait3A_494 = tpu.memref_squeeze %dma_wait3A_493 : memref<1x!tpu.dma_semaphore, #tpu.memory_space<semaphore_mem>> -> memref<!tpu.dma_semaphore, #tpu.memory_space<semaphore_mem>>
        %dma_wait3A_495 = arith.constant 0 : i32
        %dma_wait3A_496 = arith.constant 0 : i32
        %dma_wait3A_497 = arith.constant 0 : i32
        %dma_wait3A_498 = tpu.memref_slice %arg5[%select_n3A_482, %dma_wait3A_495, %mul3A_486, %dma_wait3A_496, %dma_wait3A_497] : memref<200x4x32x8x128xf32, #tpu.memory_space<hbm>> -> memref<1x4x4x8x128xf32, #tpu.memory_space<hbm>>
        %dma_wait3A_499 = tpu.memref_squeeze %dma_wait3A_498 : memref<1x4x4x8x128xf32, #tpu.memory_space<hbm>> -> memref<4x4x8x128xf32, #tpu.memory_space<hbm>>
        tpu.wait_dma2 semaphore(%dma_wait3A_494 : memref<!tpu.dma_semaphore, #tpu.memory_space<semaphore_mem>>) src(%arg11 : memref<4x4x8x128xf32, #tpu.memory_space<vmem>>) dst(%dma_wait3A_499 : memref<4x4x8x128xf32, #tpu.memory_space<hbm>>)
      } else {
      }
      %mul3A_374 = arith.constant 50 : i32
      %mul3A_375 = arith.muli %add3A, %mul3A_374 : i32
      %add3A_376 = arith.addi %mul3A_375, %add3A_297 : i32
      %jit3A_377 = arith.constant 8 : i32
      %div3A_378 = arith.divsi %add3A_376, %jit3A_377 : i32
      %sign3A_379 = arith.constant 0 : i32
      %sign3A_380 = arith.cmpi sgt, %add3A_376, %sign3A_379 : i32
      %sign3A_381 = arith.extui %sign3A_380 : i1 to i32
      %sign3A_382 = arith.constant 0 : i32
      %sign3A_383 = arith.cmpi slt, %add3A_376, %sign3A_382 : i32
      %sign3A_384 = arith.extui %sign3A_383 : i1 to i32
      %sign3A_385 = arith.subi %sign3A_381, %sign3A_384 : i32
      %sign3A_386 = arith.constant 0 : i32
      %sign3A_387 = arith.cmpi sgt, %jit3A_377, %sign3A_386 : i32
      %sign3A_388 = arith.extui %sign3A_387 : i1 to i32
      %sign3A_389 = arith.constant 0 : i32
      %sign3A_390 = arith.cmpi slt, %jit3A_377, %sign3A_389 : i32
      %sign3A_391 = arith.extui %sign3A_390 : i1 to i32
      %sign3A_392 = arith.subi %sign3A_388, %sign3A_391 : i32
      %ne3A_393 = arith.cmpi ne, %sign3A_385, %sign3A_392 : i32
      %rem3A_394 = arith.remsi %add3A_376, %jit3A_377 : i32
      %ne3A_395 = arith.constant 0 : i32
      %ne3A_396 = arith.cmpi ne, %rem3A_394, %ne3A_395 : i32
      %and3A_397 = arith.andi %ne3A_393, %ne3A_396 : i1
      %sub3A_398 = arith.constant 1 : i32
      %sub3A_399 = arith.subi %div3A_378, %sub3A_398 : i32
      %select_n3A_400 = arith.select %and3A_397, %sub3A_399, %div3A_378 : i32
      %rem3A_401 = arith.constant 8 : i32
      %rem3A_402 = arith.remsi %add3A_376, %rem3A_401 : i32
      %broadcast_in_dim3A_403 = vector.broadcast %select_n3A_400 : i32 to vector<16xi32>
      %scan3A_404 = arith.constant 0 : i32
      %scan3A_405 = arith.constant 0 : i32
      %scan3A_406 = arith.constant 32 : i32
      %scan3A_407 = arith.addi %scan3A_405, %scan3A_406 : i32
      %scan3A_408 = arith.constant 1 : i32
      scf.for %scan3A_454 = %scan3A_405 to %scan3A_407 step %scan3A_408  : i32 {
        %jit3A_455 = arith.constant 16 : i32
        %div3A_456 = arith.divsi %scan3A_454, %jit3A_455 : i32
        %sign3A_457 = arith.constant 0 : i32
        %sign3A_458 = arith.cmpi sgt, %scan3A_454, %sign3A_457 : i32
        %sign3A_459 = arith.extui %sign3A_458 : i1 to i32
        %sign3A_460 = arith.constant 0 : i32
        %sign3A_461 = arith.cmpi slt, %scan3A_454, %sign3A_460 : i32
        %sign3A_462 = arith.extui %sign3A_461 : i1 to i32
        %sign3A_463 = arith.subi %sign3A_459, %sign3A_462 : i32
        %sign3A_464 = arith.constant 0 : i32
        %sign3A_465 = arith.cmpi sgt, %jit3A_455, %sign3A_464 : i32
        %sign3A_466 = arith.extui %sign3A_465 : i1 to i32
        %sign3A_467 = arith.constant 0 : i32
        %sign3A_468 = arith.cmpi slt, %jit3A_455, %sign3A_467 : i32
        %sign3A_469 = arith.extui %sign3A_468 : i1 to i32
        %sign3A_470 = arith.subi %sign3A_466, %sign3A_469 : i32
        %ne3A_471 = arith.cmpi ne, %sign3A_463, %sign3A_470 : i32
        %rem3A_472 = arith.remsi %scan3A_454, %jit3A_455 : i32
        %ne3A_473 = arith.constant 0 : i32
        %ne3A_474 = arith.cmpi ne, %rem3A_472, %ne3A_473 : i32
        %and3A_475 = arith.andi %ne3A_471, %ne3A_474 : i1
        %sub3A_476 = arith.constant 1 : i32
        %sub3A_477 = arith.subi %div3A_456, %sub3A_476 : i32
        %select_n3A_478 = arith.select %and3A_475, %sub3A_477, %div3A_456 : i32
        %mul3A_479 = arith.constant 16 : i32
        %mul3A_480 = arith.muli %select_n3A_478, %mul3A_479 : i32
        %rem3A_481 = arith.constant 16 : i32
        %rem3A_482 = arith.remsi %scan3A_454, %rem3A_481 : i32
        %add3A_483 = vector.broadcast %rem3A_482 : i32 to vector<16xi32>
        %add3A_484 = arith.addi %add3A_483, %iota3A : vector<16xi32>
        %and3A_485 = arith.constant 15 : i32
        %and3A_486 = vector.broadcast %and3A_485 : i32 to vector<16xi32>
        %and3A_487 = arith.andi %add3A_484, %and3A_486 : vector<16xi32>
        %add3A_488 = vector.broadcast %mul3A_480 : i32 to vector<16xi32>
        %add3A_489 = arith.addi %and3A_487, %add3A_488 : vector<16xi32>
        %shift_right_logical3A = arith.constant 3 : i32
        %shift_right_logical3A_490 = vector.broadcast %shift_right_logical3A : i32 to vector<16xi32>
        %shift_right_logical3A_491 = arith.shrui %add3A_489, %shift_right_logical3A_490 : vector<16xi32>
        %and3A_492 = arith.constant 7 : i32
        %and3A_493 = vector.broadcast %and3A_492 : i32 to vector<16xi32>
        %and3A_494 = arith.andi %add3A_489, %and3A_493 : vector<16xi32>
        %gather3A = tpu.vector_load_idx %arg7[%add3A_489, %broadcast_in_dim3A_403] : memref<32x257xf32, #tpu.memory_space<vmem>>[vector<16xi32>, vector<16xi32>], vector<16xf32>,
        %broadcast_in_dim3A_495 = arith.constant 0 : i32
        %broadcast_in_dim3A_496 = vector.broadcast %broadcast_in_dim3A_495 : i32 to vector<16xi32>
        %add3A_497 = arith.constant 0 : i32
        %add3A_498 = vector.broadcast %add3A_497 : i32 to vector<16xi32>
        %add3A_499 = arith.addi %iota3A, %add3A_498 : vector<16xi32>
        %gather3A_500 = tpu.vector_load_idx %arg9[%add3A_499, %add3A_489] : memref<512x32xf32, #tpu.memory_space<vmem>>[vector<16xi32>, vector<16xi32>], vector<16xf32>,
        %add3A_501 = arith.constant 0 : i32
        %add3A_502 = vector.broadcast %add3A_501 : i32 to vector<16xi32>
        %add3A_503 = arith.addi %iota3A, %add3A_502 : vector<16xi32>
        %add3A_504 = arith.addf %gather3A_500, %gather3A : vector<16xf32>
        tpu.vector_store_idx %arg11[%shift_right_logical3A_491, %broadcast_in_dim3A_496, %and3A_494, %add3A_503], %add3A_504 : memref<4x4x8x128xf32, #tpu.memory_space<vmem>>[vector<16xi32>, vector<16xi32>, vector<16xi32>, vector<16xi32>], vector<16xf32>,
        %add3A_505 = arith.constant 16 : i32
        %add3A_506 = vector.broadcast %add3A_505 : i32 to vector<16xi32>
        %add3A_507 = arith.addi %iota3A, %add3A_506 : vector<16xi32>
        %gather3A_508 = tpu.vector_load_idx %arg9[%add3A_507, %add3A_489] : memref<512x32xf32, #tpu.memory_space<vmem>>[vector<16xi32>, vector<16xi32>], vector<16xf32>,
        %add3A_509 = arith.constant 16 : i32
        %add3A_510 = vector.broadcast %add3A_509 : i32 to vector<16xi32>
        %add3A_511 = arith.addi %iota3A, %add3A_510 : vector<16xi32>
        %add3A_512 = arith.addf %gather3A_508, %gather3A : vector<16xf32>
        tpu.vector_store_idx %arg11[%shift_right_logical3A_491, %broadcast_in_dim3A_496, %and3A_494, %add3A_511], %add3A_512 : memref<4x4x8x128xf32, #tpu.memory_space<vmem>>[vector<16xi32>, vector<16xi32>, vector<16xi32>, vector<16xi32>], vector<16xf32>,
        %add3A_513 = arith.constant 32 : i32
        %add3A_514 = vector.broadcast %add3A_513 : i32 to vector<16xi32>
        %add3A_515 = arith.addi %iota3A, %add3A_514 : vector<16xi32>
        %gather3A_516 = tpu.vector_load_idx %arg9[%add3A_515, %add3A_489] : memref<512x32xf32, #tpu.memory_space<vmem>>[vector<16xi32>, vector<16xi32>], vector<16xf32>,
        %add3A_517 = arith.constant 32 : i32
        %add3A_518 = vector.broadcast %add3A_517 : i32 to vector<16xi32>
        %add3A_519 = arith.addi %iota3A, %add3A_518 : vector<16xi32>
        %add3A_520 = arith.addf %gather3A_516, %gather3A : vector<16xf32>
        tpu.vector_store_idx %arg11[%shift_right_logical3A_491, %broadcast_in_dim3A_496, %and3A_494, %add3A_519], %add3A_520 : memref<4x4x8x128xf32, #tpu.memory_space<vmem>>[vector<16xi32>, vector<16xi32>, vector<16xi32>, vector<16xi32>], vector<16xf32>,
        %add3A_521 = arith.constant 48 : i32
        %add3A_522 = vector.broadcast %add3A_521 : i32 to vector<16xi32>
        %add3A_523 = arith.addi %iota3A, %add3A_522 : vector<16xi32>
        %gather3A_524 = tpu.vector_load_idx %arg9[%add3A_523, %add3A_489] : memref<512x32xf32, #tpu.memory_space<vmem>>[vector<16xi32>, vector<16xi32>], vector<16xf32>,
        %add3A_525 = arith.constant 48 : i32
        %add3A_526 = vector.broadcast %add3A_525 : i32 to vector<16xi32>
        %add3A_527 = arith.addi %iota3A, %add3A_526 : vector<16xi32>
        %add3A_528 = arith.addf %gather3A_524, %gather3A : vector<16xf32>
        tpu.vector_store_idx %arg11[%shift_right_logical3A_491, %broadcast_in_dim3A_496, %and3A_494, %add3A_527], %add3A_528 : memref<4x4x8x128xf32, #tpu.memory_space<vmem>>[vector<16xi32>, vector<16xi32>, vector<16xi32>, vector<16xi32>], vector<16xf32>,
        %add3A_529 = arith.constant 64 : i32
        %add3A_530 = vector.broadcast %add3A_529 : i32 to vector<16xi32>
        %add3A_531 = arith.addi %iota3A, %add3A_530 : vector<16xi32>
        %gather3A_532 = tpu.vector_load_idx %arg9[%add3A_531, %add3A_489] : memref<512x32xf32, #tpu.memory_space<vmem>>[vector<16xi32>, vector<16xi32>], vector<16xf32>,
        %add3A_533 = arith.constant 64 : i32
        %add3A_534 = vector.broadcast %add3A_533 : i32 to vector<16xi32>
        %add3A_535 = arith.addi %iota3A, %add3A_534 : vector<16xi32>
        %add3A_536 = arith.addf %gather3A_532, %gather3A : vector<16xf32>
        tpu.vector_store_idx %arg11[%shift_right_logical3A_491, %broadcast_in_dim3A_496, %and3A_494, %add3A_535], %add3A_536 : memref<4x4x8x128xf32, #tpu.memory_space<vmem>>[vector<16xi32>, vector<16xi32>, vector<16xi32>, vector<16xi32>], vector<16xf32>,
        %add3A_537 = arith.constant 80 : i32
        %add3A_538 = vector.broadcast %add3A_537 : i32 to vector<16xi32>
        %add3A_539 = arith.addi %iota3A, %add3A_538 : vector<16xi32>
        %gather3A_540 = tpu.vector_load_idx %arg9[%add3A_539, %add3A_489] : memref<512x32xf32, #tpu.memory_space<vmem>>[vector<16xi32>, vector<16xi32>], vector<16xf32>,
        %add3A_541 = arith.constant 80 : i32
        %add3A_542 = vector.broadcast %add3A_541 : i32 to vector<16xi32>
        %add3A_543 = arith.addi %iota3A, %add3A_542 : vector<16xi32>
        %add3A_544 = arith.addf %gather3A_540, %gather3A : vector<16xf32>
        tpu.vector_store_idx %arg11[%shift_right_logical3A_491, %broadcast_in_dim3A_496, %and3A_494, %add3A_543], %add3A_544 : memref<4x4x8x128xf32, #tpu.memory_space<vmem>>[vector<16xi32>, vector<16xi32>, vector<16xi32>, vector<16xi32>], vector<16xf32>,
        %add3A_545 = arith.constant 96 : i32
        %add3A_546 = vector.broadcast %add3A_545 : i32 to vector<16xi32>
        %add3A_547 = arith.addi %iota3A, %add3A_546 : vector<16xi32>
        %gather3A_548 = tpu.vector_load_idx %arg9[%add3A_547, %add3A_489] : memref<512x32xf32, #tpu.memory_space<vmem>>[vector<16xi32>, vector<16xi32>], vector<16xf32>,
        %add3A_549 = arith.constant 96 : i32
        %add3A_550 = vector.broadcast %add3A_549 : i32 to vector<16xi32>
        %add3A_551 = arith.addi %iota3A, %add3A_550 : vector<16xi32>
        %add3A_552 = arith.addf %gather3A_548, %gather3A : vector<16xf32>
        tpu.vector_store_idx %arg11[%shift_right_logical3A_491, %broadcast_in_dim3A_496, %and3A_494, %add3A_551], %add3A_552 : memref<4x4x8x128xf32, #tpu.memory_space<vmem>>[vector<16xi32>, vector<16xi32>, vector<16xi32>, vector<16xi32>], vector<16xf32>,
        %add3A_553 = arith.constant 112 : i32
        %add3A_554 = vector.broadcast %add3A_553 : i32 to vector<16xi32>
        %add3A_555 = arith.addi %iota3A, %add3A_554 : vector<16xi32>
        %gather3A_556 = tpu.vector_load_idx %arg9[%add3A_555, %add3A_489] : memref<512x32xf32, #tpu.memory_space<vmem>>[vector<16xi32>, vector<16xi32>], vector<16xf32>,
        %add3A_557 = arith.constant 112 : i32
        %add3A_558 = vector.broadcast %add3A_557 : i32 to vector<16xi32>
        %add3A_559 = arith.addi %iota3A, %add3A_558 : vector<16xi32>
        %add3A_560 = arith.addf %gather3A_556, %gather3A : vector<16xf32>
        tpu.vector_store_idx %arg11[%shift_right_logical3A_491, %broadcast_in_dim3A_496, %and3A_494, %add3A_559], %add3A_560 : memref<4x4x8x128xf32, #tpu.memory_space<vmem>>[vector<16xi32>, vector<16xi32>, vector<16xi32>, vector<16xi32>], vector<16xf32>,
        %broadcast_in_dim3A_561 = arith.constant 1 : i32
        %broadcast_in_dim3A_562 = vector.broadcast %broadcast_in_dim3A_561 : i32 to vector<16xi32>
        %add3A_563 = arith.constant 128 : i32
        %add3A_564 = vector.broadcast %add3A_563 : i32 to vector<16xi32>
        %add3A_565 = arith.addi %iota3A, %add3A_564 : vector<16xi32>
        %gather3A_566 = tpu.vector_load_idx %arg9[%add3A_565, %add3A_489] : memref<512x32xf32, #tpu.memory_space<vmem>>[vector<16xi32>, vector<16xi32>], vector<16xf32>,
        %add3A_567 = arith.constant 0 : i32
        %add3A_568 = vector.broadcast %add3A_567 : i32 to vector<16xi32>
        %add3A_569 = arith.addi %iota3A, %add3A_568 : vector<16xi32>
        %add3A_570 = arith.addf %gather3A_566, %gather3A : vector<16xf32>
        tpu.vector_store_idx %arg11[%shift_right_logical3A_491, %broadcast_in_dim3A_562, %and3A_494, %add3A_569], %add3A_570 : memref<4x4x8x128xf32, #tpu.memory_space<vmem>>[vector<16xi32>, vector<16xi32>, vector<16xi32>, vector<16xi32>], vector<16xf32>,
        %add3A_571 = arith.constant 144 : i32
        %add3A_572 = vector.broadcast %add3A_571 : i32 to vector<16xi32>
        %add3A_573 = arith.addi %iota3A, %add3A_572 : vector<16xi32>
        %gather3A_574 = tpu.vector_load_idx %arg9[%add3A_573, %add3A_489] : memref<512x32xf32, #tpu.memory_space<vmem>>[vector<16xi32>, vector<16xi32>], vector<16xf32>,
        %add3A_575 = arith.constant 16 : i32
        %add3A_576 = vector.broadcast %add3A_575 : i32 to vector<16xi32>
        %add3A_577 = arith.addi %iota3A, %add3A_576 : vector<16xi32>
        %add3A_578 = arith.addf %gather3A_574, %gather3A : vector<16xf32>
        tpu.vector_store_idx %arg11[%shift_right_logical3A_491, %broadcast_in_dim3A_562, %and3A_494, %add3A_577], %add3A_578 : memref<4x4x8x128xf32, #tpu.memory_space<vmem>>[vector<16xi32>, vector<16xi32>, vector<16xi32>, vector<16xi32>], vector<16xf32>,
        %add3A_579 = arith.constant 160 : i32
        %add3A_580 = vector.broadcast %add3A_579 : i32 to vector<16xi32>
        %add3A_581 = arith.addi %iota3A, %add3A_580 : vector<16xi32>
        %gather3A_582 = tpu.vector_load_idx %arg9[%add3A_581, %add3A_489] : memref<512x32xf32, #tpu.memory_space<vmem>>[vector<16xi32>, vector<16xi32>], vector<16xf32>,
        %add3A_583 = arith.constant 32 : i32
        %add3A_584 = vector.broadcast %add3A_583 : i32 to vector<16xi32>
        %add3A_585 = arith.addi %iota3A, %add3A_584 : vector<16xi32>
        %add3A_586 = arith.addf %gather3A_582, %gather3A : vector<16xf32>
        tpu.vector_store_idx %arg11[%shift_right_logical3A_491, %broadcast_in_dim3A_562, %and3A_494, %add3A_585], %add3A_586 : memref<4x4x8x128xf32, #tpu.memory_space<vmem>>[vector<16xi32>, vector<16xi32>, vector<16xi32>, vector<16xi32>], vector<16xf32>,
        %add3A_587 = arith.constant 176 : i32
        %add3A_588 = vector.broadcast %add3A_587 : i32 to vector<16xi32>
        %add3A_589 = arith.addi %iota3A, %add3A_588 : vector<16xi32>
        %gather3A_590 = tpu.vector_load_idx %arg9[%add3A_589, %add3A_489] : memref<512x32xf32, #tpu.memory_space<vmem>>[vector<16xi32>, vector<16xi32>], vector<16xf32>,
        %add3A_591 = arith.constant 48 : i32
        %add3A_592 = vector.broadcast %add3A_591 : i32 to vector<16xi32>
        %add3A_593 = arith.addi %iota3A, %add3A_592 : vector<16xi32>
        %add3A_594 = arith.addf %gather3A_590, %gather3A : vector<16xf32>
        tpu.vector_store_idx %arg11[%shift_right_logical3A_491, %broadcast_in_dim3A_562, %and3A_494, %add3A_593], %add3A_594 : memref<4x4x8x128xf32, #tpu.memory_space<vmem>>[vector<16xi32>, vector<16xi32>, vector<16xi32>, vector<16xi32>], vector<16xf32>,
        %add3A_595 = arith.constant 192 : i32
        %add3A_596 = vector.broadcast %add3A_595 : i32 to vector<16xi32>
        %add3A_597 = arith.addi %iota3A, %add3A_596 : vector<16xi32>
        %gather3A_598 = tpu.vector_load_idx %arg9[%add3A_597, %add3A_489] : memref<512x32xf32, #tpu.memory_space<vmem>>[vector<16xi32>, vector<16xi32>], vector<16xf32>,
        %add3A_599 = arith.constant 64 : i32
        %add3A_600 = vector.broadcast %add3A_599 : i32 to vector<16xi32>
        %add3A_601 = arith.addi %iota3A, %add3A_600 : vector<16xi32>
        %add3A_602 = arith.addf %gather3A_598, %gather3A : vector<16xf32>
        tpu.vector_store_idx %arg11[%shift_right_logical3A_491, %broadcast_in_dim3A_562, %and3A_494, %add3A_601], %add3A_602 : memref<4x4x8x128xf32, #tpu.memory_space<vmem>>[vector<16xi32>, vector<16xi32>, vector<16xi32>, vector<16xi32>], vector<16xf32>,
        %add3A_603 = arith.constant 208 : i32
        %add3A_604 = vector.broadcast %add3A_603 : i32 to vector<16xi32>
        %add3A_605 = arith.addi %iota3A, %add3A_604 : vector<16xi32>
        %gather3A_606 = tpu.vector_load_idx %arg9[%add3A_605, %add3A_489] : memref<512x32xf32, #tpu.memory_space<vmem>>[vector<16xi32>, vector<16xi32>], vector<16xf32>,
        %add3A_607 = arith.constant 80 : i32
        %add3A_608 = vector.broadcast %add3A_607 : i32 to vector<16xi32>
        %add3A_609 = arith.addi %iota3A, %add3A_608 : vector<16xi32>
        %add3A_610 = arith.addf %gather3A_606, %gather3A : vector<16xf32>
        tpu.vector_store_idx %arg11[%shift_right_logical3A_491, %broadcast_in_dim3A_562, %and3A_494, %add3A_609], %add3A_610 : memref<4x4x8x128xf32, #tpu.memory_space<vmem>>[vector<16xi32>, vector<16xi32>, vector<16xi32>, vector<16xi32>], vector<16xf32>,
        %add3A_611 = arith.constant 224 : i32
        %add3A_612 = vector.broadcast %add3A_611 : i32 to vector<16xi32>
        %add3A_613 = arith.addi %iota3A, %add3A_612 : vector<16xi32>
        %gather3A_614 = tpu.vector_load_idx %arg9[%add3A_613, %add3A_489] : memref<512x32xf32, #tpu.memory_space<vmem>>[vector<16xi32>, vector<16xi32>], vector<16xf32>,
        %add3A_615 = arith.constant 96 : i32
        %add3A_616 = vector.broadcast %add3A_615 : i32 to vector<16xi32>
        %add3A_617 = arith.addi %iota3A, %add3A_616 : vector<16xi32>
        %add3A_618 = arith.addf %gather3A_614, %gather3A : vector<16xf32>
        tpu.vector_store_idx %arg11[%shift_right_logical3A_491, %broadcast_in_dim3A_562, %and3A_494, %add3A_617], %add3A_618 : memref<4x4x8x128xf32, #tpu.memory_space<vmem>>[vector<16xi32>, vector<16xi32>, vector<16xi32>, vector<16xi32>], vector<16xf32>,
        %add3A_619 = arith.constant 240 : i32
        %add3A_620 = vector.broadcast %add3A_619 : i32 to vector<16xi32>
        %add3A_621 = arith.addi %iota3A, %add3A_620 : vector<16xi32>
        %gather3A_622 = tpu.vector_load_idx %arg9[%add3A_621, %add3A_489] : memref<512x32xf32, #tpu.memory_space<vmem>>[vector<16xi32>, vector<16xi32>], vector<16xf32>,
        %add3A_623 = arith.constant 112 : i32
        %add3A_624 = vector.broadcast %add3A_623 : i32 to vector<16xi32>
        %add3A_625 = arith.addi %iota3A, %add3A_624 : vector<16xi32>
        %add3A_626 = arith.addf %gather3A_622, %gather3A : vector<16xf32>
        tpu.vector_store_idx %arg11[%shift_right_logical3A_491, %broadcast_in_dim3A_562, %and3A_494, %add3A_625], %add3A_626 : memref<4x4x8x128xf32, #tpu.memory_space<vmem>>[vector<16xi32>, vector<16xi32>, vector<16xi32>, vector<16xi32>], vector<16xf32>,
        %broadcast_in_dim3A_627 = arith.constant 2 : i32
        %broadcast_in_dim3A_628 = vector.broadcast %broadcast_in_dim3A_627 : i32 to vector<16xi32>
        %add3A_629 = arith.constant 256 : i32
        %add3A_630 = vector.broadcast %add3A_629 : i32 to vector<16xi32>
        %add3A_631 = arith.addi %iota3A, %add3A_630 : vector<16xi32>
        %gather3A_632 = tpu.vector_load_idx %arg9[%add3A_631, %add3A_489] : memref<512x32xf32, #tpu.memory_space<vmem>>[vector<16xi32>, vector<16xi32>], vector<16xf32>,
        %add3A_633 = arith.constant 0 : i32
        %add3A_634 = vector.broadcast %add3A_633 : i32 to vector<16xi32>
        %add3A_635 = arith.addi %iota3A, %add3A_634 : vector<16xi32>
        %add3A_636 = arith.addf %gather3A_632, %gather3A : vector<16xf32>
        tpu.vector_store_idx %arg11[%shift_right_logical3A_491, %broadcast_in_dim3A_628, %and3A_494, %add3A_635], %add3A_636 : memref<4x4x8x128xf32, #tpu.memory_space<vmem>>[vector<16xi32>, vector<16xi32>, vector<16xi32>, vector<16xi32>], vector<16xf32>,
        %add3A_637 = arith.constant 272 : i32
        %add3A_638 = vector.broadcast %add3A_637 : i32 to vector<16xi32>
        %add3A_639 = arith.addi %iota3A, %add3A_638 : vector<16xi32>
        %gather3A_640 = tpu.vector_load_idx %arg9[%add3A_639, %add3A_489] : memref<512x32xf32, #tpu.memory_space<vmem>>[vector<16xi32>, vector<16xi32>], vector<16xf32>,
        %add3A_641 = arith.constant 16 : i32
        %add3A_642 = vector.broadcast %add3A_641 : i32 to vector<16xi32>
        %add3A_643 = arith.addi %iota3A, %add3A_642 : vector<16xi32>
        %add3A_644 = arith.addf %gather3A_640, %gather3A : vector<16xf32>
        tpu.vector_store_idx %arg11[%shift_right_logical3A_491, %broadcast_in_dim3A_628, %and3A_494, %add3A_643], %add3A_644 : memref<4x4x8x128xf32, #tpu.memory_space<vmem>>[vector<16xi32>, vector<16xi32>, vector<16xi32>, vector<16xi32>], vector<16xf32>,
        %add3A_645 = arith.constant 288 : i32
        %add3A_646 = vector.broadcast %add3A_645 : i32 to vector<16xi32>
        %add3A_647 = arith.addi %iota3A, %add3A_646 : vector<16xi32>
        %gather3A_648 = tpu.vector_load_idx %arg9[%add3A_647, %add3A_489] : memref<512x32xf32, #tpu.memory_space<vmem>>[vector<16xi32>, vector<16xi32>], vector<16xf32>,
        %add3A_649 = arith.constant 32 : i32
        %add3A_650 = vector.broadcast %add3A_649 : i32 to vector<16xi32>
        %add3A_651 = arith.addi %iota3A, %add3A_650 : vector<16xi32>
        %add3A_652 = arith.addf %gather3A_648, %gather3A : vector<16xf32>
        tpu.vector_store_idx %arg11[%shift_right_logical3A_491, %broadcast_in_dim3A_628, %and3A_494, %add3A_651], %add3A_652 : memref<4x4x8x128xf32, #tpu.memory_space<vmem>>[vector<16xi32>, vector<16xi32>, vector<16xi32>, vector<16xi32>], vector<16xf32>,
        %add3A_653 = arith.constant 304 : i32
        %add3A_654 = vector.broadcast %add3A_653 : i32 to vector<16xi32>
        %add3A_655 = arith.addi %iota3A, %add3A_654 : vector<16xi32>
        %gather3A_656 = tpu.vector_load_idx %arg9[%add3A_655, %add3A_489] : memref<512x32xf32, #tpu.memory_space<vmem>>[vector<16xi32>, vector<16xi32>], vector<16xf32>,
        %add3A_657 = arith.constant 48 : i32
        %add3A_658 = vector.broadcast %add3A_657 : i32 to vector<16xi32>
        %add3A_659 = arith.addi %iota3A, %add3A_658 : vector<16xi32>
        %add3A_660 = arith.addf %gather3A_656, %gather3A : vector<16xf32>
        tpu.vector_store_idx %arg11[%shift_right_logical3A_491, %broadcast_in_dim3A_628, %and3A_494, %add3A_659], %add3A_660 : memref<4x4x8x128xf32, #tpu.memory_space<vmem>>[vector<16xi32>, vector<16xi32>, vector<16xi32>, vector<16xi32>], vector<16xf32>,
        %add3A_661 = arith.constant 320 : i32
        %add3A_662 = vector.broadcast %add3A_661 : i32 to vector<16xi32>
        %add3A_663 = arith.addi %iota3A, %add3A_662 : vector<16xi32>
        %gather3A_664 = tpu.vector_load_idx %arg9[%add3A_663, %add3A_489] : memref<512x32xf32, #tpu.memory_space<vmem>>[vector<16xi32>, vector<16xi32>], vector<16xf32>,
        %add3A_665 = arith.constant 64 : i32
        %add3A_666 = vector.broadcast %add3A_665 : i32 to vector<16xi32>
        %add3A_667 = arith.addi %iota3A, %add3A_666 : vector<16xi32>
        %add3A_668 = arith.addf %gather3A_664, %gather3A : vector<16xf32>
        tpu.vector_store_idx %arg11[%shift_right_logical3A_491, %broadcast_in_dim3A_628, %and3A_494, %add3A_667], %add3A_668 : memref<4x4x8x128xf32, #tpu.memory_space<vmem>>[vector<16xi32>, vector<16xi32>, vector<16xi32>, vector<16xi32>], vector<16xf32>,
        %add3A_669 = arith.constant 336 : i32
        %add3A_670 = vector.broadcast %add3A_669 : i32 to vector<16xi32>
        %add3A_671 = arith.addi %iota3A, %add3A_670 : vector<16xi32>
        %gather3A_672 = tpu.vector_load_idx %arg9[%add3A_671, %add3A_489] : memref<512x32xf32, #tpu.memory_space<vmem>>[vector<16xi32>, vector<16xi32>], vector<16xf32>,
        %add3A_673 = arith.constant 80 : i32
        %add3A_674 = vector.broadcast %add3A_673 : i32 to vector<16xi32>
        %add3A_675 = arith.addi %iota3A, %add3A_674 : vector<16xi32>
        %add3A_676 = arith.addf %gather3A_672, %gather3A : vector<16xf32>
        tpu.vector_store_idx %arg11[%shift_right_logical3A_491, %broadcast_in_dim3A_628, %and3A_494, %add3A_675], %add3A_676 : memref<4x4x8x128xf32, #tpu.memory_space<vmem>>[vector<16xi32>, vector<16xi32>, vector<16xi32>, vector<16xi32>], vector<16xf32>,
        %add3A_677 = arith.constant 352 : i32
        %add3A_678 = vector.broadcast %add3A_677 : i32 to vector<16xi32>
        %add3A_679 = arith.addi %iota3A, %add3A_678 : vector<16xi32>
        %gather3A_680 = tpu.vector_load_idx %arg9[%add3A_679, %add3A_489] : memref<512x32xf32, #tpu.memory_space<vmem>>[vector<16xi32>, vector<16xi32>], vector<16xf32>,
        %add3A_681 = arith.constant 96 : i32
        %add3A_682 = vector.broadcast %add3A_681 : i32 to vector<16xi32>
        %add3A_683 = arith.addi %iota3A, %add3A_682 : vector<16xi32>
        %add3A_684 = arith.addf %gather3A_680, %gather3A : vector<16xf32>
        tpu.vector_store_idx %arg11[%shift_right_logical3A_491, %broadcast_in_dim3A_628, %and3A_494, %add3A_683], %add3A_684 : memref<4x4x8x128xf32, #tpu.memory_space<vmem>>[vector<16xi32>, vector<16xi32>, vector<16xi32>, vector<16xi32>], vector<16xf32>,
        %add3A_685 = arith.constant 368 : i32
        %add3A_686 = vector.broadcast %add3A_685 : i32 to vector<16xi32>
        %add3A_687 = arith.addi %iota3A, %add3A_686 : vector<16xi32>
        %gather3A_688 = tpu.vector_load_idx %arg9[%add3A_687, %add3A_489] : memref<512x32xf32, #tpu.memory_space<vmem>>[vector<16xi32>, vector<16xi32>], vector<16xf32>,
        %add3A_689 = arith.constant 112 : i32
        %add3A_690 = vector.broadcast %add3A_689 : i32 to vector<16xi32>
        %add3A_691 = arith.addi %iota3A, %add3A_690 : vector<16xi32>
        %add3A_692 = arith.addf %gather3A_688, %gather3A : vector<16xf32>
        tpu.vector_store_idx %arg11[%shift_right_logical3A_491, %broadcast_in_dim3A_628, %and3A_494, %add3A_691], %add3A_692 : memref<4x4x8x128xf32, #tpu.memory_space<vmem>>[vector<16xi32>, vector<16xi32>, vector<16xi32>, vector<16xi32>], vector<16xf32>,
        %broadcast_in_dim3A_693 = arith.constant 3 : i32
        %broadcast_in_dim3A_694 = vector.broadcast %broadcast_in_dim3A_693 : i32 to vector<16xi32>
        %add3A_695 = arith.constant 384 : i32
        %add3A_696 = vector.broadcast %add3A_695 : i32 to vector<16xi32>
        %add3A_697 = arith.addi %iota3A, %add3A_696 : vector<16xi32>
        %gather3A_698 = tpu.vector_load_idx %arg9[%add3A_697, %add3A_489] : memref<512x32xf32, #tpu.memory_space<vmem>>[vector<16xi32>, vector<16xi32>], vector<16xf32>,
        %add3A_699 = arith.constant 0 : i32
        %add3A_700 = vector.broadcast %add3A_699 : i32 to vector<16xi32>
        %add3A_701 = arith.addi %iota3A, %add3A_700 : vector<16xi32>
        %add3A_702 = arith.addf %gather3A_698, %gather3A : vector<16xf32>
        tpu.vector_store_idx %arg11[%shift_right_logical3A_491, %broadcast_in_dim3A_694, %and3A_494, %add3A_701], %add3A_702 : memref<4x4x8x128xf32, #tpu.memory_space<vmem>>[vector<16xi32>, vector<16xi32>, vector<16xi32>, vector<16xi32>], vector<16xf32>,
        %add3A_703 = arith.constant 400 : i32
        %add3A_704 = vector.broadcast %add3A_703 : i32 to vector<16xi32>
        %add3A_705 = arith.addi %iota3A, %add3A_704 : vector<16xi32>
        %gather3A_706 = tpu.vector_load_idx %arg9[%add3A_705, %add3A_489] : memref<512x32xf32, #tpu.memory_space<vmem>>[vector<16xi32>, vector<16xi32>], vector<16xf32>,
        %add3A_707 = arith.constant 16 : i32
        %add3A_708 = vector.broadcast %add3A_707 : i32 to vector<16xi32>
        %add3A_709 = arith.addi %iota3A, %add3A_708 : vector<16xi32>
        %add3A_710 = arith.addf %gather3A_706, %gather3A : vector<16xf32>
        tpu.vector_store_idx %arg11[%shift_right_logical3A_491, %broadcast_in_dim3A_694, %and3A_494, %add3A_709], %add3A_710 : memref<4x4x8x128xf32, #tpu.memory_space<vmem>>[vector<16xi32>, vector<16xi32>, vector<16xi32>, vector<16xi32>], vector<16xf32>,
        %add3A_711 = arith.constant 416 : i32
        %add3A_712 = vector.broadcast %add3A_711 : i32 to vector<16xi32>
        %add3A_713 = arith.addi %iota3A, %add3A_712 : vector<16xi32>
        %gather3A_714 = tpu.vector_load_idx %arg9[%add3A_713, %add3A_489] : memref<512x32xf32, #tpu.memory_space<vmem>>[vector<16xi32>, vector<16xi32>], vector<16xf32>,
        %add3A_715 = arith.constant 32 : i32
        %add3A_716 = vector.broadcast %add3A_715 : i32 to vector<16xi32>
        %add3A_717 = arith.addi %iota3A, %add3A_716 : vector<16xi32>
        %add3A_718 = arith.addf %gather3A_714, %gather3A : vector<16xf32>
        tpu.vector_store_idx %arg11[%shift_right_logical3A_491, %broadcast_in_dim3A_694, %and3A_494, %add3A_717], %add3A_718 : memref<4x4x8x128xf32, #tpu.memory_space<vmem>>[vector<16xi32>, vector<16xi32>, vector<16xi32>, vector<16xi32>], vector<16xf32>,
        %add3A_719 = arith.constant 432 : i32
        %add3A_720 = vector.broadcast %add3A_719 : i32 to vector<16xi32>
        %add3A_721 = arith.addi %iota3A, %add3A_720 : vector<16xi32>
        %gather3A_722 = tpu.vector_load_idx %arg9[%add3A_721, %add3A_489] : memref<512x32xf32, #tpu.memory_space<vmem>>[vector<16xi32>, vector<16xi32>], vector<16xf32>,
        %add3A_723 = arith.constant 48 : i32
        %add3A_724 = vector.broadcast %add3A_723 : i32 to vector<16xi32>
        %add3A_725 = arith.addi %iota3A, %add3A_724 : vector<16xi32>
        %add3A_726 = arith.addf %gather3A_722, %gather3A : vector<16xf32>
        tpu.vector_store_idx %arg11[%shift_right_logical3A_491, %broadcast_in_dim3A_694, %and3A_494, %add3A_725], %add3A_726 : memref<4x4x8x128xf32, #tpu.memory_space<vmem>>[vector<16xi32>, vector<16xi32>, vector<16xi32>, vector<16xi32>], vector<16xf32>,
        %add3A_727 = arith.constant 448 : i32
        %add3A_728 = vector.broadcast %add3A_727 : i32 to vector<16xi32>
        %add3A_729 = arith.addi %iota3A, %add3A_728 : vector<16xi32>
        %gather3A_730 = tpu.vector_load_idx %arg9[%add3A_729, %add3A_489] : memref<512x32xf32, #tpu.memory_space<vmem>>[vector<16xi32>, vector<16xi32>], vector<16xf32>,
        %add3A_731 = arith.constant 64 : i32
        %add3A_732 = vector.broadcast %add3A_731 : i32 to vector<16xi32>
        %add3A_733 = arith.addi %iota3A, %add3A_732 : vector<16xi32>
        %add3A_734 = arith.addf %gather3A_730, %gather3A : vector<16xf32>
        tpu.vector_store_idx %arg11[%shift_right_logical3A_491, %broadcast_in_dim3A_694, %and3A_494, %add3A_733], %add3A_734 : memref<4x4x8x128xf32, #tpu.memory_space<vmem>>[vector<16xi32>, vector<16xi32>, vector<16xi32>, vector<16xi32>], vector<16xf32>,
        %add3A_735 = arith.constant 464 : i32
        %add3A_736 = vector.broadcast %add3A_735 : i32 to vector<16xi32>
        %add3A_737 = arith.addi %iota3A, %add3A_736 : vector<16xi32>
        %gather3A_738 = tpu.vector_load_idx %arg9[%add3A_737, %add3A_489] : memref<512x32xf32, #tpu.memory_space<vmem>>[vector<16xi32>, vector<16xi32>], vector<16xf32>,
        %add3A_739 = arith.constant 80 : i32
        %add3A_740 = vector.broadcast %add3A_739 : i32 to vector<16xi32>
        %add3A_741 = arith.addi %iota3A, %add3A_740 : vector<16xi32>
        %add3A_742 = arith.addf %gather3A_738, %gather3A : vector<16xf32>
        tpu.vector_store_idx %arg11[%shift_right_logical3A_491, %broadcast_in_dim3A_694, %and3A_494, %add3A_741], %add3A_742 : memref<4x4x8x128xf32, #tpu.memory_space<vmem>>[vector<16xi32>, vector<16xi32>, vector<16xi32>, vector<16xi32>], vector<16xf32>,
        %add3A_743 = arith.constant 480 : i32
        %add3A_744 = vector.broadcast %add3A_743 : i32 to vector<16xi32>
        %add3A_745 = arith.addi %iota3A, %add3A_744 : vector<16xi32>
        %gather3A_746 = tpu.vector_load_idx %arg9[%add3A_745, %add3A_489] : memref<512x32xf32, #tpu.memory_space<vmem>>[vector<16xi32>, vector<16xi32>], vector<16xf32>,
        %add3A_747 = arith.constant 96 : i32
        %add3A_748 = vector.broadcast %add3A_747 : i32 to vector<16xi32>
        %add3A_749 = arith.addi %iota3A, %add3A_748 : vector<16xi32>
        %add3A_750 = arith.addf %gather3A_746, %gather3A : vector<16xf32>
        tpu.vector_store_idx %arg11[%shift_right_logical3A_491, %broadcast_in_dim3A_694, %and3A_494, %add3A_749], %add3A_750 : memref<4x4x8x128xf32, #tpu.memory_space<vmem>>[vector<16xi32>, vector<16xi32>, vector<16xi32>, vector<16xi32>], vector<16xf32>,
        %add3A_751 = arith.constant 496 : i32
        %add3A_752 = vector.broadcast %add3A_751 : i32 to vector<16xi32>
        %add3A_753 = arith.addi %iota3A, %add3A_752 : vector<16xi32>
        %gather3A_754 = tpu.vector_load_idx %arg9[%add3A_753, %add3A_489] : memref<512x32xf32, #tpu.memory_space<vmem>>[vector<16xi32>, vector<16xi32>], vector<16xf32>,
        %add3A_755 = arith.constant 112 : i32
        %add3A_756 = vector.broadcast %add3A_755 : i32 to vector<16xi32>
        %add3A_757 = arith.addi %iota3A, %add3A_756 : vector<16xi32>
        %add3A_758 = arith.addf %gather3A_754, %gather3A : vector<16xf32>
        tpu.vector_store_idx %arg11[%shift_right_logical3A_491, %broadcast_in_dim3A_694, %and3A_494, %add3A_757], %add3A_758 : memref<4x4x8x128xf32, #tpu.memory_space<vmem>>[vector<16xi32>, vector<16xi32>, vector<16xi32>, vector<16xi32>], vector<16xf32>,
      }
      %scan3A_409 = arith.constant 32 : i32
      %mul3A_410 = arith.constant 50 : i32
      %mul3A_411 = arith.muli %add3A, %mul3A_410 : i32
      %add3A_412 = arith.addi %mul3A_411, %add3A_297 : i32
      %jit3A_413 = arith.constant 8 : i32
      %div3A_414 = arith.divsi %add3A_412, %jit3A_413 : i32
      %sign3A_415 = arith.constant 0 : i32
      %sign3A_416 = arith.cmpi sgt, %add3A_412, %sign3A_415 : i32
      %sign3A_417 = arith.extui %sign3A_416 : i1 to i32
      %sign3A_418 = arith.constant 0 : i32
      %sign3A_419 = arith.cmpi slt, %add3A_412, %sign3A_418 : i32
      %sign3A_420 = arith.extui %sign3A_419 : i1 to i32
      %sign3A_421 = arith.subi %sign3A_417, %sign3A_420 : i32
      %sign3A_422 = arith.constant 0 : i32
      %sign3A_423 = arith.cmpi sgt, %jit3A_413, %sign3A_422 : i32
      %sign3A_424 = arith.extui %sign3A_423 : i1 to i32
      %sign3A_425 = arith.constant 0 : i32
      %sign3A_426 = arith.cmpi slt, %jit3A_413, %sign3A_425 : i32
      %sign3A_427 = arith.extui %sign3A_426 : i1 to i32
      %sign3A_428 = arith.subi %sign3A_424, %sign3A_427 : i32
      %ne3A_429 = arith.cmpi ne, %sign3A_421, %sign3A_428 : i32
      %rem3A_430 = arith.remsi %add3A_412, %jit3A_413 : i32
      %ne3A_431 = arith.constant 0 : i32
      %ne3A_432 = arith.cmpi ne, %rem3A_430, %ne3A_431 : i32
      %and3A_433 = arith.andi %ne3A_429, %ne3A_432 : i1
      %sub3A_434 = arith.constant 1 : i32
      %sub3A_435 = arith.subi %div3A_414, %sub3A_434 : i32
      %select_n3A_436 = arith.select %and3A_433, %sub3A_435, %div3A_414 : i32
      %rem3A_437 = arith.constant 8 : i32
      %rem3A_438 = arith.remsi %add3A_412, %rem3A_437 : i32
      %mul3A_439 = arith.constant 4 : i32
      %mul3A_440 = arith.muli %rem3A_438, %mul3A_439 : i32
      %dma_start3A_441 = arith.constant 1 : i32
      %dma_start3A_442 = arith.constant 0 : i32
      %dma_start3A_443 = arith.constant 0 : i32
      %dma_start3A_444 = arith.constant 0 : i32
      %dma_start3A_445 = tpu.memref_slice %arg5[%select_n3A_436, %dma_start3A_442, %mul3A_440, %dma_start3A_443, %dma_start3A_444] : memref<200x4x32x8x128xf32, #tpu.memory_space<hbm>> -> memref<1x4x4x8x128xf32, #tpu.memory_space<hbm>>
      %dma_start3A_446 = tpu.memref_squeeze %dma_start3A_445 : memref<1x4x4x8x128xf32, #tpu.memory_space<hbm>> -> memref<4x4x8x128xf32, #tpu.memory_space<hbm>>
      %dma_start3A_447 = tpu.memref_slice %arg13[%dma_start3A_441] : memref<2x!tpu.dma_semaphore, #tpu.memory_space<semaphore_mem>> -> memref<1x!tpu.dma_semaphore, #tpu.memory_space<semaphore_mem>>
      %dma_start3A_448 = tpu.memref_squeeze %dma_start3A_447 : memref<1x!tpu.dma_semaphore, #tpu.memory_space<semaphore_mem>> -> memref<!tpu.dma_semaphore, #tpu.memory_space<semaphore_mem>>
      %dma_start3A_449 = arith.constant 0 : i32
      %dma_start3A_450 = arith.constant 0 : i32
      %dma_start3A_451 = arith.constant 0 : i32
      %dma_start3A_452 = tpu.memref_slice %arg5[%select_n3A_436, %dma_start3A_449, %mul3A_440, %dma_start3A_450, %dma_start3A_451] : memref<200x4x32x8x128xf32, #tpu.memory_space<hbm>> -> memref<1x4x4x8x128xf32, #tpu.memory_space<hbm>>
      %dma_start3A_453 = tpu.memref_squeeze %dma_start3A_452 : memref<1x4x4x8x128xf32, #tpu.memory_space<hbm>> -> memref<4x4x8x128xf32, #tpu.memory_space<hbm>>
      tpu.enqueue_dma source(%arg11 : memref<4x4x8x128xf32, #tpu.memory_space<vmem>>) target(%dma_start3A_453 : memref<4x4x8x128xf32, #tpu.memory_space<hbm>>) target_semaphore(%dma_start3A_448 : memref<!tpu.dma_semaphore, #tpu.memory_space<semaphore_mem>>)
    }
    %scan3A_56 = arith.constant 25 : i32
    %mul3A_57 = arith.constant 50 : i32
    %mul3A_58 = arith.muli %add3A, %mul3A_57 : i32
    %add3A_59 = arith.constant 48 : i32
    %add3A_60 = arith.addi %mul3A_58, %add3A_59 : i32
    %jit3A = arith.constant 8 : i32
    %div3A = arith.divsi %add3A_60, %jit3A : i32
    %sign3A = arith.constant 0 : i32
    %sign3A_61 = arith.cmpi sgt, %add3A_60, %sign3A : i32
    %sign3A_62 = arith.extui %sign3A_61 : i1 to i32
    %sign3A_63 = arith.constant 0 : i32
    %sign3A_64 = arith.cmpi slt, %add3A_60, %sign3A_63 : i32
    %sign3A_65 = arith.extui %sign3A_64 : i1 to i32
    %sign3A_66 = arith.subi %sign3A_62, %sign3A_65 : i32
    %sign3A_67 = arith.constant 0 : i32
    %sign3A_68 = arith.cmpi sgt, %jit3A, %sign3A_67 : i32
    %sign3A_69 = arith.extui %sign3A_68 : i1 to i32
    %sign3A_70 = arith.constant 0 : i32
    %sign3A_71 = arith.cmpi slt, %jit3A, %sign3A_70 : i32
    %sign3A_72 = arith.extui %sign3A_71 : i1 to i32
    %sign3A_73 = arith.subi %sign3A_69, %sign3A_72 : i32
    %ne3A = arith.cmpi ne, %sign3A_66, %sign3A_73 : i32
    %rem3A = arith.remsi %add3A_60, %jit3A : i32
    %ne3A_74 = arith.constant 0 : i32
    %ne3A_75 = arith.cmpi ne, %rem3A, %ne3A_74 : i32
    %and3A = arith.andi %ne3A, %ne3A_75 : i1
    %sub3A = arith.constant 1 : i32
    %sub3A_76 = arith.subi %div3A, %sub3A : i32
    %select_n3A = arith.select %and3A, %sub3A_76, %div3A : i32
    %rem3A_77 = arith.constant 8 : i32
    %rem3A_78 = arith.remsi %add3A_60, %rem3A_77 : i32
    %mul3A_79 = arith.constant 4 : i32
    %mul3A_80 = arith.muli %rem3A_78, %mul3A_79 : i32
    %dma_wait3A = arith.constant 0 : i32
    %dma_wait3A_81 = arith.constant 0 : i32
    %dma_wait3A_82 = arith.constant 0 : i32
    %dma_wait3A_83 = arith.constant 0 : i32
    %dma_wait3A_84 = tpu.memref_slice %arg5[%select_n3A, %dma_wait3A_81, %mul3A_80, %dma_wait3A_82, %dma_wait3A_83] : memref<200x4x32x8x128xf32, #tpu.memory_space<hbm>> -> memref<1x4x4x8x128xf32, #tpu.memory_space<hbm>>
    %dma_wait3A_85 = tpu.memref_squeeze %dma_wait3A_84 : memref<1x4x4x8x128xf32, #tpu.memory_space<hbm>> -> memref<4x4x8x128xf32, #tpu.memory_space<hbm>>
    %dma_wait3A_86 = tpu.memref_slice %arg13[%dma_wait3A] : memref<2x!tpu.dma_semaphore, #tpu.memory_space<semaphore_mem>> -> memref<1x!tpu.dma_semaphore, #tpu.memory_space<semaphore_mem>>
    %dma_wait3A_87 = tpu.memref_squeeze %dma_wait3A_86 : memref<1x!tpu.dma_semaphore, #tpu.memory_space<semaphore_mem>> -> memref<!tpu.dma_semaphore, #tpu.memory_space<semaphore_mem>>
    %dma_wait3A_88 = arith.constant 0 : i32
    %dma_wait3A_89 = arith.constant 0 : i32
    %dma_wait3A_90 = arith.constant 0 : i32
    %dma_wait3A_91 = tpu.memref_slice %arg5[%select_n3A, %dma_wait3A_88, %mul3A_80, %dma_wait3A_89, %dma_wait3A_90] : memref<200x4x32x8x128xf32, #tpu.memory_space<hbm>> -> memref<1x4x4x8x128xf32, #tpu.memory_space<hbm>>
    %dma_wait3A_92 = tpu.memref_squeeze %dma_wait3A_91 : memref<1x4x4x8x128xf32, #tpu.memory_space<hbm>> -> memref<4x4x8x128xf32, #tpu.memory_space<hbm>>
    tpu.wait_dma2 semaphore(%dma_wait3A_87 : memref<!tpu.dma_semaphore, #tpu.memory_space<semaphore_mem>>) src(%arg10 : memref<4x4x8x128xf32, #tpu.memory_space<vmem>>) dst(%dma_wait3A_92 : memref<4x4x8x128xf32, #tpu.memory_space<hbm>>)
    %mul3A_93 = arith.constant 50 : i32
    %mul3A_94 = arith.muli %add3A, %mul3A_93 : i32
    %add3A_95 = arith.constant 49 : i32
    %add3A_96 = arith.addi %mul3A_94, %add3A_95 : i32
    %jit3A_97 = arith.constant 8 : i32
    %div3A_98 = arith.divsi %add3A_96, %jit3A_97 : i32
    %sign3A_99 = arith.constant 0 : i32
    %sign3A_100 = arith.cmpi sgt, %add3A_96, %sign3A_99 : i32
    %sign3A_101 = arith.extui %sign3A_100 : i1 to i32
    %sign3A_102 = arith.constant 0 : i32
    %sign3A_103 = arith.cmpi slt, %add3A_96, %sign3A_102 : i32
    %sign3A_104 = arith.extui %sign3A_103 : i1 to i32
    %sign3A_105 = arith.subi %sign3A_101, %sign3A_104 : i32
    %sign3A_106 = arith.constant 0 : i32
    %sign3A_107 = arith.cmpi sgt, %jit3A_97, %sign3A_106 : i32
    %sign3A_108 = arith.extui %sign3A_107 : i1 to i32
    %sign3A_109 = arith.constant 0 : i32
    %sign3A_110 = arith.cmpi slt, %jit3A_97, %sign3A_109 : i32
    %sign3A_111 = arith.extui %sign3A_110 : i1 to i32
    %sign3A_112 = arith.subi %sign3A_108, %sign3A_111 : i32
    %ne3A_113 = arith.cmpi ne, %sign3A_105, %sign3A_112 : i32
    %rem3A_114 = arith.remsi %add3A_96, %jit3A_97 : i32
    %ne3A_115 = arith.constant 0 : i32
    %ne3A_116 = arith.cmpi ne, %rem3A_114, %ne3A_115 : i32
    %and3A_117 = arith.andi %ne3A_113, %ne3A_116 : i1
    %sub3A_118 = arith.constant 1 : i32
    %sub3A_119 = arith.subi %div3A_98, %sub3A_118 : i32
    %select_n3A_120 = arith.select %and3A_117, %sub3A_119, %div3A_98 : i32
    %rem3A_121 = arith.constant 8 : i32
    %rem3A_122 = arith.remsi %add3A_96, %rem3A_121 : i32
    %mul3A_123 = arith.constant 4 : i32
    %mul3A_124 = arith.muli %rem3A_122, %mul3A_123 : i32
    %dma_wait3A_125 = arith.constant 1 : i32
    %dma_wait3A_126 = arith.constant 0 : i32
    %dma_wait3A_127 = arith.constant 0 : i32
    %dma_wait3A_128 = arith.constant 0 : i32
    %dma_wait3A_129 = tpu.memref_slice %arg5[%select_n3A_120, %dma_wait3A_126, %mul3A_124, %dma_wait3A_127, %dma_wait3A_128] : memref<200x4x32x8x128xf32, #tpu.memory_space<hbm>> -> memref<1x4x4x8x128xf32, #tpu.memory_space<hbm>>
    %dma_wait3A_130 = tpu.memref_squeeze %dma_wait3A_129 : memref<1x4x4x8x128xf32, #tpu.memory_space<hbm>> -> memref<4x4x8x128xf32, #tpu.memory_space<hbm>>
    %dma_wait3A_131 = tpu.memref_slice %arg13[%dma_wait3A_125] : memref<2x!tpu.dma_semaphore, #tpu.memory_space<semaphore_mem>> -> memref<1x!tpu.dma_semaphore, #tpu.memory_space<semaphore_mem>>
    %dma_wait3A_132 = tpu.memref_squeeze %dma_wait3A_131 : memref<1x!tpu.dma_semaphore, #tpu.memory_space<semaphore_mem>> -> memref<!tpu.dma_semaphore, #tpu.memory_space<semaphore_mem>>
    %dma_wait3A_133 = arith.constant 0 : i32
    %dma_wait3A_134 = arith.constant 0 : i32
    %dma_wait3A_135 = arith.constant 0 : i32
    %dma_wait3A_136 = tpu.memref_slice %arg5[%select_n3A_120, %dma_wait3A_133, %mul3A_124, %dma_wait3A_134, %dma_wait3A_135] : memref<200x4x32x8x128xf32, #tpu.memory_space<hbm>> -> memref<1x4x4x8x128xf32, #tpu.memory_space<hbm>>
    %dma_wait3A_137 = tpu.memref_squeeze %dma_wait3A_136 : memref<1x4x4x8x128xf32, #tpu.memory_space<hbm>> -> memref<4x4x8x128xf32, #tpu.memory_space<hbm>>
    tpu.wait_dma2 semaphore(%dma_wait3A_132 : memref<!tpu.dma_semaphore, #tpu.memory_space<semaphore_mem>>) src(%arg11 : memref<4x4x8x128xf32, #tpu.memory_space<vmem>>) dst(%dma_wait3A_137 : memref<4x4x8x128xf32, #tpu.memory_space<hbm>>)
    return
  }
}

</mosaic_0001>

<sc_bundles>
// kernel: _embed.3.cloned.1.call-start
scs
__scs_entry_jumppad:
0x0: {  	(pc) =	sbr.rel $0x88, $3  }
0x1: {  	(tag) =	ssettag $0x0;
	lr =	simm.s32 $0x1  }
0x2: {  	[smem:$0x3F9E] =	sst lr;
	_ =	strace $0xD0000000  }
0x3: {  	_ = 	snop  }
0x4: {  	_ = 	snop  }
0x5: {  	_ = 	snop  }
0x6: {  	_ = 	snop  }
0x7: {  	_ = 	snop  }
__scs_overlays_trampoline_lowered:
0x8: {  	[smem:$0x3FAD] =	sst s0  }
0x9: {  	[smem:$0x3FAE] =	sst s1  }
0xa: {  	[smem:$0x3FAF] =	sst s2  }
0xb: {  	[smem:$0x3FB0] =	sst s3  }
0xc: {  	[smem:$0x3FB1] =	sst s4  }
0xd: {  	[smem:$0x3FB2] =	sst s5  }
0xe: {  	[smem:$0x3FB3] =	sst s6  }
0xf: {  	[smem:$0x3FB4] =	sst s7  }
0x10: {  	[smem:$0x3FB5] =	sst s8  }
0x11: {  	[smem:$0x3FB6] =	sst s9;
	s0 =	simm.s32 @!p0 $0x0  }
0x12: {  	s1 =	sld [smem:$0x3F9C];
	s0 =	simm.s32 @p0 $0x1  }
0x13: {  	[smem:$0x3FB7] =	sst s0;
	s0 =	simm.s32 @!p1 $0x0  }
0x14: {  	s2 =	sld [smem:$0x3F9B];
	s0 =	simm.s32 @p1 $0x1  }
0x15: {  	[smem:$0x3FB8] =	sst s0;
	s0 =	simm.s32 @!p2 $0x0  }
0x16: {  	s3 =	sld [smem:$0x3FDB];
	s0 =	simm.s32 @p2 $0x1  }
0x17: {  	s4 =	simm.s32 $0x1BF5;
	[smem:$0x3FBA] =	sst s0  }
0x18: {  	s0 =	sld [smem:$0x3F9D];
	_ =	swait.ge [sflag:s4], $0x0  }
0x19: {  	s7 =	sld [smem:$0x3F9E]  }
0x1a: {  	s8 =	sadd.s32 $0xFFFFE003, lr  }
0x1b: {  	s9 =	sadd.s32 $0xFFFFFEF7, lr;
	s5 =	simm.s32 $0xFFFFFFFF;
	p2 =	slt.u32 s8, $0xFFFFF086  }
0x1c: {  	p1 =	slt.u32 s9, $0xF7A;
	s5 =	simm.s32 @!p2 $0x0  }
0x1d: {  	s5 =	simm.s32 @p1 $0x1;
	p0 =	seq.s32 s7, s2  }
0x1e: {  	s7 =	smul.u32 @!p0 $0xF7A, s2;
	p2 =	seq.s32 @!p0 s5, $0x0  }
0x1f: {  	s9 =	smul.u32 $0xF7A, s1;
	s8 =	simm.s32 @!p0 $0x1BF5;
	p2 =	por !p2, p0  }
0x20: {  	[sflag:s8] =	ssyncset.s32 @!p0 $0xFFFFF086;
	s6 =	sadd.s32 @!p0 s3, s7;
	s7 =	simm.s32 @!p0 $0x108  }
0x21: {  	s3 =	sadd.s32 s3, s9;
	s6 =	sadd.s32 @!p0 $0x88, s6;
	s7 =	simm.s32 @p2 $0x1082  }
0x22: {  	[simem:s7], [sflag:s8] =	dma.local @!p0 [hbm:s6], $0xF7A  }
0x23: {  	s9 =	sor.u32 $0xD0000000, s2;
	s6 =	simm.s32 $0x108;
	_ =	swait.ge @!p0 [sflag:s8], $0x0  }
0x24: {  	s3 =	sadd.s32 $0x88, s3;
	s6 =	simm.s32 @!p1 $0x1082;
	[sflag:s4] =	ssyncset.s32 $0xFFFFF086  }
0x25: {  	[simem:s6], [sflag:s4] =	dma.local [hbm:s3], $0xF7A  }
0x26: {  	[smem:$0x3F9E] =	sst s1;
	(tag) =	ssettag s2;
	_ =	strace s9  }
0x27: {  	s1 =	sld [smem:$0x3FAE]  }
0x28: {  	s2 =	sld [smem:$0x3FAF]  }
0x29: {  	s4 =	sld [smem:$0x3FB1]  }
0x2a: {  	p0 =	seq.s32 s5, $0x0;
	s5 =	sld [smem:$0x3FB2]  }
0x2b: {  	s6 =	sld [smem:$0x3FB3]  }
0x2c: {  	s7 =	sld [smem:$0x3FB4]  }
0x2d: {  	s3 =	simm.s32 $0x108;
	s8 =	sld [smem:$0x3FB5]  }
0x2e: {  	s3 =	simm.s32 @!p0 $0x1082;
	s9 =	sld [smem:$0x3FB6]  }
0x2f: {  	lr =	sadd.s32 s0, s3;
	s0 =	sld [smem:$0x3FAD]  }
0x30: {  	s3 =	sld [smem:$0x3FB0]  }
0x31: {  	[smem:$0x3FB9] =	sst s10  }
0x32: {  	s10 =	sld [smem:$0x3FB7];
	_ =	sdelay $0x3  }
0x33: {  	p0 =	seq.s32 s10, $0x1;
	s10 =	sld [smem:$0x3FB9];
	_ =	sdelay $0x3  }
0x34: {  	[smem:$0x3FB9] =	sst s10  }
0x35: {  	s10 =	sld [smem:$0x3FB8];
	_ =	sdelay $0x3  }
0x36: {  	p1 =	seq.s32 s10, $0x1;
	s10 =	sld [smem:$0x3FB9];
	_ =	sdelay $0x3  }
0x37: {  	[smem:$0x3FB9] =	sst s10  }
0x38: {  	s10 =	sld [smem:$0x3FBA]  }
0x39: {  	_ = 	snop;
	(pc) =	sbr.ind lr, $3  }
0x3a: {  	_ = 	snop  }
0x3b: {  	_ = 	snop  }
0x3c: {  	p2 =	seq.s32 s10, $0x1;
	s10 =	sld [smem:$0x3FB9]  }
0x3d: {  	_ =	shalt  }
0x3e: {  	_ =	shalt  }
0x3f: {  	_ =	shalt  }
0x40: {  	_ =	shalt  }
0x41: {  	_ =	shalt  }
0x42: {  	_ =	shalt  }
0x43: {  	_ =	shalt  }
0x44: {  	_ =	shalt  }
0x45: {  	_ =	shalt  }
0x46: {  	_ =	shalt  }
0x47: {  	_ =	shalt  }
0x48: {  	_ =	shalt  }
0x49: {  	_ =	shalt  }
0x4a: {  	_ =	shalt  }
0x4b: {  	_ =	shalt  }
0x4c: {  	_ =	shalt  }
0x4d: {  	_ =	shalt  }
0x4e: {  	_ =	shalt  }
0x4f: {  	_ =	shalt  }
0x50: {  	_ =	shalt  }
0x51: {  	_ =	shalt  }
0x52: {  	_ =	shalt  }
0x53: {  	_ =	shalt  }
0x54: {  	_ =	shalt  }
0x55: {  	_ =	shalt  }
0x56: {  	_ =	shalt  }
0x57: {  	_ =	shalt  }
0x58: {  	_ =	shalt  }
0x59: {  	_ =	shalt  }
0x5a: {  	_ =	shalt  }
0x5b: {  	_ =	shalt  }
0x5c: {  	_ =	shalt  }
0x5d: {  	_ =	shalt  }
0x5e: {  	_ =	shalt  }
0x5f: {  	_ =	shalt  }
0x60: {  	_ =	shalt  }
0x61: {  	_ =	shalt  }
0x62: {  	_ =	shalt  }
0x63: {  	_ =	shalt  }
0x64: {  	_ =	shalt  }
0x65: {  	_ =	shalt  }
0x66: {  	_ =	shalt  }
0x67: {  	_ =	shalt  }
0x68: {  	_ =	shalt  }
0x69: {  	_ =	shalt  }
0x6a: {  	_ =	shalt  }
0x6b: {  	_ =	shalt  }
0x6c: {  	_ =	shalt  }
0x6d: {  	_ =	shalt  }
0x6e: {  	_ =	shalt  }
0x6f: {  	_ =	shalt  }
0x70: {  	_ =	shalt  }
0x71: {  	_ =	shalt  }
0x72: {  	_ =	shalt  }
0x73: {  	_ =	shalt  }
0x74: {  	_ =	shalt  }
0x75: {  	_ =	shalt  }
0x76: {  	_ =	shalt  }
0x77: {  	_ =	shalt  }
0x78: {  	_ =	shalt  }
0x79: {  	_ =	shalt  }
0x7a: {  	_ =	shalt  }
0x7b: {  	_ =	shalt  }
0x7c: {  	_ =	shalt  }
0x7d: {  	_ =	shalt  }
0x7e: {  	_ =	shalt  }
0x7f: {  	_ =	shalt  }
0x80: {  	_ =	shalt  }
0x81: {  	_ =	shalt  }
0x82: {  	_ =	shalt  }
0x83: {  	_ =	shalt  }
0x84: {  	_ =	shalt  }
0x85: {  	_ =	shalt  }
0x86: {  	_ =	shalt  }
0x87: {  	_ =	shalt  }
.Lfunc_end0:
.L_simem_size_0:
called_computation_lowered:
.L_overlay_start_0:
0x88: {  	s2 =	sld [smem:$0x3FD9]  }
0x89: {  	s3 =	sld [smem:$0x3FFE];
	_ =	sdelay $0x1  }
0x8a: {  	s1 =	srdreg.scid  }
0x8b: {  	s0 =	sand.u32 $0x1, s1  }
0x8c: {  	s17 =	sshll.u32 s0, $0xA;
	s2 =	sadd.s32 s3, s2  }
0x8d: {  	s2 =	sadd.s32 s2, s17  }
0x8e: {  	[smem:$0x3FC5] =	sst s2  }
0x8f: {  	_ = 	snop  }
0x90: {  	s2 =	sld [smem:$0x3FC9]  }
0x91: {  	s18 =	sld [smem:$0x3FD0];
	(tm) =	ssettm $0x1  }
0x92: {  	s4 =	sld [smem:$0x3FFB];
	_ =	sdelay $0x3  }
0x93: {  	_ =	strace s4  }
0x94: {  	s4 =	sld [smem:$0x3FFC];
	_ =	sdelay $0x3  }
0x95: {  	_ =	strace s4  }
0x96: {  	s4 =	sld [smem:$0x3FFD];
	_ =	sdelay $0x3  }
0x97: {  	_ =	strace s4  }
0x98: {  	_ =	strace $0x8FFFFFFF  }
0x99: {  	s19 =	sld [smem:$0x3FDB];
	_ =	sdelay $0x1  }
0x9a: {  	s5 =	simm.s32 $_scs_section_size  }
0x9b: {  	s6 =	simm.s32 $_size__tile_overlayer_lowered;
	s7 =	simm.s32 $_tile_overlayer_lowered  }
0x9c: {  	s22 =	simm.s32 $0x1BFF;
	s21 =	sshll.u32 s7, $0x1;
	s4 =	sadd.s32 s5, s19  }
0x9d: {  	s8 =	simm.s32 $0x0;
	s20 =	sshll.u32 s6, $0x1;
	s6 =	sadd.s32 s21, s4  }
0x9e: {  	[timem:s8], [sflag:s22] =	dma.local [hbm:s6], s20  }
0x9f: {  	_ =	swait.ge [sflag:s22], s20  }
0xa0: {  	s5 =	ssub.s32 $0x0, s20;
	[sflag:s22] =	ssyncset.done $0x0  }
0xa1: {  	[sflag:s22] =	ssyncadd.s32 s5;
	_ =	sdelay $0x1  }
0xa2: {  	s23 =	simm.s32 $0x1B8B  }
0xa3: {  	_ =	swait.ge [sflag:s23], $0x1  }
0xa4: {  	[sflag:s23] =	ssyncset.done $0x0  }
0xa5: {  	s25 =	simm.s32 $0x1B8E;
	s24 =	sld [smem:$0x3FFE];
	[sflag:s23] =	ssyncadd.s32 $0xFFFFFFFF  }
0xa6: {  	s26 =	simm.s32 $execute0_lowered;
	[smem:$0x3FD2] =	sst s25  }
0xa7: {  	s6 =	sshll.u32 s26, $0x1;
	_ =	strace $0x80000046;
	[dreg:$0x1] =	wrdreg $0xFFFFFFFF  }
0xa8: {  	s28 =	simm.s32 $_size_execute0_lowered;
	s4 =	sadd.s32 s4, s6;
	[dreg:$0x0] =	wrdreg $0x0  }
0xa9: {  	s6 =	sshll.u32 s28, $0x1;
	[dreg:$0x2] =	wrdreg s4  }
0xaa: {  	[dreg:$0x3] =	wrdreg s6  }
0xab: {  	[dreg:$0x4] =	wrdreg $0xC0  }
0xac: {  	_ =	task [dreg:s8], $0x5FFFF  }
0xad: {  	[dreg:$0x1] =	wrdreg $0xFFFFFFFF  }
0xae: {  	[dreg:$0x0] =	wrdreg $0x60  }
0xaf: {  	[dreg:$0x2] =	wrdreg s2  }
0xb0: {  	[dreg:$0x3] =	wrdreg s24  }
0xb1: {  	[dreg:$0x4] =	wrdreg s18  }
0xb2: {  	[dreg:$0x5] =	wrdreg $0x9  }
0xb3: {  	_ =	task.clear_ibuf [dreg:s8], $0x6FFFF;
	_ =	strace $0x90000046  }
0xb4: {  	s29 =	simm.s32 $0x9;
	_ =	strace $0x80000048  }
0xb5: {  	_ =	swait.ge [sflag:s29], $0x1  }
0xb6: {  	[sflag:s29] =	ssyncadd.s32 $0xFFFFFFFF  }
0xb7: {  	_ =	strace $0x90000048  }
0xb8: {  	_ =	sfence  }
0xb9: {  	s30 =	sld [smem:$0x0];
	_ =	sdelay $0x2  }
0xba: {  	s31 =	sshll.u32 s1, $0xD;
	s1 =	sshrl.u32 s1, $0x2  }
0xbb: {  	s3 =	sand.u32 $0x4000, s31;
	s1 =	sadd.s32 s1, s30  }
0xbc: {  	s0 =	sor.u32 s3, s0;
	s1 =	sshll.u32 s1, $0x11  }
0xbd: {  	s0 =	sor.u32 s1, s0  }
0xbe: {  	s0 =	sadd.s32 $0x8F2B, s0  }
0xbf: {  	[sflag:s0] =	ssyncadd.remote.s32 $0x1  }
0xc0: {  	_ =	sfence.sel $0xFFFF  }
0xc1: {  	[dreg:$0x0] =	wrdreg $0xFFFFFFFF;
	(pc) =	sbr.abs _section_cstart, $3  }
0xc2: {  	[dreg:$0x1] =	wrdreg $0xFFFFFFFF  }
0xc3: {  	_ =	task.clear_ibuf [dreg:s8], $0x2FFFF;
	_ =	strace $0x9FFFFFFF  }
0xc4: {  	(tm) =	ssettm $0x7FFFFFFF  }
0xc5: {  	_ =	shalt  }
tec
execute0_lowered:
.L_overlay_start_1:
0x0: {  	(tag) =	ssettag $0x1  }
0x1: {  	s0 =	rddreg [dreg:$0x0]  }
0x2: {  	v9 =	vlaneseq.u32;
	s2 =	rddreg [dreg:$0x1];
	s3 =	simm.s32 $0x0  }
0x3: {  	[smem:$0x7FF] =	sst s3;
	v24 =	vor.u32 $0xC00, v9  }
0x4: {  	s1 =	rddreg [dreg:$0x2];
	v22 =	vor.u32 $0xC10, v9;
	_ =	strace $0x80000047;
	[tilespmem:$0x1FCB0] =	vst v24  }
0x5: {  	v20 =	vor.u32 $0xC20, v9;
	[tilespmem:$0x1FCD0] =	vst v22  }
0x6: {  	v6 =	vor.u32 $0xC30, v9;
	[tilespmem:$0x1FCF0] =	vst v20  }
0x7: {  	v4 =	vor.u32 $0x30, v9;
	[tilespmem:$0x1FD10] =	vst v6  }
0x8: {  	v12 =	vor.u32 $0x40, v9;
	[tilespmem:$0x1FD30] =	vst v4  }
0x9: {  	v26 =	vor.u32 $0x50, v9;
	[tilespmem:$0x1FD40] =	vst v12  }
0xa: {  	v28 =	vor.u32 $0x60, v9;
	[tilespmem:$0x1FD50] =	vst v26  }
0xb: {  	v30 =	vor.u32 $0x70, v9;
	[tilespmem:$0x1FD60] =	vst v28  }
0xc: {  	v32 =	vor.u32 $0x400, v9;
	[tilespmem:$0x1FD70] =	vst v30  }
0xd: {  	v34 =	vor.u32 $0x410, v9;
	[tilespmem:$0x1FD80] =	vst v32  }
0xe: {  	v36 =	vor.u32 $0x420, v9;
	[tilespmem:$0x1FD90] =	vst v34  }
0xf: {  	v38 =	vor.u32 $0x430, v9;
	[tilespmem:$0x1FDA0] =	vst v36  }
0x10: {  	v40 =	vor.u32 $0x440, v9;
	[tilespmem:$0x1FDB0] =	vst v38  }
0x11: {  	v42 =	vor.u32 $0x450, v9;
	[tilespmem:$0x1FDC0] =	vst v40  }
0x12: {  	v44 =	vor.u32 $0x460, v9;
	[tilespmem:$0x1FDD0] =	vst v42  }
0x13: {  	v46 =	vor.u32 $0x470, v9;
	[tilespmem:$0x1FDE0] =	vst v44  }
0x14: {  	v48 =	vor.u32 $0x800, v9;
	[tilespmem:$0x1FDF0] =	vst v46  }
0x15: {  	v50 =	vor.u32 $0x810, v9;
	[tilespmem:$0x1FE00] =	vst v48  }
0x16: {  	v52 =	vor.u32 $0x820, v9;
	[tilespmem:$0x1FE10] =	vst v50  }
0x17: {  	v54 =	vor.u32 $0x830, v9;
	[tilespmem:$0x1FE20] =	vst v52  }
0x18: {  	v56 =	vor.u32 $0x840, v9;
	[tilespmem:$0x1FE30] =	vst v54  }
0x19: {  	v58 =	vor.u32 $0x850, v9;
	[tilespmem:$0x1FE40] =	vst v56  }
0x1a: {  	v60 =	vor.u32 $0x860, v9;
	[tilespmem:$0x1FE50] =	vst v58  }
0x1b: {  	v62 =	vor.u32 $0x870, v9;
	[tilespmem:$0x1FE60] =	vst v60  }
0x1c: {  	v0 =	vmul.u32 $0x20, v9;
	v2 =	vor.u32 $0x20, v9;
	[tilespmem:$0x1FE70] =	vst v62  }
0x1d: {  	[tilespmem:$0x1FFF0] =	vst v2  }
0x1e: {  	v23 =	vor.u32 $0x3200, v0;
	[tilespmem:$0x1FD20] =	vst v0  }
0x1f: {  	v21 =	vor.u32 $0x3400, v0;
	[tilespmem:$0x1FCC0] =	vst v23  }
0x20: {  	v10 =	vor.u32 $0x3600, v0;
	[tilespmem:$0x1FCE0] =	vst v21  }
0x21: {  	v3 =	vor.u32 $0x600, v0;
	[tilespmem:$0x1FD00] =	vst v10  }
0x22: {  	v5 =	vor.u32 $0x800, v0;
	[tilespmem:$0x1FE80] =	vst v3  }
0x23: {  	v25 =	vor.u32 $0xA00, v0;
	[tilespmem:$0x1FE90] =	vst v5  }
0x24: {  	v27 =	vor.u32 $0xC00, v0;
	[tilespmem:$0x1FEA0] =	vst v25  }
0x25: {  	v29 =	vor.u32 $0xE00, v0;
	[tilespmem:$0x1FEB0] =	vst v27  }
0x26: {  	v31 =	vor.u32 $0x1000, v0;
	[tilespmem:$0x1FEC0] =	vst v29  }
0x27: {  	v33 =	vor.u32 $0x1200, v0;
	[tilespmem:$0x1FED0] =	vst v31  }
0x28: {  	v35 =	vor.u32 $0x1400, v0;
	[tilespmem:$0x1FEE0] =	vst v33  }
0x29: {  	v37 =	vor.u32 $0x1600, v0;
	[tilespmem:$0x1FEF0] =	vst v35  }
0x2a: {  	v39 =	vor.u32 $0x1800, v0;
	[tilespmem:$0x1FF00] =	vst v37  }
0x2b: {  	v41 =	vor.u32 $0x1A00, v0;
	[tilespmem:$0x1FF10] =	vst v39  }
0x2c: {  	v43 =	vor.u32 $0x1C00, v0;
	[tilespmem:$0x1FF20] =	vst v41  }
0x2d: {  	v45 =	vor.u32 $0x1E00, v0;
	[tilespmem:$0x1FF30] =	vst v43  }
0x2e: {  	s4 =	srdreg.scid;
	s5 =	stileid.u32;
	v47 =	vor.u32 $0x2000, v0;
	[tilespmem:$0x1FF40] =	vst v45  }
0x2f: {  	s10 =	simm.s32 $0x80;
	s11 =	simm.s32 $0x8500;
	s17 =	simm.s32 $0xC500;
	v49 =	vor.u32 $0x2200, v0;
	[tilespmem:$0x1FF50] =	vst v47  }
0x30: {  	s18 =	simm.s32 $0xD500;
	s19 =	simm.s32 $0xE500;
	s20 =	simm.s32 $0xF500;
	v51 =	vor.u32 $0x2400, v0;
	[tilespmem:$0x1FF60] =	vst v49  }
0x31: {  	s21 =	simm.s32 $0x1;
	s22 =	simm.s32 $0x6400;
	s23 =	simm.s32 $0x10500;
	v53 =	vor.u32 $0x2600, v0;
	[tilespmem:$0x1FF70] =	vst v51  }
0x32: {  	s24 =	simm.s32 $0x1000;
	s25 =	simm.s32 $0x8000;
	s28 =	simm.s32 $0x14500;
	v55 =	vor.u32 $0x2800, v0;
	[tilespmem:$0x1FF80] =	vst v53  }
0x33: {  	s29 =	simm.s32 $0x3;
	s4 =	sand.u32 $0x1, s4;
	s5 =	sshll.u32 s5, $0x1;
	v57 =	vor.u32 $0x2A00, v0;
	[tilespmem:$0x1FF90] =	vst v55  }
0x34: {  	s30 =	simm.s32 $0x4;
	s31 =	simm.s32 $0x0;
	v8 =	vor.u32 $0x10, v9;
	s7 =	sor.u32 s4, s5;
	v59 =	vor.u32 $0x2C00, v0;
	[tilespmem:$0x1FFA0] =	vst v57  }
0x35: {  	v13 =	vor.u32 $0xC40, v9;
	s6 =	ssub.s32 $0x2, s4;
	s4 =	sadd.s32 $0xF42A00, s2;
	s8 =	smul.u32 $0xC80, s7;
	v61 =	vor.u32 $0x2E00, v0;
	[tilespmem:$0x1FFB0] =	vst v59  }
0x36: {  	v15 =	vor.u32 $0xC50, v9;
	v17 =	vor.u32 $0xC60, v9;
	s5 =	sadd.s32 $0x600, s2;
	s9 =	sshrl.u32 s6, $0x1;
	s7 =	smul.u32 $0x32, s7;
	v63 =	vor.u32 $0x3000, v0;
	[tilespmem:$0x1FFC0] =	vst v61  }
0x37: {  	v7 =	vor.u32 $0x200, v0;
	v1 =	vor.u32 $0x400, v0;
	v11 =	vor.u32 $0x3800, v0;
	s26 =	ssub.s32 s6, s9;
	s9 =	simm.s32 $0x5;
	[tilespmem:$0x1FFD0] =	vst v63;
	s0 =	sadd.s32 s0, s8  }
0x38: {  	v14 =	vor.u32 $0x3A00, v0;
	v16 =	vor.u32 $0x3C00, v0;
	v18 =	vor.u32 $0x3E00, v0;
	[tilespmem:$0x1FFE0] =	vst v1;
	s8 =	smax.u32 s26, $0x1;
	s26 =	simm.s32 $0x2;
	[dreg:$0x4] =	wrdreg s0  }
.LBB2_1:
0x39: {  	s0 =	rddreg [dreg:$0x4]  }
0x3a: {  	[tilespmem:s3], [sflag:$0x5] =	stream.linear.gather [hbm4b:s0+s3], $0x6400, $0x38;
	[tilespmem:$0x18500] =	vst v63  }
0x3b: {  	_ =	swait.ge [sflag:s9], $0x6400  }
0x3c: {  	s13 =	sadd.s32 $0x0, s5;
	s2 =	simm.s32 $0x6508;
	[sflag:s9] =	ssyncset.done $0x0  }
0x3d: {  	s12 =	simm.s32 $0x6400;
	s0 =	simm.s32 $0x19;
	[sflag:s9] =	ssyncadd.s32 $0xFFFF9C00  }
.LBB2_2:
0x3e: {  	[tilespmem:s12], [sflag:$0x5] =	stream.linear.gather [hbm4b:s13+s3], $0xC8, $0x38;
	[tilespmem:$0x18500] =	vst v63  }
0x3f: {  	s13 =	smov.u32 s0;
	s12 =	smov.u32 s2;
	p0 =	sne.s32 s0, $0x307  }
.Ltmp0:
0x40: {  	s0 =	sadd.s32 $0x19, s0;
	(pc) =	sbr.rel @p0 .LBB2_2-.Ltmp0, $2  }
0x41: {  	_ =	sdelay $0x2  }
0x42: {  	s2 =	sadd.s32 $0x108, s2;
	s13 =	sadd.s32 s13, s5  }
0x43: {  	[tilespmem:s12], [sflag:$0x5] =	stream.linear.gather [hbm4b:s13+s3], $0xC8, $0x38;
	[tilespmem:$0x18500] =	vst v63  }
0x44: {  	_ =	swait.ge [sflag:s9], $0x1900  }
0x45: {  	[sflag:s9] =	ssyncset.done $0x0  }
0x46: {  	s0 =	simm.s32 $0x0;
	[sflag:s9] =	ssyncadd.s32 $0xFFFFE700  }
0x47: {  	[tilespmem:s11], [sflag:$0x1] =	stream.indirect.gather [hbm4b:s4+s10], $0x20, s0, s10, $0xb8;
	[tilespmem:$0x18500] =	vst v63  }
0x48: {  	s2 =	simm.s32 $0x9500  }
0x49: {  	[tilespmem:s2], [sflag:$0x1] =	stream.indirect.gather [hbm4b:s4+s10], $0x20, s10, s10, $0xb8;
	[tilespmem:$0x18500] =	vst v63  }
0x4a: {  	s14 =	simm.s32 $0x100;
	s6 =	simm.s32 $0xA500  }
0x4b: {  	[tilespmem:s6], [sflag:$0x1] =	stream.indirect.gather [hbm4b:s4+s10], $0x20, s14, s10, $0xb8;
	[tilespmem:$0x18500] =	vst v63  }
0x4c: {  	s15 =	simm.s32 $0x180;
	s16 =	simm.s32 $0xB500;
	s2 =	simm.s32 $0x0  }
0x4d: {  	[tilespmem:s16], [sflag:$0x1] =	stream.indirect.gather [hbm4b:s4+s10], $0x20, s15, s10, $0xb8;
	[tilespmem:$0x18500] =	vst v63  }
.LBB2_4:
0x4e: {  	s12 =	sshllo.u32 s2, $0x1  }
0x4f: {  	s13 =	sshll.u32 s12, $0x9  }
0x50: {  	s13 =	sand.u32 $0x3FFFFE00, s13  }
0x51: {  	[tilespmem:s17], [sflag:$0x2] =	stream.indirect.gather [hbm4b:s4+s10], $0x20, s13, s10, $0xb8;
	[tilespmem:$0x18500] =	vst v63  }
0x52: {  	s14 =	sor.u32 $0x80, s13  }
0x53: {  	[tilespmem:s18], [sflag:$0x2] =	stream.indirect.gather [hbm4b:s4+s10], $0x20, s14, s10, $0xb8;
	[tilespmem:$0x18500] =	vst v63  }
0x54: {  	s6 =	sor.u32 $0x100, s13  }
0x55: {  	[tilespmem:s19], [sflag:$0x2] =	stream.indirect.gather [hbm4b:s4+s10], $0x20, s6, s10, $0xb8;
	[tilespmem:$0x18500] =	vst v63  }
0x56: {  	s13 =	sor.u32 $0x180, s13  }
0x57: {  	[tilespmem:s20], [sflag:$0x2] =	stream.indirect.gather [hbm4b:s4+s10], $0x20, s13, s10, $0xb8;
	[tilespmem:$0x18500] =	vst v63  }
0x58: {  	_ =	swait.ge [sflag:s21], $0x1000  }
0x59: {  	[sflag:s21] =	ssyncset.done $0x0  }
0x5a: {  	[sflag:s21] =	ssyncadd.s32 $0xFFFFF000  }
0x5b: {  	v10 =	vmovc v2;
	v62 =	vmov v60;
	v60 =	vmov v58;
	v58 =	vmov v56;
	_ =	swait.ge [sflag:s21], $0x1000  }
0x5c: {  	s15 =	sshll.u32 s2, $0x1;
	s16 =	sand.u32 $0xF, s0;
	v56 =	vmovc v54;
	v54 =	vmovc v52;
	v52 =	vmov v50;
	v50 =	vmov v48;
	v48 =	vmov v46;
	[sflag:s21] =	ssyncset.done $0x0  }
0x5d: {  	v46 =	vmovc v44;
	v44 =	vmovc v42;
	v42 =	vmov v40;
	v40 =	vmov v38;
	v2 =	vadd.s32 s16, v9;
	s13 =	sadd.s32 s7, s15;
	[sflag:s21] =	ssyncadd.s32 $0xFFFFF000  }
0x5e: {  	v38 =	vmovc v36;
	v21 =	vmovc v0;
	v20 =	vmov v1;
	v22 =	vmov v3;
	v0 =	vand.u32 $0xF, v2;
	s15 =	sand.u32 $0x10, s0;
	s14 =	sshrl.u32 s13, $0x3;
	_ =	swait.ge [sflag:s21], $0x1000  }
0x5f: {  	v19 =	vmovc v24;
	v23 =	vmovc v4;
	v36 =	vmov v34;
	v3 =	vor.u32 s15, v0;
	v1 =	vmov s14;
	[sflag:s21] =	ssyncset.done $0x0  }
0x60: {  	v34 =	vmovc v33;
	v33 =	vmovc v31;
	v31 =	vmov v29;
	v4 =	vmul.u32 $0x108, v3;
	v24 =	vbroadcast v1, $0x0;
	[sflag:s21] =	ssyncadd.s32 $0xFFFFF000  }
0x61: {  	v29 =	vmovc v27;
	v27 =	vmovc v25;
	v25 =	vmov v5;
	v5 =	vand.u32 $0x7, v2;
	v1 =	vand.u32 $0x18, v3;
	_ =	swait.ge [sflag:s21], $0x1000  }
0x62: {  	p0 =	seq.s32 s2, $0x0;
	v1 =	vor.u32 v5, v1;
	v4 =	vadd.s32 v24, v4;
	[sflag:s21] =	ssyncset.done $0x0  }
0x63: {  	s15 =	simm.s32 @!p0 $0x3;
	v5 =	vor.u32 v21, v1;
	[sflag:s21] =	ssyncadd.s32 $0xFFFFF000  }
0x64: {  	_ =	swait.ge @!p0 [sflag:s15], $0x4000  }
0x65: {  	[sflag:s15] =	ssyncset.done @!p0 $0x0  }
0x66: {  	[sflag:s15] =	ssyncadd.s32 @!p0 $0xFFFFC000  }
0x67: {  	v2 =	vshll.u32 v2, $0x7;
	v3 =	vshll.u32 v3, $0x9;
	v0 =	vld.idx.msk [tilespmem:v4+s22+$0x0], $0xffff  }
0x68: {  	v2 =	vand.u32 $0x380, v2;
	v3 =	vand.u32 $0x3000, v3;
	v4 =	vld.idx.msk [tilespmem:v5+s11+$0x0], $0xffff  }
0x69: {  	v3 =	vor.u32 v2, v3  }
0x6a: {  	v2 =	vor.u32 v9, v3  }
0x6b: {  	v5 =	vor.u32 v7, v1;
	_ =	sdelay $0x1  }
0x6c: {  	v4 =	vadd.f32 v4, v0;
	_ =	sdelay $0x1  }
0x6d: {  	[tilespmem:v2+s23+$0x0] =	vst.idx.msk $0xffff, v4  }
0x6e: {  	v2 =	vld.idx.msk [tilespmem:v5+s11+$0x0], $0xffff;
	_ =	sdelay $0x1  }
0x6f: {  	v4 =	vor.u32 v8, v3  }
0x70: {  	v5 =	vor.u32 v20, v1;
	_ =	sdelay $0x1  }
0x71: {  	v2 =	vadd.f32 v2, v0;
	_ =	sdelay $0x1  }
0x72: {  	[tilespmem:v4+s23+$0x0] =	vst.idx.msk $0xffff, v2  }
0x73: {  	v2 =	vld.idx.msk [tilespmem:v5+s11+$0x0], $0xffff;
	_ =	sdelay $0x1  }
0x74: {  	v4 =	vor.u32 v10, v3  }
0x75: {  	v5 =	vor.u32 v22, v1;
	_ =	sdelay $0x1  }
0x76: {  	v2 =	vadd.f32 v2, v0;
	_ =	sdelay $0x1  }
0x77: {  	[tilespmem:v4+s23+$0x0] =	vst.idx.msk $0xffff, v2  }
0x78: {  	v2 =	vld.idx.msk [tilespmem:v5+s11+$0x0], $0xffff;
	_ =	sdelay $0x1  }
0x79: {  	v4 =	vor.u32 v23, v3  }
0x7a: {  	v5 =	vor.u32 v25, v1;
	_ =	sdelay $0x1  }
0x7b: {  	v2 =	vadd.f32 v2, v0;
	_ =	sdelay $0x1  }
0x7c: {  	[tilespmem:v4+s23+$0x0] =	vst.idx.msk $0xffff, v2  }
0x7d: {  	v2 =	vld.idx.msk [tilespmem:v5+s11+$0x0], $0xffff;
	_ =	sdelay $0x1  }
0x7e: {  	v4 =	vor.u32 v12, v3  }
0x7f: {  	v5 =	vor.u32 v27, v1;
	_ =	sdelay $0x1  }
0x80: {  	v2 =	vadd.f32 v2, v0;
	_ =	sdelay $0x1  }
0x81: {  	[tilespmem:v4+s23+$0x0] =	vst.idx.msk $0xffff, v2  }
0x82: {  	v2 =	vld.idx.msk [tilespmem:v5+s11+$0x0], $0xffff;
	_ =	sdelay $0x1  }
0x83: {  	v4 =	vor.u32 v26, v3  }
0x84: {  	v5 =	vor.u32 v29, v1;
	_ =	sdelay $0x1  }
0x85: {  	v2 =	vadd.f32 v2, v0;
	_ =	sdelay $0x1  }
0x86: {  	[tilespmem:v4+s23+$0x0] =	vst.idx.msk $0xffff, v2  }
0x87: {  	v2 =	vld.idx.msk [tilespmem:v5+s11+$0x0], $0xffff;
	_ =	sdelay $0x1  }
0x88: {  	v4 =	vor.u32 v28, v3  }
0x89: {  	v5 =	vor.u32 v31, v1;
	_ =	sdelay $0x1  }
0x8a: {  	v2 =	vadd.f32 v2, v0;
	_ =	sdelay $0x1  }
0x8b: {  	[tilespmem:v4+s23+$0x0] =	vst.idx.msk $0xffff, v2  }
0x8c: {  	v2 =	vld.idx.msk [tilespmem:v5+s11+$0x0], $0xffff;
	_ =	sdelay $0x1  }
0x8d: {  	v4 =	vor.u32 v30, v3  }
0x8e: {  	v5 =	vor.u32 v33, v1;
	_ =	sdelay $0x1  }
0x8f: {  	v2 =	vadd.f32 v2, v0;
	_ =	sdelay $0x1  }
0x90: {  	[tilespmem:v4+s23+$0x0] =	vst.idx.msk $0xffff, v2  }
0x91: {  	v2 =	vld.idx.msk [tilespmem:v5+s11+$0x0], $0xffff;
	_ =	sdelay $0x1  }
0x92: {  	v4 =	vor.u32 v32, v3  }
0x93: {  	v5 =	vor.u32 v34, v1;
	_ =	sdelay $0x1  }
0x94: {  	v2 =	vadd.f32 v2, v0;
	_ =	sdelay $0x1  }
0x95: {  	[tilespmem:v4+s23+$0x0] =	vst.idx.msk $0xffff, v2  }
0x96: {  	v2 =	vld.idx.msk [tilespmem:v5+s11+$0x0], $0xffff;
	_ =	sdelay $0x1  }
0x97: {  	v4 =	vor.u32 v36, v3  }
0x98: {  	v5 =	vor.u32 v35, v1;
	_ =	sdelay $0x1  }
0x99: {  	v2 =	vadd.f32 v2, v0;
	_ =	sdelay $0x1  }
0x9a: {  	[tilespmem:v4+s23+$0x0] =	vst.idx.msk $0xffff, v2  }
0x9b: {  	v2 =	vld.idx.msk [tilespmem:v5+s11+$0x0], $0xffff;
	_ =	sdelay $0x1  }
0x9c: {  	v4 =	vor.u32 v38, v3  }
0x9d: {  	v5 =	vor.u32 v37, v1;
	_ =	sdelay $0x1  }
0x9e: {  	v2 =	vadd.f32 v2, v0;
	_ =	sdelay $0x1  }
0x9f: {  	[tilespmem:v4+s23+$0x0] =	vst.idx.msk $0xffff, v2  }
0xa0: {  	v2 =	vld.idx.msk [tilespmem:v5+s11+$0x0], $0xffff;
	_ =	sdelay $0x1  }
0xa1: {  	v4 =	vor.u32 v40, v3  }
0xa2: {  	v5 =	vor.u32 v39, v1;
	_ =	sdelay $0x1  }
0xa3: {  	v2 =	vadd.f32 v2, v0;
	_ =	sdelay $0x1  }
0xa4: {  	[tilespmem:v4+s23+$0x0] =	vst.idx.msk $0xffff, v2  }
0xa5: {  	v2 =	vld.idx.msk [tilespmem:v5+s11+$0x0], $0xffff;
	_ =	sdelay $0x1  }
0xa6: {  	v4 =	vor.u32 v42, v3  }
0xa7: {  	v5 =	vor.u32 v41, v1;
	_ =	sdelay $0x1  }
0xa8: {  	v2 =	vadd.f32 v2, v0;
	_ =	sdelay $0x1  }
0xa9: {  	[tilespmem:v4+s23+$0x0] =	vst.idx.msk $0xffff, v2  }
0xaa: {  	v2 =	vld.idx.msk [tilespmem:v5+s11+$0x0], $0xffff;
	_ =	sdelay $0x1  }
0xab: {  	v4 =	vor.u32 v44, v3  }
0xac: {  	v5 =	vor.u32 v43, v1;
	_ =	sdelay $0x1  }
0xad: {  	v2 =	vadd.f32 v2, v0;
	_ =	sdelay $0x1  }
0xae: {  	[tilespmem:v4+s23+$0x0] =	vst.idx.msk $0xffff, v2  }
0xaf: {  	v2 =	vld.idx.msk [tilespmem:v5+s11+$0x0], $0xffff;
	_ =	sdelay $0x1  }
0xb0: {  	v4 =	vor.u32 v46, v3  }
0xb1: {  	v5 =	vor.u32 v45, v1;
	_ =	sdelay $0x1  }
0xb2: {  	v2 =	vadd.f32 v2, v0;
	_ =	sdelay $0x1  }
0xb3: {  	[tilespmem:v4+s23+$0x0] =	vst.idx.msk $0xffff, v2  }
0xb4: {  	v2 =	vld.idx.msk [tilespmem:v5+s11+$0x0], $0xffff;
	_ =	sdelay $0x1  }
0xb5: {  	v4 =	vor.u32 v48, v3  }
0xb6: {  	v5 =	vor.u32 v47, v1;
	_ =	sdelay $0x1  }
0xb7: {  	v2 =	vadd.f32 v2, v0;
	_ =	sdelay $0x1  }
0xb8: {  	[tilespmem:v4+s23+$0x0] =	vst.idx.msk $0xffff, v2  }
0xb9: {  	v2 =	vld.idx.msk [tilespmem:v5+s11+$0x0], $0xffff;
	_ =	sdelay $0x1  }
0xba: {  	v4 =	vor.u32 v50, v3  }
0xbb: {  	v5 =	vor.u32 v49, v1;
	_ =	sdelay $0x1  }
0xbc: {  	v2 =	vadd.f32 v2, v0;
	_ =	sdelay $0x1  }
0xbd: {  	[tilespmem:v4+s23+$0x0] =	vst.idx.msk $0xffff, v2  }
0xbe: {  	v2 =	vld.idx.msk [tilespmem:v5+s11+$0x0], $0xffff;
	_ =	sdelay $0x1  }
0xbf: {  	v4 =	vor.u32 v52, v3  }
0xc0: {  	v5 =	vor.u32 v51, v1;
	_ =	sdelay $0x1  }
0xc1: {  	v2 =	vadd.f32 v2, v0;
	_ =	sdelay $0x1  }
0xc2: {  	[tilespmem:v4+s23+$0x0] =	vst.idx.msk $0xffff, v2  }
0xc3: {  	v2 =	vld.idx.msk [tilespmem:v5+s11+$0x0], $0xffff;
	_ =	sdelay $0x1  }
0xc4: {  	v4 =	vor.u32 v54, v3  }
0xc5: {  	v5 =	vor.u32 v53, v1;
	_ =	sdelay $0x1  }
0xc6: {  	v2 =	vadd.f32 v2, v0;
	_ =	sdelay $0x1  }
0xc7: {  	[tilespmem:v4+s23+$0x0] =	vst.idx.msk $0xffff, v2  }
0xc8: {  	v2 =	vld.idx.msk [tilespmem:v5+s11+$0x0], $0xffff;
	_ =	sdelay $0x1  }
0xc9: {  	v4 =	vor.u32 v56, v3  }
0xca: {  	v5 =	vor.u32 v55, v1;
	_ =	sdelay $0x1  }
0xcb: {  	v2 =	vadd.f32 v2, v0;
	_ =	sdelay $0x1  }
0xcc: {  	[tilespmem:v4+s23+$0x0] =	vst.idx.msk $0xffff, v2  }
0xcd: {  	v2 =	vld.idx.msk [tilespmem:v5+s11+$0x0], $0xffff;
	_ =	sdelay $0x1  }
0xce: {  	v4 =	vor.u32 v58, v3  }
0xcf: {  	v5 =	vor.u32 v57, v1;
	_ =	sdelay $0x1  }
0xd0: {  	v2 =	vadd.f32 v2, v0;
	_ =	sdelay $0x1  }
0xd1: {  	[tilespmem:v4+s23+$0x0] =	vst.idx.msk $0xffff, v2  }
0xd2: {  	v2 =	vld.idx.msk [tilespmem:v5+s11+$0x0], $0xffff;
	_ =	sdelay $0x1  }
0xd3: {  	v4 =	vor.u32 v60, v3  }
0xd4: {  	v5 =	vor.u32 v59, v1;
	_ =	sdelay $0x1  }
0xd5: {  	v2 =	vadd.f32 v2, v0;
	_ =	sdelay $0x1  }
0xd6: {  	[tilespmem:v4+s23+$0x0] =	vst.idx.msk $0xffff, v2  }
0xd7: {  	v2 =	vld.idx.msk [tilespmem:v5+s11+$0x0], $0xffff;
	_ =	sdelay $0x1  }
0xd8: {  	v4 =	vor.u32 v62, v3  }
0xd9: {  	v36 =	vmovc v38;
	v38 =	vmovc v40;
	v40 =	vmov v42;
	v42 =	vmov v44;
	v5 =	vor.u32 v61, v1  }
0xda: {  	v44 =	vmovc v46;
	v46 =	vmovc v48;
	v48 =	vmov v50;
	v50 =	vmov v52;
	v52 =	vmov v54  }
0xdb: {  	v54 =	vmovc v56;
	v56 =	vmovc v58;
	v58 =	vmov v60;
	v60 =	vmov v62;
	v62 =	vld [tilespmem:$0x1FE70];
	v2 =	vadd.f32 v2, v0;
	_ =	sdelay $0x1  }
0xdc: {  	[tilespmem:v4+s23+$0x0] =	vst.idx.msk $0xffff, v2  }
0xdd: {  	v2 =	vld.idx.msk [tilespmem:v5+s11+$0x0], $0xffff;
	_ =	sdelay $0x1  }
0xde: {  	v4 =	vor.u32 v62, v3  }
0xdf: {  	v5 =	vor.u32 v63, v1;
	_ =	sdelay $0x1  }
0xe0: {  	v2 =	vadd.f32 v2, v0;
	_ =	sdelay $0x1  }
0xe1: {  	[tilespmem:v4+s23+$0x0] =	vst.idx.msk $0xffff, v2  }
0xe2: {  	v2 =	vld.idx.msk [tilespmem:v5+s11+$0x0], $0xffff  }
0xe3: {  	v5 =	vld [tilespmem:$0x1FCC0];
	_ =	sdelay $0x3  }
0xe4: {  	v4 =	vor.u32 v19, v3  }
0xe5: {  	v5 =	vor.u32 v5, v1;
	_ =	sdelay $0x1  }
0xe6: {  	v2 =	vadd.f32 v2, v0;
	_ =	sdelay $0x1  }
0xe7: {  	[tilespmem:v4+s23+$0x0] =	vst.idx.msk $0xffff, v2;
	v4 =	vld [tilespmem:$0x1FCD0]  }
0xe8: {  	v2 =	vld.idx.msk [tilespmem:v5+s11+$0x0], $0xffff  }
0xe9: {  	v5 =	vld [tilespmem:$0x1FCE0];
	_ =	sdelay $0x3  }
0xea: {  	v4 =	vor.u32 v4, v3  }
0xeb: {  	v5 =	vor.u32 v5, v1;
	_ =	sdelay $0x1  }
0xec: {  	v2 =	vadd.f32 v2, v0;
	_ =	sdelay $0x1  }
0xed: {  	[tilespmem:v4+s23+$0x0] =	vst.idx.msk $0xffff, v2;
	v4 =	vld [tilespmem:$0x1FCF0]  }
0xee: {  	v2 =	vld.idx.msk [tilespmem:v5+s11+$0x0], $0xffff  }
0xef: {  	v5 =	vld [tilespmem:$0x1FD00];
	_ =	sdelay $0x3  }
0xf0: {  	v4 =	vor.u32 v4, v3  }
0xf1: {  	v5 =	vor.u32 v5, v1;
	_ =	sdelay $0x1  }
0xf2: {  	v2 =	vadd.f32 v2, v0;
	_ =	sdelay $0x1  }
0xf3: {  	[tilespmem:v4+s23+$0x0] =	vst.idx.msk $0xffff, v2  }
0xf4: {  	v2 =	vld.idx.msk [tilespmem:v5+s11+$0x0], $0xffff;
	_ =	sdelay $0x1  }
0xf5: {  	v4 =	vor.u32 v6, v3  }
0xf6: {  	v5 =	vor.u32 v11, v1;
	_ =	sdelay $0x1  }
0xf7: {  	v2 =	vadd.f32 v2, v0;
	_ =	sdelay $0x1  }
0xf8: {  	[tilespmem:v4+s23+$0x0] =	vst.idx.msk $0xffff, v2  }
0xf9: {  	v2 =	vld.idx.msk [tilespmem:v5+s11+$0x0], $0xffff;
	_ =	sdelay $0x1  }
0xfa: {  	v4 =	vor.u32 v13, v3  }
0xfb: {  	v5 =	vor.u32 v14, v1;
	_ =	sdelay $0x1  }
0xfc: {  	v2 =	vadd.f32 v2, v0;
	_ =	sdelay $0x1  }
0xfd: {  	[tilespmem:v4+s23+$0x0] =	vst.idx.msk $0xffff, v2  }
0xfe: {  	v2 =	vld.idx.msk [tilespmem:v5+s11+$0x0], $0xffff;
	_ =	sdelay $0x1  }
0xff: {  	v4 =	vor.u32 v15, v3  }
0x100: {  	v5 =	vor.u32 v16, v1;
	_ =	sdelay $0x1  }
0x101: {  	v2 =	vadd.f32 v2, v0;
	_ =	sdelay $0x1  }
0x102: {  	[tilespmem:v4+s23+$0x0] =	vst.idx.msk $0xffff, v2  }
0x103: {  	v2 =	vld.idx.msk [tilespmem:v5+s11+$0x0], $0xffff;
	_ =	sdelay $0x1  }
0x104: {  	v4 =	vor.u32 v17, v3  }
0x105: {  	v1 =	vor.u32 v18, v1;
	_ =	sdelay $0x1  }
0x106: {  	v2 =	vadd.f32 v2, v0;
	_ =	sdelay $0x1  }
0x107: {  	[tilespmem:v4+s23+$0x0] =	vst.idx.msk $0xffff, v2  }
0x108: {  	s6 =	simm.s32 $0x1;
	[tilespmem:$0x1FC90] =	vst v0;
	v0 =	vld.idx.msk [tilespmem:v1+s11+$0x0], $0xffff  }
0x109: {  	s16 =	sand.u32 $0xF, s6  }
0x10a: {  	v5 =	vadd.s32 s16, v9  }
0x10b: {  	s15 =	sand.u32 $0x10, s6;
	v2 =	vand.u32 $0xF, v5  }
0x10c: {  	v2 =	vor.u32 s15, v2  }
0x10d: {  	[tilespmem:$0x1FCA0] =	vst v0;
	v0 =	vmul.u32 $0x108, v2  }
0x10e: {  	v1 =	vshll.u32 v5, $0x7;
	v6 =	vand.u32 $0x18, v2;
	v2 =	vshll.u32 v2, $0x9  }
0x10f: {  	v19 =	vor.u32 $0xC70, v9;
	v4 =	vand.u32 $0x380, v1;
	v1 =	vand.u32 $0x3000, v2;
	[tilespmem:$0x1FC80] =	vst v0  }
0x110: {  	v1 =	vor.u32 v4, v1;
	v4 =	vor.u32 v19, v3;
	v3 =	vld [tilespmem:$0x1FC80];
	_ =	sdelay $0x2  }
0x111: {  	v5 =	vand.u32 $0x7, v5  }
0x112: {  	v2 =	vor.u32 v5, v6;
	v6 =	vld [tilespmem:$0x1FCA0]  }
0x113: {  	v5 =	vadd.s32 v24, v3;
	v3 =	vld [tilespmem:$0x1FC90];
	_ =	sdelay $0x2  }
0x114: {  	v12 =	vmov v21  }
0x115: {  	v21 =	vmovc v22;
	v22 =	vmovc v23;
	v23 =	vmov v25;
	v25 =	vmov v27;
	v27 =	vmov v29  }
0x116: {  	v29 =	vmovc v31;
	v31 =	vmovc v33;
	v33 =	vmov v34;
	v34 =	vld [tilespmem:$0x1FD90];
	v3 =	vadd.f32 v6, v3;
	v6 =	vor.u32 v12, v2  }
0x117: {  	[tilespmem:$0x1FC70] =	vst v19;
	s15 =	simm.s32 $0x2;
	v0 =	vmov v20;
	v20 =	vmov v10;
	v10 =	vld [tilespmem:$0x1FD40]  }
.LBB2_5:
0x118: {  	_ = 	snop  }
0x119: {  	[tilespmem:v4+s23+$0x0] =	vst.idx.msk $0xffff, v3  }
0x11a: {  	v3 =	vld.idx.msk [tilespmem:v5+s22+$0x0], $0xffff  }
0x11b: {  	v4 =	vld.idx.msk [tilespmem:v6+s11+$0x0], $0xffff;
	_ =	sdelay $0x1  }
0x11c: {  	v5 =	vor.u32 v9, v1  }
0x11d: {  	v6 =	vor.u32 v7, v2;
	_ =	sdelay $0x1  }
0x11e: {  	v4 =	vadd.f32 v4, v3;
	_ =	sdelay $0x1  }
0x11f: {  	[tilespmem:v5+s23+$0x0] =	vst.idx.msk $0xffff, v4  }
0x120: {  	v4 =	vld.idx.msk [tilespmem:v6+s11+$0x0], $0xffff;
	_ =	sdelay $0x1  }
0x121: {  	v5 =	vor.u32 v8, v1  }
0x122: {  	v6 =	vor.u32 v0, v2;
	_ =	sdelay $0x1  }
0x123: {  	v4 =	vadd.f32 v4, v3;
	_ =	sdelay $0x1  }
0x124: {  	[tilespmem:v5+s23+$0x0] =	vst.idx.msk $0xffff, v4  }
0x125: {  	v4 =	vld.idx.msk [tilespmem:v6+s11+$0x0], $0xffff;
	_ =	sdelay $0x1  }
0x126: {  	v5 =	vor.u32 v20, v1  }
0x127: {  	v6 =	vor.u32 v21, v2;
	_ =	sdelay $0x1  }
0x128: {  	v4 =	vadd.f32 v4, v3;
	_ =	sdelay $0x1  }
0x129: {  	[tilespmem:v5+s23+$0x0] =	vst.idx.msk $0xffff, v4  }
0x12a: {  	v4 =	vld.idx.msk [tilespmem:v6+s11+$0x0], $0xffff;
	_ =	sdelay $0x1  }
0x12b: {  	v5 =	vor.u32 v22, v1  }
0x12c: {  	v6 =	vor.u32 v23, v2;
	_ =	sdelay $0x1  }
0x12d: {  	v4 =	vadd.f32 v4, v3;
	_ =	sdelay $0x1  }
0x12e: {  	[tilespmem:v5+s23+$0x0] =	vst.idx.msk $0xffff, v4  }
0x12f: {  	v4 =	vld.idx.msk [tilespmem:v6+s11+$0x0], $0xffff;
	_ =	sdelay $0x1  }
0x130: {  	v5 =	vor.u32 v10, v1  }
0x131: {  	v6 =	vor.u32 v25, v2;
	_ =	sdelay $0x1  }
0x132: {  	v4 =	vadd.f32 v4, v3;
	_ =	sdelay $0x1  }
0x133: {  	[tilespmem:v5+s23+$0x0] =	vst.idx.msk $0xffff, v4  }
0x134: {  	v4 =	vld.idx.msk [tilespmem:v6+s11+$0x0], $0xffff;
	_ =	sdelay $0x1  }
0x135: {  	v5 =	vor.u32 v26, v1  }
0x136: {  	v6 =	vor.u32 v27, v2;
	_ =	sdelay $0x1  }
0x137: {  	v4 =	vadd.f32 v4, v3;
	_ =	sdelay $0x1  }
0x138: {  	[tilespmem:v5+s23+$0x0] =	vst.idx.msk $0xffff, v4  }
0x139: {  	v4 =	vld.idx.msk [tilespmem:v6+s11+$0x0], $0xffff;
	_ =	sdelay $0x1  }
0x13a: {  	v5 =	vor.u32 v28, v1  }
0x13b: {  	v6 =	vor.u32 v29, v2;
	_ =	sdelay $0x1  }
0x13c: {  	v4 =	vadd.f32 v4, v3;
	_ =	sdelay $0x1  }
0x13d: {  	[tilespmem:v5+s23+$0x0] =	vst.idx.msk $0xffff, v4  }
0x13e: {  	v4 =	vld.idx.msk [tilespmem:v6+s11+$0x0], $0xffff;
	_ =	sdelay $0x1  }
0x13f: {  	v5 =	vor.u32 v30, v1  }
0x140: {  	v6 =	vor.u32 v31, v2;
	_ =	sdelay $0x1  }
0x141: {  	v4 =	vadd.f32 v4, v3;
	_ =	sdelay $0x1  }
0x142: {  	[tilespmem:v5+s23+$0x0] =	vst.idx.msk $0xffff, v4  }
0x143: {  	v4 =	vld.idx.msk [tilespmem:v6+s11+$0x0], $0xffff;
	_ =	sdelay $0x1  }
0x144: {  	v5 =	vor.u32 v32, v1  }
0x145: {  	v6 =	vor.u32 v33, v2;
	_ =	sdelay $0x1  }
0x146: {  	v4 =	vadd.f32 v4, v3;
	_ =	sdelay $0x1  }
0x147: {  	[tilespmem:v5+s23+$0x0] =	vst.idx.msk $0xffff, v4  }
0x148: {  	v4 =	vld.idx.msk [tilespmem:v6+s11+$0x0], $0xffff;
	_ =	sdelay $0x1  }
0x149: {  	v5 =	vor.u32 v34, v1  }
0x14a: {  	v6 =	vor.u32 v35, v2;
	_ =	sdelay $0x1  }
0x14b: {  	v4 =	vadd.f32 v4, v3;
	_ =	sdelay $0x1  }
0x14c: {  	[tilespmem:v5+s23+$0x0] =	vst.idx.msk $0xffff, v4  }
0x14d: {  	v4 =	vld.idx.msk [tilespmem:v6+s11+$0x0], $0xffff;
	_ =	sdelay $0x1  }
0x14e: {  	v5 =	vor.u32 v36, v1  }
0x14f: {  	v6 =	vor.u32 v37, v2;
	_ =	sdelay $0x1  }
0x150: {  	v4 =	vadd.f32 v4, v3;
	_ =	sdelay $0x1  }
0x151: {  	[tilespmem:v5+s23+$0x0] =	vst.idx.msk $0xffff, v4  }
0x152: {  	v4 =	vld.idx.msk [tilespmem:v6+s11+$0x0], $0xffff;
	_ =	sdelay $0x1  }
0x153: {  	v5 =	vor.u32 v38, v1  }
0x154: {  	v6 =	vor.u32 v39, v2;
	_ =	sdelay $0x1  }
0x155: {  	v4 =	vadd.f32 v4, v3;
	_ =	sdelay $0x1  }
0x156: {  	[tilespmem:v5+s23+$0x0] =	vst.idx.msk $0xffff, v4  }
0x157: {  	v4 =	vld.idx.msk [tilespmem:v6+s11+$0x0], $0xffff;
	_ =	sdelay $0x1  }
0x158: {  	v5 =	vor.u32 v40, v1  }
0x159: {  	v6 =	vor.u32 v41, v2;
	_ =	sdelay $0x1  }
0x15a: {  	v4 =	vadd.f32 v4, v3;
	_ =	sdelay $0x1  }
0x15b: {  	[tilespmem:v5+s23+$0x0] =	vst.idx.msk $0xffff, v4  }
0x15c: {  	v4 =	vld.idx.msk [tilespmem:v6+s11+$0x0], $0xffff;
	_ =	sdelay $0x1  }
0x15d: {  	v5 =	vor.u32 v42, v1  }
0x15e: {  	v6 =	vor.u32 v43, v2;
	_ =	sdelay $0x1  }
0x15f: {  	v4 =	vadd.f32 v4, v3;
	_ =	sdelay $0x1  }
0x160: {  	[tilespmem:v5+s23+$0x0] =	vst.idx.msk $0xffff, v4  }
0x161: {  	v4 =	vld.idx.msk [tilespmem:v6+s11+$0x0], $0xffff;
	_ =	sdelay $0x1  }
0x162: {  	v5 =	vor.u32 v44, v1  }
0x163: {  	v6 =	vor.u32 v45, v2;
	_ =	sdelay $0x1  }
0x164: {  	v4 =	vadd.f32 v4, v3;
	_ =	sdelay $0x1  }
0x165: {  	[tilespmem:v5+s23+$0x0] =	vst.idx.msk $0xffff, v4  }
0x166: {  	v4 =	vld.idx.msk [tilespmem:v6+s11+$0x0], $0xffff;
	_ =	sdelay $0x1  }
0x167: {  	v5 =	vor.u32 v46, v1  }
0x168: {  	v6 =	vor.u32 v47, v2;
	_ =	sdelay $0x1  }
0x169: {  	v4 =	vadd.f32 v4, v3;
	_ =	sdelay $0x1  }
0x16a: {  	[tilespmem:v5+s23+$0x0] =	vst.idx.msk $0xffff, v4  }
0x16b: {  	v4 =	vld.idx.msk [tilespmem:v6+s11+$0x0], $0xffff;
	_ =	sdelay $0x1  }
0x16c: {  	v5 =	vor.u32 v48, v1  }
0x16d: {  	v6 =	vor.u32 v49, v2;
	_ =	sdelay $0x1  }
0x16e: {  	v4 =	vadd.f32 v4, v3;
	_ =	sdelay $0x1  }
0x16f: {  	[tilespmem:v5+s23+$0x0] =	vst.idx.msk $0xffff, v4  }
0x170: {  	v4 =	vld.idx.msk [tilespmem:v6+s11+$0x0], $0xffff;
	_ =	sdelay $0x1  }
0x171: {  	v5 =	vor.u32 v50, v1  }
0x172: {  	v6 =	vor.u32 v51, v2;
	_ =	sdelay $0x1  }
0x173: {  	v4 =	vadd.f32 v4, v3;
	_ =	sdelay $0x1  }
0x174: {  	[tilespmem:v5+s23+$0x0] =	vst.idx.msk $0xffff, v4  }
0x175: {  	v4 =	vld.idx.msk [tilespmem:v6+s11+$0x0], $0xffff;
	_ =	sdelay $0x1  }
0x176: {  	v5 =	vor.u32 v52, v1  }
0x177: {  	v6 =	vor.u32 v53, v2;
	_ =	sdelay $0x1  }
0x178: {  	v4 =	vadd.f32 v4, v3;
	_ =	sdelay $0x1  }
0x179: {  	[tilespmem:v5+s23+$0x0] =	vst.idx.msk $0xffff, v4  }
0x17a: {  	v4 =	vld.idx.msk [tilespmem:v6+s11+$0x0], $0xffff;
	_ =	sdelay $0x1  }
0x17b: {  	v5 =	vor.u32 v54, v1  }
0x17c: {  	v6 =	vor.u32 v55, v2;
	_ =	sdelay $0x1  }
0x17d: {  	v4 =	vadd.f32 v4, v3;
	_ =	sdelay $0x1  }
0x17e: {  	[tilespmem:v5+s23+$0x0] =	vst.idx.msk $0xffff, v4  }
0x17f: {  	v4 =	vld.idx.msk [tilespmem:v6+s11+$0x0], $0xffff;
	_ =	sdelay $0x1  }
0x180: {  	v5 =	vor.u32 v56, v1  }
0x181: {  	v6 =	vor.u32 v57, v2;
	_ =	sdelay $0x1  }
0x182: {  	v4 =	vadd.f32 v4, v3;
	_ =	sdelay $0x1  }
0x183: {  	[tilespmem:v5+s23+$0x0] =	vst.idx.msk $0xffff, v4  }
0x184: {  	v4 =	vld.idx.msk [tilespmem:v6+s11+$0x0], $0xffff;
	_ =	sdelay $0x1  }
0x185: {  	v5 =	vor.u32 v58, v1  }
0x186: {  	v6 =	vor.u32 v59, v2;
	_ =	sdelay $0x1  }
0x187: {  	v4 =	vadd.f32 v4, v3;
	_ =	sdelay $0x1  }
0x188: {  	[tilespmem:v5+s23+$0x0] =	vst.idx.msk $0xffff, v4  }
0x189: {  	v4 =	vld.idx.msk [tilespmem:v6+s11+$0x0], $0xffff;
	_ =	sdelay $0x1  }
0x18a: {  	v5 =	vor.u32 v60, v1  }
0x18b: {  	v6 =	vor.u32 v61, v2;
	_ =	sdelay $0x1  }
0x18c: {  	v4 =	vadd.f32 v4, v3;
	_ =	sdelay $0x1  }
0x18d: {  	[tilespmem:v5+s23+$0x0] =	vst.idx.msk $0xffff, v4  }
0x18e: {  	v4 =	vld.idx.msk [tilespmem:v6+s11+$0x0], $0xffff;
	_ =	sdelay $0x1  }
0x18f: {  	v5 =	vor.u32 v62, v1  }
0x190: {  	v6 =	vor.u32 v63, v2;
	_ =	sdelay $0x1  }
0x191: {  	v4 =	vadd.f32 v4, v3;
	_ =	sdelay $0x1  }
0x192: {  	[tilespmem:v5+s23+$0x0] =	vst.idx.msk $0xffff, v4;
	v5 =	vld [tilespmem:$0x1FCB0]  }
0x193: {  	v4 =	vld.idx.msk [tilespmem:v6+s11+$0x0], $0xffff  }
0x194: {  	v6 =	vld [tilespmem:$0x1FCC0];
	_ =	sdelay $0x3  }
0x195: {  	v5 =	vor.u32 v5, v1  }
0x196: {  	v6 =	vor.u32 v6, v2;
	_ =	sdelay $0x1  }
0x197: {  	v4 =	vadd.f32 v4, v3;
	_ =	sdelay $0x1  }
0x198: {  	[tilespmem:v5+s23+$0x0] =	vst.idx.msk $0xffff, v4;
	v5 =	vld [tilespmem:$0x1FCD0]  }
0x199: {  	v4 =	vld.idx.msk [tilespmem:v6+s11+$0x0], $0xffff  }
0x19a: {  	v6 =	vld [tilespmem:$0x1FCE0];
	_ =	sdelay $0x2  }
0x19b: {  	v5 =	vor.u32 v5, v1;
	_ =	sdelay $0x1  }
0x19c: {  	v6 =	vor.u32 v6, v2  }
0x19d: {  	v4 =	vadd.f32 v4, v3;
	_ =	sdelay $0x1  }
0x19e: {  	[tilespmem:v5+s23+$0x0] =	vst.idx.msk $0xffff, v4;
	v5 =	vld [tilespmem:$0x1FCF0];
	_ =	sdelay $0x1  }
0x19f: {  	v4 =	vld.idx.msk [tilespmem:v6+s11+$0x0], $0xffff  }
0x1a0: {  	v6 =	vld [tilespmem:$0x1FD00];
	_ =	sdelay $0x1  }
0x1a1: {  	v5 =	vor.u32 v5, v1;
	_ =	sdelay $0x2  }
0x1a2: {  	v6 =	vor.u32 v6, v2;
	v4 =	vadd.f32 v4, v3;
	_ =	sdelay $0x1  }
0x1a3: {  	[tilespmem:v5+s23+$0x0] =	vst.idx.msk $0xffff, v4;
	v5 =	vld [tilespmem:$0x1FD10];
	_ =	sdelay $0x2  }
0x1a4: {  	v4 =	vld.idx.msk [tilespmem:v6+s11+$0x0], $0xffff;
	_ =	sdelay $0x1  }
0x1a5: {  	v5 =	vor.u32 v5, v1  }
0x1a6: {  	v6 =	vor.u32 v11, v2;
	_ =	sdelay $0x1  }
0x1a7: {  	v4 =	vadd.f32 v4, v3;
	_ =	sdelay $0x1  }
0x1a8: {  	[tilespmem:v5+s23+$0x0] =	vst.idx.msk $0xffff, v4  }
0x1a9: {  	v4 =	vld.idx.msk [tilespmem:v6+s11+$0x0], $0xffff;
	_ =	sdelay $0x1  }
0x1aa: {  	v5 =	vor.u32 v13, v1  }
0x1ab: {  	v6 =	vor.u32 v14, v2;
	_ =	sdelay $0x1  }
0x1ac: {  	v4 =	vadd.f32 v4, v3;
	_ =	sdelay $0x1  }
0x1ad: {  	[tilespmem:v5+s23+$0x0] =	vst.idx.msk $0xffff, v4  }
0x1ae: {  	v4 =	vld.idx.msk [tilespmem:v6+s11+$0x0], $0xffff;
	_ =	sdelay $0x1  }
0x1af: {  	v5 =	vor.u32 v15, v1  }
0x1b0: {  	v6 =	vor.u32 v16, v2;
	_ =	sdelay $0x1  }
0x1b1: {  	v4 =	vadd.f32 v4, v3;
	_ =	sdelay $0x1  }
0x1b2: {  	[tilespmem:v5+s23+$0x0] =	vst.idx.msk $0xffff, v4  }
0x1b3: {  	v4 =	vld.idx.msk [tilespmem:v6+s11+$0x0], $0xffff;
	_ =	sdelay $0x1  }
0x1b4: {  	v5 =	vor.u32 v17, v1  }
0x1b5: {  	v2 =	vor.u32 v18, v2;
	_ =	sdelay $0x1  }
0x1b6: {  	v4 =	vadd.f32 v4, v3;
	_ =	sdelay $0x1  }
0x1b7: {  	v19 =	vmov v18;
	v18 =	vmov v17;
	v17 =	vmov v16;
	[tilespmem:v5+s23+$0x0] =	vst.idx.msk $0xffff, v4  }
0x1b8: {  	v16 =	vmovc v15;
	v15 =	vmovc v14;
	v14 =	vmov v13;
	v13 =	vmov v11;
	v11 =	vmov v7;
	v7 =	vld.idx.msk [tilespmem:v2+s11+$0x0], $0xffff  }
0x1b9: {  	s16 =	smov.u32 s15;
	v2 =	vld [tilespmem:$0x1FC70]  }
0x1ba: {  	s6 =	sand.u32 $0xF, s16  }
0x1bb: {  	v6 =	vadd.s32 s6, v9  }
0x1bc: {  	s16 =	sand.u32 $0x10, s16;
	v4 =	vand.u32 $0xF, v6  }
0x1bd: {  	v12 =	vmov v8;
	v8 =	vor.u32 s16, v4  }
0x1be: {  	v4 =	vor.u32 v2, v1;
	v1 =	vmul.u32 $0x108, v8  }
0x1bf: {  	v5 =	vshll.u32 v6, $0x7  }
0x1c0: {  	v9 =	vand.u32 $0x380, v5;
	v5 =	vadd.s32 v24, v1;
	v1 =	vld [tilespmem:$0x1FD20]  }
0x1c1: {  	p1 =	sne.s32 s15, $0x1F  }
.Ltmp1:
0x1c2: {  	_ = 	snop;
	(pc) =	sbr.rel @p1 .LBB2_5-.Ltmp1, $4  }
0x1c3: {  	v6 =	vand.u32 $0x7, v6;
	v2 =	vand.u32 $0x18, v8;
	v8 =	vshll.u32 v8, $0x9  }
0x1c4: {  	v3 =	vadd.f32 v7, v3;
	v7 =	vmovc v11;
	v11 =	vmovc v13;
	v13 =	vmov v14;
	v2 =	vor.u32 v6, v2  }
0x1c5: {  	v14 =	vmovc v15;
	v15 =	vmovc v16;
	v16 =	vmov v17;
	v6 =	vor.u32 v1, v2;
	v1 =	vand.u32 $0x3000, v8  }
0x1c6: {  	s15 =	sadd.s32 $0x1, s15;
	v17 =	vmovc v18;
	v18 =	vmovc v19;
	v8 =	vmov v12;
	v1 =	vor.u32 v9, v1;
	v9 =	vlaneseq.u32  }
0x1c7: {  	_ =	sdelay $0x3  }
0x1c8: {  	[tilespmem:v4+s23+$0x0] =	vst.idx.msk $0xffff, v3  }
0x1c9: {  	v12 =	vld.idx.msk [tilespmem:v5+s22+$0x0], $0xffff  }
0x1ca: {  	v3 =	vld.idx.msk [tilespmem:v6+s11+$0x0], $0xffff;
	_ =	sdelay $0x1  }
0x1cb: {  	v4 =	vor.u32 v9, v1  }
0x1cc: {  	v5 =	vor.u32 v7, v2;
	_ =	sdelay $0x1  }
0x1cd: {  	v3 =	vadd.f32 v3, v12;
	_ =	sdelay $0x1  }
0x1ce: {  	[tilespmem:v4+s23+$0x0] =	vst.idx.msk $0xffff, v3  }
0x1cf: {  	v3 =	vld.idx.msk [tilespmem:v5+s11+$0x0], $0xffff;
	_ =	sdelay $0x1  }
0x1d0: {  	v4 =	vor.u32 v8, v1  }
0x1d1: {  	v5 =	vor.u32 v0, v2;
	_ =	sdelay $0x1  }
0x1d2: {  	v3 =	vadd.f32 v3, v12;
	_ =	sdelay $0x1  }
0x1d3: {  	[tilespmem:v4+s23+$0x0] =	vst.idx.msk $0xffff, v3  }
0x1d4: {  	v3 =	vld.idx.msk [tilespmem:v5+s11+$0x0], $0xffff;
	_ =	sdelay $0x1  }
0x1d5: {  	v4 =	vor.u32 v20, v1  }
0x1d6: {  	v5 =	vor.u32 v21, v2;
	_ =	sdelay $0x1  }
0x1d7: {  	v3 =	vadd.f32 v3, v12;
	_ =	sdelay $0x1  }
0x1d8: {  	[tilespmem:v4+s23+$0x0] =	vst.idx.msk $0xffff, v3  }
0x1d9: {  	v3 =	vld.idx.msk [tilespmem:v5+s11+$0x0], $0xffff;
	_ =	sdelay $0x1  }
0x1da: {  	v4 =	vor.u32 v22, v1  }
0x1db: {  	v5 =	vor.u32 v23, v2;
	_ =	sdelay $0x1  }
0x1dc: {  	v3 =	vadd.f32 v3, v12;
	_ =	sdelay $0x1  }
0x1dd: {  	[tilespmem:v4+s23+$0x0] =	vst.idx.msk $0xffff, v3  }
0x1de: {  	v3 =	vld.idx.msk [tilespmem:v5+s11+$0x0], $0xffff;
	_ =	sdelay $0x1  }
0x1df: {  	v4 =	vor.u32 v10, v1  }
0x1e0: {  	v5 =	vor.u32 v25, v2;
	_ =	sdelay $0x1  }
0x1e1: {  	v3 =	vadd.f32 v3, v12;
	_ =	sdelay $0x1  }
0x1e2: {  	[tilespmem:v4+s23+$0x0] =	vst.idx.msk $0xffff, v3  }
0x1e3: {  	v3 =	vld.idx.msk [tilespmem:v5+s11+$0x0], $0xffff;
	_ =	sdelay $0x1  }
0x1e4: {  	v4 =	vor.u32 v26, v1  }
0x1e5: {  	v5 =	vor.u32 v27, v2;
	_ =	sdelay $0x1  }
0x1e6: {  	v3 =	vadd.f32 v3, v12;
	_ =	sdelay $0x1  }
0x1e7: {  	[tilespmem:v4+s23+$0x0] =	vst.idx.msk $0xffff, v3  }
0x1e8: {  	v3 =	vld.idx.msk [tilespmem:v5+s11+$0x0], $0xffff;
	_ =	sdelay $0x1  }
0x1e9: {  	v4 =	vor.u32 v28, v1  }
0x1ea: {  	v5 =	vor.u32 v29, v2;
	_ =	sdelay $0x1  }
0x1eb: {  	v3 =	vadd.f32 v3, v12;
	_ =	sdelay $0x1  }
0x1ec: {  	[tilespmem:v4+s23+$0x0] =	vst.idx.msk $0xffff, v3  }
0x1ed: {  	v3 =	vld.idx.msk [tilespmem:v5+s11+$0x0], $0xffff;
	_ =	sdelay $0x1  }
0x1ee: {  	v4 =	vor.u32 v30, v1  }
0x1ef: {  	v5 =	vor.u32 v31, v2;
	_ =	sdelay $0x1  }
0x1f0: {  	v3 =	vadd.f32 v3, v12;
	_ =	sdelay $0x1  }
0x1f1: {  	[tilespmem:v4+s23+$0x0] =	vst.idx.msk $0xffff, v3  }
0x1f2: {  	v3 =	vld.idx.msk [tilespmem:v5+s11+$0x0], $0xffff;
	_ =	sdelay $0x1  }
0x1f3: {  	v4 =	vor.u32 v32, v1  }
0x1f4: {  	v5 =	vor.u32 v33, v2;
	_ =	sdelay $0x1  }
0x1f5: {  	v3 =	vadd.f32 v3, v12;
	_ =	sdelay $0x1  }
0x1f6: {  	[tilespmem:v4+s23+$0x0] =	vst.idx.msk $0xffff, v3  }
0x1f7: {  	v3 =	vld.idx.msk [tilespmem:v5+s11+$0x0], $0xffff;
	_ =	sdelay $0x1  }
0x1f8: {  	v4 =	vor.u32 v34, v1  }
0x1f9: {  	v5 =	vor.u32 v35, v2;
	_ =	sdelay $0x1  }
0x1fa: {  	v3 =	vadd.f32 v3, v12;
	_ =	sdelay $0x1  }
0x1fb: {  	[tilespmem:v4+s23+$0x0] =	vst.idx.msk $0xffff, v3  }
0x1fc: {  	v3 =	vld.idx.msk [tilespmem:v5+s11+$0x0], $0xffff;
	_ =	sdelay $0x1  }
0x1fd: {  	v4 =	vor.u32 v36, v1  }
0x1fe: {  	v5 =	vor.u32 v37, v2;
	_ =	sdelay $0x1  }
0x1ff: {  	v3 =	vadd.f32 v3, v12;
	_ =	sdelay $0x1  }
0x200: {  	[tilespmem:v4+s23+$0x0] =	vst.idx.msk $0xffff, v3  }
0x201: {  	v3 =	vld.idx.msk [tilespmem:v5+s11+$0x0], $0xffff;
	_ =	sdelay $0x1  }
0x202: {  	v4 =	vor.u32 v38, v1  }
0x203: {  	v5 =	vor.u32 v39, v2;
	_ =	sdelay $0x1  }
0x204: {  	v3 =	vadd.f32 v3, v12;
	_ =	sdelay $0x1  }
0x205: {  	[tilespmem:v4+s23+$0x0] =	vst.idx.msk $0xffff, v3  }
0x206: {  	v3 =	vld.idx.msk [tilespmem:v5+s11+$0x0], $0xffff;
	_ =	sdelay $0x1  }
0x207: {  	v4 =	vor.u32 v40, v1  }
0x208: {  	v5 =	vor.u32 v41, v2;
	_ =	sdelay $0x1  }
0x209: {  	v3 =	vadd.f32 v3, v12;
	_ =	sdelay $0x1  }
0x20a: {  	[tilespmem:v4+s23+$0x0] =	vst.idx.msk $0xffff, v3  }
0x20b: {  	v3 =	vld.idx.msk [tilespmem:v5+s11+$0x0], $0xffff;
	_ =	sdelay $0x1  }
0x20c: {  	v4 =	vor.u32 v42, v1  }
0x20d: {  	v5 =	vor.u32 v43, v2;
	_ =	sdelay $0x1  }
0x20e: {  	v3 =	vadd.f32 v3, v12;
	_ =	sdelay $0x1  }
0x20f: {  	[tilespmem:v4+s23+$0x0] =	vst.idx.msk $0xffff, v3  }
0x210: {  	v3 =	vld.idx.msk [tilespmem:v5+s11+$0x0], $0xffff;
	_ =	sdelay $0x1  }
0x211: {  	v4 =	vor.u32 v44, v1  }
0x212: {  	v5 =	vor.u32 v45, v2;
	_ =	sdelay $0x1  }
0x213: {  	v3 =	vadd.f32 v3, v12;
	_ =	sdelay $0x1  }
0x214: {  	[tilespmem:v4+s23+$0x0] =	vst.idx.msk $0xffff, v3  }
0x215: {  	v3 =	vld.idx.msk [tilespmem:v5+s11+$0x0], $0xffff;
	_ =	sdelay $0x1  }
0x216: {  	v4 =	vor.u32 v46, v1  }
0x217: {  	v5 =	vor.u32 v47, v2;
	_ =	sdelay $0x1  }
0x218: {  	v3 =	vadd.f32 v3, v12;
	_ =	sdelay $0x1  }
0x219: {  	[tilespmem:v4+s23+$0x0] =	vst.idx.msk $0xffff, v3  }
0x21a: {  	v3 =	vld.idx.msk [tilespmem:v5+s11+$0x0], $0xffff;
	_ =	sdelay $0x1  }
0x21b: {  	v4 =	vor.u32 v48, v1  }
0x21c: {  	v5 =	vor.u32 v49, v2;
	_ =	sdelay $0x1  }
0x21d: {  	v3 =	vadd.f32 v3, v12;
	_ =	sdelay $0x1  }
0x21e: {  	[tilespmem:v4+s23+$0x0] =	vst.idx.msk $0xffff, v3  }
0x21f: {  	v3 =	vld.idx.msk [tilespmem:v5+s11+$0x0], $0xffff;
	_ =	sdelay $0x1  }
0x220: {  	v4 =	vor.u32 v50, v1  }
0x221: {  	v5 =	vor.u32 v51, v2;
	_ =	sdelay $0x1  }
0x222: {  	v3 =	vadd.f32 v3, v12;
	_ =	sdelay $0x1  }
0x223: {  	[tilespmem:v4+s23+$0x0] =	vst.idx.msk $0xffff, v3  }
0x224: {  	v3 =	vld.idx.msk [tilespmem:v5+s11+$0x0], $0xffff;
	_ =	sdelay $0x1  }
0x225: {  	v4 =	vor.u32 v52, v1  }
0x226: {  	v5 =	vor.u32 v53, v2;
	_ =	sdelay $0x1  }
0x227: {  	v3 =	vadd.f32 v3, v12;
	_ =	sdelay $0x1  }
0x228: {  	[tilespmem:v4+s23+$0x0] =	vst.idx.msk $0xffff, v3  }
0x229: {  	v3 =	vld.idx.msk [tilespmem:v5+s11+$0x0], $0xffff;
	_ =	sdelay $0x1  }
0x22a: {  	v4 =	vor.u32 v54, v1  }
0x22b: {  	v5 =	vor.u32 v55, v2;
	_ =	sdelay $0x1  }
0x22c: {  	v3 =	vadd.f32 v3, v12;
	_ =	sdelay $0x1  }
0x22d: {  	[tilespmem:v4+s23+$0x0] =	vst.idx.msk $0xffff, v3  }
0x22e: {  	v3 =	vld.idx.msk [tilespmem:v5+s11+$0x0], $0xffff;
	_ =	sdelay $0x1  }
0x22f: {  	v4 =	vor.u32 v56, v1  }
0x230: {  	v5 =	vor.u32 v57, v2;
	_ =	sdelay $0x1  }
0x231: {  	v3 =	vadd.f32 v3, v12;
	_ =	sdelay $0x1  }
0x232: {  	[tilespmem:v4+s23+$0x0] =	vst.idx.msk $0xffff, v3  }
0x233: {  	v3 =	vld.idx.msk [tilespmem:v5+s11+$0x0], $0xffff;
	_ =	sdelay $0x1  }
0x234: {  	v4 =	vor.u32 v58, v1  }
0x235: {  	v5 =	vor.u32 v59, v2;
	_ =	sdelay $0x1  }
0x236: {  	v3 =	vadd.f32 v3, v12;
	_ =	sdelay $0x1  }
0x237: {  	[tilespmem:v4+s23+$0x0] =	vst.idx.msk $0xffff, v3  }
0x238: {  	v3 =	vld.idx.msk [tilespmem:v5+s11+$0x0], $0xffff;
	_ =	sdelay $0x1  }
0x239: {  	v4 =	vor.u32 v60, v1  }
0x23a: {  	v5 =	vor.u32 v61, v2;
	_ =	sdelay $0x1  }
0x23b: {  	v3 =	vadd.f32 v3, v12;
	_ =	sdelay $0x1  }
0x23c: {  	[tilespmem:v4+s23+$0x0] =	vst.idx.msk $0xffff, v3  }
0x23d: {  	v3 =	vld.idx.msk [tilespmem:v5+s11+$0x0], $0xffff;
	_ =	sdelay $0x1  }
0x23e: {  	v4 =	vor.u32 v62, v1  }
0x23f: {  	v5 =	vor.u32 v63, v2;
	_ =	sdelay $0x1  }
0x240: {  	v3 =	vadd.f32 v3, v12;
	_ =	sdelay $0x1  }
0x241: {  	[tilespmem:v4+s23+$0x0] =	vst.idx.msk $0xffff, v3;
	v4 =	vld [tilespmem:$0x1FCB0]  }
0x242: {  	v3 =	vld.idx.msk [tilespmem:v5+s11+$0x0], $0xffff  }
0x243: {  	v5 =	vld [tilespmem:$0x1FCC0];
	_ =	sdelay $0x3  }
0x244: {  	v4 =	vor.u32 v4, v1  }
0x245: {  	v5 =	vor.u32 v5, v2;
	_ =	sdelay $0x1  }
0x246: {  	v3 =	vadd.f32 v3, v12;
	_ =	sdelay $0x1  }
0x247: {  	[tilespmem:v4+s23+$0x0] =	vst.idx.msk $0xffff, v3;
	v4 =	vld [tilespmem:$0x1FCD0]  }
0x248: {  	v3 =	vld.idx.msk [tilespmem:v5+s11+$0x0], $0xffff  }
0x249: {  	v5 =	vld [tilespmem:$0x1FCE0];
	_ =	sdelay $0x2  }
0x24a: {  	v4 =	vor.u32 v4, v1;
	_ =	sdelay $0x1  }
0x24b: {  	v5 =	vor.u32 v5, v2  }
0x24c: {  	v3 =	vadd.f32 v3, v12;
	_ =	sdelay $0x1  }
0x24d: {  	[tilespmem:v4+s23+$0x0] =	vst.idx.msk $0xffff, v3;
	v4 =	vld [tilespmem:$0x1FCF0];
	_ =	sdelay $0x1  }
0x24e: {  	v3 =	vld.idx.msk [tilespmem:v5+s11+$0x0], $0xffff  }
0x24f: {  	v5 =	vld [tilespmem:$0x1FD00];
	_ =	sdelay $0x1  }
0x250: {  	v4 =	vor.u32 v4, v1;
	_ =	sdelay $0x2  }
0x251: {  	v5 =	vor.u32 v5, v2;
	v3 =	vadd.f32 v3, v12;
	_ =	sdelay $0x1  }
0x252: {  	[tilespmem:v4+s23+$0x0] =	vst.idx.msk $0xffff, v3;
	v4 =	vld [tilespmem:$0x1FD10];
	_ =	sdelay $0x2  }
0x253: {  	v3 =	vld.idx.msk [tilespmem:v5+s11+$0x0], $0xffff;
	_ =	sdelay $0x1  }
0x254: {  	v4 =	vor.u32 v4, v1  }
0x255: {  	v5 =	vor.u32 v11, v2;
	_ =	sdelay $0x1  }
0x256: {  	v3 =	vadd.f32 v3, v12;
	_ =	sdelay $0x1  }
0x257: {  	[tilespmem:v4+s23+$0x0] =	vst.idx.msk $0xffff, v3  }
0x258: {  	v3 =	vld.idx.msk [tilespmem:v5+s11+$0x0], $0xffff;
	_ =	sdelay $0x1  }
0x259: {  	v4 =	vor.u32 v13, v1  }
0x25a: {  	v5 =	vor.u32 v14, v2;
	_ =	sdelay $0x1  }
0x25b: {  	v3 =	vadd.f32 v3, v12;
	_ =	sdelay $0x1  }
0x25c: {  	[tilespmem:v4+s23+$0x0] =	vst.idx.msk $0xffff, v3  }
0x25d: {  	v3 =	vld.idx.msk [tilespmem:v5+s11+$0x0], $0xffff;
	_ =	sdelay $0x1  }
0x25e: {  	v4 =	vor.u32 v15, v1  }
0x25f: {  	v5 =	vor.u32 v16, v2;
	_ =	sdelay $0x1  }
0x260: {  	v3 =	vadd.f32 v3, v12;
	_ =	sdelay $0x1  }
0x261: {  	[tilespmem:v4+s23+$0x0] =	vst.idx.msk $0xffff, v3  }
0x262: {  	v3 =	vld.idx.msk [tilespmem:v5+s11+$0x0], $0xffff;
	_ =	sdelay $0x1  }
0x263: {  	v4 =	vor.u32 v17, v1;
	_ =	sdelay $0x2  }
0x264: {  	v2 =	vor.u32 v18, v2;
	v3 =	vadd.f32 v3, v12;
	_ =	sdelay $0x1  }
0x265: {  	[tilespmem:v4+s23+$0x0] =	vst.idx.msk $0xffff, v3;
	v3 =	vld [tilespmem:$0x1FC70];
	_ =	sdelay $0x2  }
0x266: {  	v2 =	vld.idx.msk [tilespmem:v2+s11+$0x0], $0xffff;
	_ =	sdelay $0x1  }
0x267: {  	v1 =	vor.u32 v3, v1;
	_ =	sdelay $0x1  }
0x268: {  	s6 =	sshll.u32 s13, $0x9  }
0x269: {  	s6 =	sand.u32 $0xC00, s6;
	v2 =	vadd.f32 v2, v12  }
0x26a: {  	s15 =	sshll.u32 s14, $0xE;
	s6 =	sadd.s32 s1, s6  }
0x26b: {  	p1 =	seq.s32 s2, $0x18;
	s6 =	sadd.s32 s15, s6;
	[tilespmem:v1+s23+$0x0] =	vst.idx.msk $0xffff, v2  }
0x26c: {  	[hbm4b:s6+s24] =	stream.strided.scatter [tilespmem:s23], [sflag:$0x3], $0x4000, s25, s24, $0x38;
	[tilespmem:$0x18500] =	vst v63  }
0x26d: {  	s6 =	sshll.u32 @!p1 s2, $0xA  }
0x26e: {  	s6 =	sand.u32 @!p1 $0x3FFFFC00, s6  }
0x26f: {  	s14 =	simm.s32 @!p1 $0x80;
	s15 =	simm.s32 @!p1 $0x8500;
	s13 =	sadd.s32 @!p1 $0x400, s6  }
0x270: {  	[tilespmem:s15], [sflag:$0x1] =	stream.indirect.gather @!p1 [hbm4b:s4+s14], $0x20, s13, s14, $0xb8;
	[tilespmem:$0x18500] =	vst v63  }
0x271: {  	s13 =	sadd.s32 @!p1 $0x480, s6;
	s15 =	simm.s32 @!p1 $0x9500  }
0x272: {  	[tilespmem:s15], [sflag:$0x1] =	stream.indirect.gather @!p1 [hbm4b:s4+s14], $0x20, s13, s14, $0xb8;
	[tilespmem:$0x18500] =	vst v63  }
0x273: {  	s13 =	sadd.s32 @!p1 $0x500, s6;
	s15 =	simm.s32 @!p1 $0xA500  }
0x274: {  	[tilespmem:s15], [sflag:$0x1] =	stream.indirect.gather @!p1 [hbm4b:s4+s14], $0x20, s13, s14, $0xb8;
	[tilespmem:$0x18500] =	vst v63  }
0x275: {  	s6 =	sadd.s32 @!p1 $0x580, s6;
	s13 =	simm.s32 @!p1 $0xB500  }
0x276: {  	[tilespmem:s13], [sflag:$0x1] =	stream.indirect.gather @!p1 [hbm4b:s4+s14], $0x20, s6, s14, $0xb8;
	[tilespmem:$0x18500] =	vst v63  }
0x277: {  	_ =	swait.ge [sflag:s26], $0x1000  }
0x278: {  	[sflag:s26] =	ssyncset.done $0x0  }
0x279: {  	[sflag:s26] =	ssyncadd.s32 $0xFFFFF000  }
0x27a: {  	_ =	swait.ge [sflag:s26], $0x1000  }
0x27b: {  	s16 =	simm.s32 $0x0;
	[sflag:s26] =	ssyncset.done $0x0  }
0x27c: {  	s14 =	sand.u32 $0xF, s16;
	[sflag:s26] =	ssyncadd.s32 $0xFFFFF000  }
0x27d: {  	s12 =	sadd.s32 s7, s12;
	v2 =	vadd.s32 s14, v9;
	_ =	swait.ge [sflag:s26], $0x1000  }
0x27e: {  	s13 =	sshrl.u32 s12, $0x3;
	s6 =	sand.u32 $0x10, s16;
	v3 =	vand.u32 $0xF, v2;
	[sflag:s26] =	ssyncset.done $0x0  }
0x27f: {  	v1 =	vmov s13;
	v3 =	vor.u32 s6, v3;
	[sflag:s26] =	ssyncadd.s32 $0xFFFFF000  }
0x280: {  	v24 =	vbroadcast v1, $0x0;
	v5 =	vand.u32 $0x7, v2;
	v1 =	vand.u32 $0x18, v3;
	_ =	swait.ge [sflag:s26], $0x1000  }
0x281: {  	v1 =	vor.u32 v5, v1;
	v5 =	vld [tilespmem:$0x1FD20];
	_ =	sdelay $0x1  }
0x282: {  	v4 =	vmul.u32 $0x108, v3;
	_ =	sdelay $0x1  }
0x283: {  	v4 =	vadd.s32 v24, v4;
	[sflag:s26] =	ssyncset.done $0x0  }
0x284: {  	s6 =	simm.s32 @!p0 $0x4;
	[sflag:s26] =	ssyncadd.s32 $0xFFFFF000;
	v5 =	vor.u32 v5, v1  }
0x285: {  	_ =	swait.ge @!p0 [sflag:s6], $0x4000  }
0x286: {  	[sflag:s6] =	ssyncset.done @!p0 $0x0  }
0x287: {  	[sflag:s6] =	ssyncadd.s32 @!p0 $0xFFFFC000  }
0x288: {  	v2 =	vshll.u32 v2, $0x7;
	v3 =	vshll.u32 v3, $0x9;
	v12 =	vld.idx.msk [tilespmem:v4+s22+$0x0], $0xffff  }
0x289: {  	v2 =	vand.u32 $0x380, v2;
	v3 =	vand.u32 $0x3000, v3;
	v4 =	vld.idx.msk [tilespmem:v5+s17+$0x0], $0xffff  }
0x28a: {  	v3 =	vor.u32 v2, v3  }
0x28b: {  	v2 =	vor.u32 v9, v3  }
0x28c: {  	v5 =	vor.u32 v7, v1;
	_ =	sdelay $0x1  }
0x28d: {  	v4 =	vadd.f32 v4, v12;
	_ =	sdelay $0x1  }
0x28e: {  	[tilespmem:v2+s28+$0x0] =	vst.idx.msk $0xffff, v4  }
0x28f: {  	v2 =	vld.idx.msk [tilespmem:v5+s17+$0x0], $0xffff;
	_ =	sdelay $0x1  }
0x290: {  	v4 =	vor.u32 v8, v3  }
0x291: {  	v5 =	vor.u32 v0, v1;
	_ =	sdelay $0x1  }
0x292: {  	v2 =	vadd.f32 v2, v12;
	_ =	sdelay $0x1  }
0x293: {  	[tilespmem:v4+s28+$0x0] =	vst.idx.msk $0xffff, v2  }
0x294: {  	v2 =	vld.idx.msk [tilespmem:v5+s17+$0x0], $0xffff  }
0x295: {  	v5 =	vld [tilespmem:$0x1FE80];
	_ =	sdelay $0x3  }
0x296: {  	v4 =	vor.u32 v20, v3  }
0x297: {  	v5 =	vor.u32 v5, v1;
	_ =	sdelay $0x1  }
0x298: {  	v2 =	vadd.f32 v2, v12;
	_ =	sdelay $0x1  }
0x299: {  	[tilespmem:v4+s28+$0x0] =	vst.idx.msk $0xffff, v2;
	v4 =	vld [tilespmem:$0x1FD30]  }
0x29a: {  	v2 =	vld.idx.msk [tilespmem:v5+s17+$0x0], $0xffff  }
0x29b: {  	v5 =	vld [tilespmem:$0x1FE90];
	_ =	sdelay $0x3  }
0x29c: {  	v4 =	vor.u32 v4, v3  }
0x29d: {  	v5 =	vor.u32 v5, v1;
	_ =	sdelay $0x1  }
0x29e: {  	v2 =	vadd.f32 v2, v12;
	_ =	sdelay $0x1  }
0x29f: {  	[tilespmem:v4+s28+$0x0] =	vst.idx.msk $0xffff, v2;
	v4 =	vld [tilespmem:$0x1FD40]  }
0x2a0: {  	v2 =	vld.idx.msk [tilespmem:v5+s17+$0x0], $0xffff  }
0x2a1: {  	v5 =	vld [tilespmem:$0x1FEA0];
	_ =	sdelay $0x3  }
0x2a2: {  	v4 =	vor.u32 v4, v3  }
0x2a3: {  	v5 =	vor.u32 v5, v1;
	_ =	sdelay $0x1  }
0x2a4: {  	v2 =	vadd.f32 v2, v12;
	_ =	sdelay $0x1  }
0x2a5: {  	[tilespmem:v4+s28+$0x0] =	vst.idx.msk $0xffff, v2;
	v4 =	vld [tilespmem:$0x1FD50]  }
0x2a6: {  	v2 =	vld.idx.msk [tilespmem:v5+s17+$0x0], $0xffff  }
0x2a7: {  	v5 =	vld [tilespmem:$0x1FEB0];
	_ =	sdelay $0x3  }
0x2a8: {  	v4 =	vor.u32 v4, v3  }
0x2a9: {  	v5 =	vor.u32 v5, v1;
	_ =	sdelay $0x1  }
0x2aa: {  	v2 =	vadd.f32 v2, v12;
	_ =	sdelay $0x1  }
0x2ab: {  	[tilespmem:v4+s28+$0x0] =	vst.idx.msk $0xffff, v2;
	v4 =	vld [tilespmem:$0x1FD60]  }
0x2ac: {  	v2 =	vld.idx.msk [tilespmem:v5+s17+$0x0], $0xffff  }
0x2ad: {  	v5 =	vld [tilespmem:$0x1FEC0];
	_ =	sdelay $0x3  }
0x2ae: {  	v4 =	vor.u32 v4, v3  }
0x2af: {  	v5 =	vor.u32 v5, v1;
	_ =	sdelay $0x1  }
0x2b0: {  	v2 =	vadd.f32 v2, v12;
	_ =	sdelay $0x1  }
0x2b1: {  	[tilespmem:v4+s28+$0x0] =	vst.idx.msk $0xffff, v2;
	v4 =	vld [tilespmem:$0x1FD70]  }
0x2b2: {  	v2 =	vld.idx.msk [tilespmem:v5+s17+$0x0], $0xffff  }
0x2b3: {  	v5 =	vld [tilespmem:$0x1FED0];
	_ =	sdelay $0x3  }
0x2b4: {  	v4 =	vor.u32 v4, v3  }
0x2b5: {  	v5 =	vor.u32 v5, v1;
	_ =	sdelay $0x1  }
0x2b6: {  	v2 =	vadd.f32 v2, v12;
	_ =	sdelay $0x1  }
0x2b7: {  	[tilespmem:v4+s28+$0x0] =	vst.idx.msk $0xffff, v2;
	v4 =	vld [tilespmem:$0x1FD80]  }
0x2b8: {  	v2 =	vld.idx.msk [tilespmem:v5+s17+$0x0], $0xffff  }
0x2b9: {  	v5 =	vld [tilespmem:$0x1FEE0];
	_ =	sdelay $0x3  }
0x2ba: {  	v4 =	vor.u32 v4, v3  }
0x2bb: {  	v5 =	vor.u32 v5, v1;
	_ =	sdelay $0x1  }
0x2bc: {  	v2 =	vadd.f32 v2, v12;
	_ =	sdelay $0x1  }
0x2bd: {  	[tilespmem:v4+s28+$0x0] =	vst.idx.msk $0xffff, v2;
	v4 =	vld [tilespmem:$0x1FD90]  }
0x2be: {  	v2 =	vld.idx.msk [tilespmem:v5+s17+$0x0], $0xffff  }
0x2bf: {  	v5 =	vld [tilespmem:$0x1FEF0];
	_ =	sdelay $0x3  }
0x2c0: {  	v4 =	vor.u32 v4, v3  }
0x2c1: {  	v5 =	vor.u32 v5, v1;
	_ =	sdelay $0x1  }
0x2c2: {  	v2 =	vadd.f32 v2, v12;
	_ =	sdelay $0x1  }
0x2c3: {  	[tilespmem:v4+s28+$0x0] =	vst.idx.msk $0xffff, v2;
	v4 =	vld [tilespmem:$0x1FDA0]  }
0x2c4: {  	v2 =	vld.idx.msk [tilespmem:v5+s17+$0x0], $0xffff  }
0x2c5: {  	v5 =	vld [tilespmem:$0x1FF00];
	_ =	sdelay $0x3  }
0x2c6: {  	v4 =	vor.u32 v4, v3  }
0x2c7: {  	v5 =	vor.u32 v5, v1;
	_ =	sdelay $0x1  }
0x2c8: {  	v2 =	vadd.f32 v2, v12;
	_ =	sdelay $0x1  }
0x2c9: {  	[tilespmem:v4+s28+$0x0] =	vst.idx.msk $0xffff, v2;
	v4 =	vld [tilespmem:$0x1FDB0]  }
0x2ca: {  	v2 =	vld.idx.msk [tilespmem:v5+s17+$0x0], $0xffff  }
0x2cb: {  	v5 =	vld [tilespmem:$0x1FF10];
	_ =	sdelay $0x3  }
0x2cc: {  	v4 =	vor.u32 v4, v3  }
0x2cd: {  	v5 =	vor.u32 v5, v1;
	_ =	sdelay $0x1  }
0x2ce: {  	v2 =	vadd.f32 v2, v12;
	_ =	sdelay $0x1  }
0x2cf: {  	[tilespmem:v4+s28+$0x0] =	vst.idx.msk $0xffff, v2;
	v4 =	vld [tilespmem:$0x1FDC0]  }
0x2d0: {  	v2 =	vld.idx.msk [tilespmem:v5+s17+$0x0], $0xffff  }
0x2d1: {  	v5 =	vld [tilespmem:$0x1FF20];
	_ =	sdelay $0x3  }
0x2d2: {  	v4 =	vor.u32 v4, v3  }
0x2d3: {  	v5 =	vor.u32 v5, v1;
	_ =	sdelay $0x1  }
0x2d4: {  	v2 =	vadd.f32 v2, v12;
	_ =	sdelay $0x1  }
0x2d5: {  	[tilespmem:v4+s28+$0x0] =	vst.idx.msk $0xffff, v2;
	v4 =	vld [tilespmem:$0x1FDD0]  }
0x2d6: {  	v2 =	vld.idx.msk [tilespmem:v5+s17+$0x0], $0xffff  }
0x2d7: {  	v5 =	vld [tilespmem:$0x1FF30];
	_ =	sdelay $0x3  }
0x2d8: {  	v4 =	vor.u32 v4, v3  }
0x2d9: {  	v5 =	vor.u32 v5, v1;
	_ =	sdelay $0x1  }
0x2da: {  	v2 =	vadd.f32 v2, v12;
	_ =	sdelay $0x1  }
0x2db: {  	[tilespmem:v4+s28+$0x0] =	vst.idx.msk $0xffff, v2;
	v4 =	vld [tilespmem:$0x1FDE0]  }
0x2dc: {  	v2 =	vld.idx.msk [tilespmem:v5+s17+$0x0], $0xffff  }
0x2dd: {  	v5 =	vld [tilespmem:$0x1FF40];
	_ =	sdelay $0x3  }
0x2de: {  	v4 =	vor.u32 v4, v3  }
0x2df: {  	v5 =	vor.u32 v5, v1;
	_ =	sdelay $0x1  }
0x2e0: {  	v2 =	vadd.f32 v2, v12;
	_ =	sdelay $0x1  }
0x2e1: {  	[tilespmem:v4+s28+$0x0] =	vst.idx.msk $0xffff, v2;
	v4 =	vld [tilespmem:$0x1FDF0]  }
0x2e2: {  	v2 =	vld.idx.msk [tilespmem:v5+s17+$0x0], $0xffff  }
0x2e3: {  	v5 =	vld [tilespmem:$0x1FF50];
	_ =	sdelay $0x3  }
0x2e4: {  	v4 =	vor.u32 v4, v3  }
0x2e5: {  	v5 =	vor.u32 v5, v1;
	_ =	sdelay $0x1  }
0x2e6: {  	v2 =	vadd.f32 v2, v12;
	_ =	sdelay $0x1  }
0x2e7: {  	[tilespmem:v4+s28+$0x0] =	vst.idx.msk $0xffff, v2;
	v4 =	vld [tilespmem:$0x1FE00]  }
0x2e8: {  	v2 =	vld.idx.msk [tilespmem:v5+s17+$0x0], $0xffff  }
0x2e9: {  	v5 =	vld [tilespmem:$0x1FF60];
	_ =	sdelay $0x3  }
0x2ea: {  	v4 =	vor.u32 v4, v3  }
0x2eb: {  	v5 =	vor.u32 v5, v1;
	_ =	sdelay $0x1  }
0x2ec: {  	v2 =	vadd.f32 v2, v12;
	_ =	sdelay $0x1  }
0x2ed: {  	[tilespmem:v4+s28+$0x0] =	vst.idx.msk $0xffff, v2;
	v4 =	vld [tilespmem:$0x1FE10]  }
0x2ee: {  	v2 =	vld.idx.msk [tilespmem:v5+s17+$0x0], $0xffff  }
0x2ef: {  	v5 =	vld [tilespmem:$0x1FF70];
	_ =	sdelay $0x3  }
0x2f0: {  	v4 =	vor.u32 v4, v3  }
0x2f1: {  	v5 =	vor.u32 v5, v1;
	_ =	sdelay $0x1  }
0x2f2: {  	v2 =	vadd.f32 v2, v12;
	_ =	sdelay $0x1  }
0x2f3: {  	[tilespmem:v4+s28+$0x0] =	vst.idx.msk $0xffff, v2;
	v4 =	vld [tilespmem:$0x1FE20]  }
0x2f4: {  	v2 =	vld.idx.msk [tilespmem:v5+s17+$0x0], $0xffff  }
0x2f5: {  	v5 =	vld [tilespmem:$0x1FF80];
	_ =	sdelay $0x3  }
0x2f6: {  	v4 =	vor.u32 v4, v3  }
0x2f7: {  	v5 =	vor.u32 v5, v1;
	_ =	sdelay $0x1  }
0x2f8: {  	v2 =	vadd.f32 v2, v12;
	_ =	sdelay $0x1  }
0x2f9: {  	[tilespmem:v4+s28+$0x0] =	vst.idx.msk $0xffff, v2;
	v4 =	vld [tilespmem:$0x1FE30]  }
0x2fa: {  	v2 =	vld.idx.msk [tilespmem:v5+s17+$0x0], $0xffff  }
0x2fb: {  	v5 =	vld [tilespmem:$0x1FF90];
	_ =	sdelay $0x3  }
0x2fc: {  	v4 =	vor.u32 v4, v3  }
0x2fd: {  	v5 =	vor.u32 v5, v1;
	_ =	sdelay $0x1  }
0x2fe: {  	v2 =	vadd.f32 v2, v12;
	_ =	sdelay $0x1  }
0x2ff: {  	[tilespmem:v4+s28+$0x0] =	vst.idx.msk $0xffff, v2;
	v4 =	vld [tilespmem:$0x1FE40]  }
0x300: {  	v2 =	vld.idx.msk [tilespmem:v5+s17+$0x0], $0xffff  }
0x301: {  	v5 =	vld [tilespmem:$0x1FFA0];
	_ =	sdelay $0x3  }
0x302: {  	v4 =	vor.u32 v4, v3  }
0x303: {  	v5 =	vor.u32 v5, v1;
	_ =	sdelay $0x1  }
0x304: {  	v2 =	vadd.f32 v2, v12;
	_ =	sdelay $0x1  }
0x305: {  	[tilespmem:v4+s28+$0x0] =	vst.idx.msk $0xffff, v2;
	v4 =	vld [tilespmem:$0x1FE50]  }
0x306: {  	v2 =	vld.idx.msk [tilespmem:v5+s17+$0x0], $0xffff  }
0x307: {  	v5 =	vld [tilespmem:$0x1FFB0];
	_ =	sdelay $0x3  }
0x308: {  	v4 =	vor.u32 v4, v3  }
0x309: {  	v5 =	vor.u32 v5, v1;
	_ =	sdelay $0x1  }
0x30a: {  	v2 =	vadd.f32 v2, v12;
	_ =	sdelay $0x1  }
0x30b: {  	[tilespmem:v4+s28+$0x0] =	vst.idx.msk $0xffff, v2;
	v4 =	vld [tilespmem:$0x1FE60]  }
0x30c: {  	v2 =	vld.idx.msk [tilespmem:v5+s17+$0x0], $0xffff  }
0x30d: {  	v5 =	vld [tilespmem:$0x1FFC0];
	_ =	sdelay $0x3  }
0x30e: {  	v4 =	vor.u32 v4, v3  }
0x30f: {  	v5 =	vor.u32 v5, v1;
	_ =	sdelay $0x1  }
0x310: {  	v2 =	vadd.f32 v2, v12;
	_ =	sdelay $0x1  }
0x311: {  	[tilespmem:v4+s28+$0x0] =	vst.idx.msk $0xffff, v2;
	v4 =	vld [tilespmem:$0x1FE70]  }
0x312: {  	v2 =	vld.idx.msk [tilespmem:v5+s17+$0x0], $0xffff  }
0x313: {  	v5 =	vld [tilespmem:$0x1FFD0];
	_ =	sdelay $0x3  }
0x314: {  	v4 =	vor.u32 v4, v3  }
0x315: {  	v5 =	vor.u32 v5, v1;
	_ =	sdelay $0x1  }
0x316: {  	v2 =	vadd.f32 v2, v12;
	_ =	sdelay $0x1  }
0x317: {  	[tilespmem:v4+s28+$0x0] =	vst.idx.msk $0xffff, v2;
	v4 =	vld [tilespmem:$0x1FCB0]  }
0x318: {  	v2 =	vld.idx.msk [tilespmem:v5+s17+$0x0], $0xffff  }
0x319: {  	v5 =	vld [tilespmem:$0x1FCC0];
	_ =	sdelay $0x3  }
0x31a: {  	v4 =	vor.u32 v4, v3  }
0x31b: {  	v5 =	vor.u32 v5, v1;
	_ =	sdelay $0x1  }
0x31c: {  	v2 =	vadd.f32 v2, v12;
	_ =	sdelay $0x1  }
0x31d: {  	[tilespmem:v4+s28+$0x0] =	vst.idx.msk $0xffff, v2;
	v4 =	vld [tilespmem:$0x1FCD0]  }
0x31e: {  	v2 =	vld.idx.msk [tilespmem:v5+s17+$0x0], $0xffff  }
0x31f: {  	v5 =	vld [tilespmem:$0x1FCE0];
	_ =	sdelay $0x2  }
0x320: {  	v4 =	vor.u32 v4, v3;
	_ =	sdelay $0x1  }
0x321: {  	v5 =	vor.u32 v5, v1  }
0x322: {  	v2 =	vadd.f32 v2, v12;
	_ =	sdelay $0x1  }
0x323: {  	[tilespmem:v4+s28+$0x0] =	vst.idx.msk $0xffff, v2;
	v4 =	vld [tilespmem:$0x1FCF0];
	_ =	sdelay $0x1  }
0x324: {  	v2 =	vld.idx.msk [tilespmem:v5+s17+$0x0], $0xffff  }
0x325: {  	v5 =	vld [tilespmem:$0x1FD00];
	_ =	sdelay $0x1  }
0x326: {  	v4 =	vor.u32 v4, v3;
	_ =	sdelay $0x2  }
0x327: {  	v5 =	vor.u32 v5, v1;
	v2 =	vadd.f32 v2, v12;
	_ =	sdelay $0x1  }
0x328: {  	[tilespmem:v4+s28+$0x0] =	vst.idx.msk $0xffff, v2;
	v4 =	vld [tilespmem:$0x1FD10];
	_ =	sdelay $0x2  }
0x329: {  	v2 =	vld.idx.msk [tilespmem:v5+s17+$0x0], $0xffff;
	_ =	sdelay $0x1  }
0x32a: {  	v4 =	vor.u32 v4, v3  }
0x32b: {  	v5 =	vor.u32 v11, v1;
	_ =	sdelay $0x1  }
0x32c: {  	v2 =	vadd.f32 v2, v12;
	_ =	sdelay $0x1  }
0x32d: {  	[tilespmem:v4+s28+$0x0] =	vst.idx.msk $0xffff, v2  }
0x32e: {  	v2 =	vld.idx.msk [tilespmem:v5+s17+$0x0], $0xffff;
	_ =	sdelay $0x1  }
0x32f: {  	v4 =	vor.u32 v13, v3  }
0x330: {  	v5 =	vor.u32 v14, v1;
	_ =	sdelay $0x1  }
0x331: {  	v2 =	vadd.f32 v2, v12;
	_ =	sdelay $0x1  }
0x332: {  	[tilespmem:v4+s28+$0x0] =	vst.idx.msk $0xffff, v2  }
0x333: {  	v2 =	vld.idx.msk [tilespmem:v5+s17+$0x0], $0xffff;
	_ =	sdelay $0x1  }
0x334: {  	v4 =	vor.u32 v15, v3  }
0x335: {  	v5 =	vor.u32 v16, v1;
	_ =	sdelay $0x1  }
0x336: {  	v2 =	vadd.f32 v2, v12;
	_ =	sdelay $0x1  }
0x337: {  	[tilespmem:v4+s28+$0x0] =	vst.idx.msk $0xffff, v2  }
0x338: {  	v2 =	vld.idx.msk [tilespmem:v5+s17+$0x0], $0xffff;
	_ =	sdelay $0x1  }
0x339: {  	v4 =	vor.u32 v17, v3  }
0x33a: {  	v1 =	vor.u32 v18, v1  }
0x33b: {  	s15 =	simm.s32 $0x1  }
0x33c: {  	s16 =	sand.u32 $0xF, s15;
	v2 =	vadd.f32 v2, v12  }
0x33d: {  	v5 =	vadd.s32 s16, v9  }
0x33e: {  	v19 =	vmovc v18;
	s6 =	sand.u32 $0x10, s15;
	v18 =	vmovc v17;
	v17 =	vmov v16;
	v16 =	vmov v15;
	[tilespmem:v4+s28+$0x0] =	vst.idx.msk $0xffff, v2;
	v2 =	vand.u32 $0xF, v5  }
0x33f: {  	v15 =	vmovc v14;
	v14 =	vmovc v13;
	v6 =	vld.idx.msk [tilespmem:v1+s17+$0x0], $0xffff;
	v1 =	vshll.u32 v5, $0x7;
	v2 =	vor.u32 s6, v2;
	v5 =	vand.u32 $0x7, v5  }
0x340: {  	v13 =	vmovc v11;
	v11 =	vmovc v7;
	v7 =	vmul.u32 $0x108, v2;
	v4 =	vand.u32 $0x18, v2;
	v2 =	vshll.u32 v2, $0x9  }
0x341: {  	[tilespmem:$0x1FC60] =	vst v12;
	v12 =	vmov v8;
	v8 =	vand.u32 $0x3000, v2;
	v2 =	vor.u32 v5, v4;
	v4 =	vld [tilespmem:$0x1FC70];
	_ =	sdelay $0x4  }
0x342: {  	v4 =	vor.u32 v4, v3;
	v3 =	vld [tilespmem:$0x1FC60];
	_ =	sdelay $0x4  }
0x343: {  	v3 =	vadd.f32 v6, v3;
	v6 =	vld [tilespmem:$0x1FD20];
	_ =	sdelay $0x3  }
0x344: {  	v5 =	vadd.s32 v24, v7  }
0x345: {  	v1 =	vand.u32 $0x380, v1;
	v6 =	vor.u32 v6, v2  }
0x346: {  	s14 =	simm.s32 $0x2;
	v1 =	vor.u32 v1, v8  }
.LBB2_7:
0x347: {  	_ = 	snop  }
0x348: {  	[tilespmem:v4+s28+$0x0] =	vst.idx.msk $0xffff, v3  }
0x349: {  	v3 =	vld.idx.msk [tilespmem:v5+s22+$0x0], $0xffff  }
0x34a: {  	v4 =	vld.idx.msk [tilespmem:v6+s17+$0x0], $0xffff;
	_ =	sdelay $0x1  }
0x34b: {  	v5 =	vor.u32 v9, v1  }
0x34c: {  	v6 =	vor.u32 v11, v2;
	_ =	sdelay $0x1  }
0x34d: {  	v4 =	vadd.f32 v4, v3;
	_ =	sdelay $0x1  }
0x34e: {  	[tilespmem:v5+s28+$0x0] =	vst.idx.msk $0xffff, v4  }
0x34f: {  	v4 =	vld.idx.msk [tilespmem:v6+s17+$0x0], $0xffff;
	_ =	sdelay $0x1  }
0x350: {  	v5 =	vor.u32 v12, v1  }
0x351: {  	v6 =	vor.u32 v0, v2;
	_ =	sdelay $0x1  }
0x352: {  	v4 =	vadd.f32 v4, v3;
	_ =	sdelay $0x1  }
0x353: {  	[tilespmem:v5+s28+$0x0] =	vst.idx.msk $0xffff, v4  }
0x354: {  	v4 =	vld.idx.msk [tilespmem:v6+s17+$0x0], $0xffff;
	_ =	sdelay $0x1  }
0x355: {  	v5 =	vor.u32 v20, v1  }
0x356: {  	v6 =	vor.u32 v21, v2;
	_ =	sdelay $0x1  }
0x357: {  	v4 =	vadd.f32 v4, v3;
	_ =	sdelay $0x1  }
0x358: {  	[tilespmem:v5+s28+$0x0] =	vst.idx.msk $0xffff, v4  }
0x359: {  	v4 =	vld.idx.msk [tilespmem:v6+s17+$0x0], $0xffff;
	_ =	sdelay $0x1  }
0x35a: {  	v5 =	vor.u32 v22, v1  }
0x35b: {  	v6 =	vor.u32 v23, v2;
	_ =	sdelay $0x1  }
0x35c: {  	v4 =	vadd.f32 v4, v3;
	_ =	sdelay $0x1  }
0x35d: {  	[tilespmem:v5+s28+$0x0] =	vst.idx.msk $0xffff, v4  }
0x35e: {  	v4 =	vld.idx.msk [tilespmem:v6+s17+$0x0], $0xffff;
	_ =	sdelay $0x1  }
0x35f: {  	v5 =	vor.u32 v10, v1  }
0x360: {  	v6 =	vor.u32 v25, v2;
	_ =	sdelay $0x1  }
0x361: {  	v4 =	vadd.f32 v4, v3;
	_ =	sdelay $0x1  }
0x362: {  	[tilespmem:v5+s28+$0x0] =	vst.idx.msk $0xffff, v4  }
0x363: {  	v4 =	vld.idx.msk [tilespmem:v6+s17+$0x0], $0xffff;
	_ =	sdelay $0x1  }
0x364: {  	v5 =	vor.u32 v26, v1  }
0x365: {  	v6 =	vor.u32 v27, v2;
	_ =	sdelay $0x1  }
0x366: {  	v4 =	vadd.f32 v4, v3;
	_ =	sdelay $0x1  }
0x367: {  	[tilespmem:v5+s28+$0x0] =	vst.idx.msk $0xffff, v4  }
0x368: {  	v4 =	vld.idx.msk [tilespmem:v6+s17+$0x0], $0xffff;
	_ =	sdelay $0x1  }
0x369: {  	v5 =	vor.u32 v28, v1  }
0x36a: {  	v6 =	vor.u32 v29, v2;
	_ =	sdelay $0x1  }
0x36b: {  	v4 =	vadd.f32 v4, v3;
	_ =	sdelay $0x1  }
0x36c: {  	[tilespmem:v5+s28+$0x0] =	vst.idx.msk $0xffff, v4  }
0x36d: {  	v4 =	vld.idx.msk [tilespmem:v6+s17+$0x0], $0xffff;
	_ =	sdelay $0x1  }
0x36e: {  	v5 =	vor.u32 v30, v1  }
0x36f: {  	v6 =	vor.u32 v31, v2;
	_ =	sdelay $0x1  }
0x370: {  	v4 =	vadd.f32 v4, v3;
	_ =	sdelay $0x1  }
0x371: {  	[tilespmem:v5+s28+$0x0] =	vst.idx.msk $0xffff, v4  }
0x372: {  	v4 =	vld.idx.msk [tilespmem:v6+s17+$0x0], $0xffff;
	_ =	sdelay $0x1  }
0x373: {  	v5 =	vor.u32 v32, v1  }
0x374: {  	v6 =	vor.u32 v33, v2;
	_ =	sdelay $0x1  }
0x375: {  	v4 =	vadd.f32 v4, v3;
	_ =	sdelay $0x1  }
0x376: {  	[tilespmem:v5+s28+$0x0] =	vst.idx.msk $0xffff, v4  }
0x377: {  	v4 =	vld.idx.msk [tilespmem:v6+s17+$0x0], $0xffff;
	_ =	sdelay $0x1  }
0x378: {  	v5 =	vor.u32 v34, v1  }
0x379: {  	v6 =	vor.u32 v35, v2;
	_ =	sdelay $0x1  }
0x37a: {  	v4 =	vadd.f32 v4, v3;
	_ =	sdelay $0x1  }
0x37b: {  	[tilespmem:v5+s28+$0x0] =	vst.idx.msk $0xffff, v4  }
0x37c: {  	v4 =	vld.idx.msk [tilespmem:v6+s17+$0x0], $0xffff;
	_ =	sdelay $0x1  }
0x37d: {  	v5 =	vor.u32 v36, v1  }
0x37e: {  	v6 =	vor.u32 v37, v2;
	_ =	sdelay $0x1  }
0x37f: {  	v4 =	vadd.f32 v4, v3;
	_ =	sdelay $0x1  }
0x380: {  	[tilespmem:v5+s28+$0x0] =	vst.idx.msk $0xffff, v4  }
0x381: {  	v4 =	vld.idx.msk [tilespmem:v6+s17+$0x0], $0xffff;
	_ =	sdelay $0x1  }
0x382: {  	v5 =	vor.u32 v38, v1  }
0x383: {  	v6 =	vor.u32 v39, v2;
	_ =	sdelay $0x1  }
0x384: {  	v4 =	vadd.f32 v4, v3;
	_ =	sdelay $0x1  }
0x385: {  	[tilespmem:v5+s28+$0x0] =	vst.idx.msk $0xffff, v4  }
0x386: {  	v4 =	vld.idx.msk [tilespmem:v6+s17+$0x0], $0xffff;
	_ =	sdelay $0x1  }
0x387: {  	v5 =	vor.u32 v40, v1  }
0x388: {  	v6 =	vor.u32 v41, v2;
	_ =	sdelay $0x1  }
0x389: {  	v4 =	vadd.f32 v4, v3;
	_ =	sdelay $0x1  }
0x38a: {  	[tilespmem:v5+s28+$0x0] =	vst.idx.msk $0xffff, v4  }
0x38b: {  	v4 =	vld.idx.msk [tilespmem:v6+s17+$0x0], $0xffff;
	_ =	sdelay $0x1  }
0x38c: {  	v5 =	vor.u32 v42, v1  }
0x38d: {  	v6 =	vor.u32 v43, v2;
	_ =	sdelay $0x1  }
0x38e: {  	v4 =	vadd.f32 v4, v3;
	_ =	sdelay $0x1  }
0x38f: {  	[tilespmem:v5+s28+$0x0] =	vst.idx.msk $0xffff, v4  }
0x390: {  	v4 =	vld.idx.msk [tilespmem:v6+s17+$0x0], $0xffff;
	_ =	sdelay $0x1  }
0x391: {  	v5 =	vor.u32 v44, v1  }
0x392: {  	v6 =	vor.u32 v45, v2;
	_ =	sdelay $0x1  }
0x393: {  	v4 =	vadd.f32 v4, v3;
	_ =	sdelay $0x1  }
0x394: {  	[tilespmem:v5+s28+$0x0] =	vst.idx.msk $0xffff, v4  }
0x395: {  	v4 =	vld.idx.msk [tilespmem:v6+s17+$0x0], $0xffff;
	_ =	sdelay $0x1  }
0x396: {  	v5 =	vor.u32 v46, v1  }
0x397: {  	v6 =	vor.u32 v47, v2;
	_ =	sdelay $0x1  }
0x398: {  	v4 =	vadd.f32 v4, v3;
	_ =	sdelay $0x1  }
0x399: {  	[tilespmem:v5+s28+$0x0] =	vst.idx.msk $0xffff, v4  }
0x39a: {  	v4 =	vld.idx.msk [tilespmem:v6+s17+$0x0], $0xffff;
	_ =	sdelay $0x1  }
0x39b: {  	v5 =	vor.u32 v48, v1  }
0x39c: {  	v6 =	vor.u32 v49, v2;
	_ =	sdelay $0x1  }
0x39d: {  	v4 =	vadd.f32 v4, v3;
	_ =	sdelay $0x1  }
0x39e: {  	[tilespmem:v5+s28+$0x0] =	vst.idx.msk $0xffff, v4  }
0x39f: {  	v4 =	vld.idx.msk [tilespmem:v6+s17+$0x0], $0xffff;
	_ =	sdelay $0x1  }
0x3a0: {  	v5 =	vor.u32 v50, v1  }
0x3a1: {  	v6 =	vor.u32 v51, v2;
	_ =	sdelay $0x1  }
0x3a2: {  	v4 =	vadd.f32 v4, v3;
	_ =	sdelay $0x1  }
0x3a3: {  	[tilespmem:v5+s28+$0x0] =	vst.idx.msk $0xffff, v4  }
0x3a4: {  	v4 =	vld.idx.msk [tilespmem:v6+s17+$0x0], $0xffff;
	_ =	sdelay $0x1  }
0x3a5: {  	v5 =	vor.u32 v52, v1  }
0x3a6: {  	v6 =	vor.u32 v53, v2;
	_ =	sdelay $0x1  }
0x3a7: {  	v4 =	vadd.f32 v4, v3;
	_ =	sdelay $0x1  }
0x3a8: {  	[tilespmem:v5+s28+$0x0] =	vst.idx.msk $0xffff, v4  }
0x3a9: {  	v4 =	vld.idx.msk [tilespmem:v6+s17+$0x0], $0xffff;
	_ =	sdelay $0x1  }
0x3aa: {  	v5 =	vor.u32 v54, v1  }
0x3ab: {  	v6 =	vor.u32 v55, v2;
	_ =	sdelay $0x1  }
0x3ac: {  	v4 =	vadd.f32 v4, v3;
	_ =	sdelay $0x1  }
0x3ad: {  	[tilespmem:v5+s28+$0x0] =	vst.idx.msk $0xffff, v4  }
0x3ae: {  	v4 =	vld.idx.msk [tilespmem:v6+s17+$0x0], $0xffff;
	_ =	sdelay $0x1  }
0x3af: {  	v5 =	vor.u32 v56, v1  }
0x3b0: {  	v6 =	vor.u32 v57, v2;
	_ =	sdelay $0x1  }
0x3b1: {  	v4 =	vadd.f32 v4, v3;
	_ =	sdelay $0x1  }
0x3b2: {  	[tilespmem:v5+s28+$0x0] =	vst.idx.msk $0xffff, v4  }
0x3b3: {  	v4 =	vld.idx.msk [tilespmem:v6+s17+$0x0], $0xffff;
	_ =	sdelay $0x1  }
0x3b4: {  	v5 =	vor.u32 v58, v1  }
0x3b5: {  	v6 =	vor.u32 v59, v2;
	_ =	sdelay $0x1  }
0x3b6: {  	v4 =	vadd.f32 v4, v3;
	_ =	sdelay $0x1  }
0x3b7: {  	[tilespmem:v5+s28+$0x0] =	vst.idx.msk $0xffff, v4  }
0x3b8: {  	v4 =	vld.idx.msk [tilespmem:v6+s17+$0x0], $0xffff;
	_ =	sdelay $0x1  }
0x3b9: {  	v5 =	vor.u32 v60, v1  }
0x3ba: {  	v6 =	vor.u32 v61, v2;
	_ =	sdelay $0x1  }
0x3bb: {  	v4 =	vadd.f32 v4, v3;
	_ =	sdelay $0x1  }
0x3bc: {  	[tilespmem:v5+s28+$0x0] =	vst.idx.msk $0xffff, v4  }
0x3bd: {  	v4 =	vld.idx.msk [tilespmem:v6+s17+$0x0], $0xffff;
	_ =	sdelay $0x1  }
0x3be: {  	v5 =	vor.u32 v62, v1  }
0x3bf: {  	v6 =	vor.u32 v63, v2;
	_ =	sdelay $0x1  }
0x3c0: {  	v4 =	vadd.f32 v4, v3;
	_ =	sdelay $0x1  }
0x3c1: {  	[tilespmem:v5+s28+$0x0] =	vst.idx.msk $0xffff, v4;
	v5 =	vld [tilespmem:$0x1FCB0]  }
0x3c2: {  	v4 =	vld.idx.msk [tilespmem:v6+s17+$0x0], $0xffff  }
0x3c3: {  	v6 =	vld [tilespmem:$0x1FCC0];
	_ =	sdelay $0x3  }
0x3c4: {  	v5 =	vor.u32 v5, v1  }
0x3c5: {  	v6 =	vor.u32 v6, v2;
	_ =	sdelay $0x1  }
0x3c6: {  	v4 =	vadd.f32 v4, v3;
	_ =	sdelay $0x1  }
0x3c7: {  	[tilespmem:v5+s28+$0x0] =	vst.idx.msk $0xffff, v4;
	v5 =	vld [tilespmem:$0x1FCD0]  }
0x3c8: {  	v4 =	vld.idx.msk [tilespmem:v6+s17+$0x0], $0xffff  }
0x3c9: {  	v6 =	vld [tilespmem:$0x1FCE0];
	_ =	sdelay $0x2  }
0x3ca: {  	v5 =	vor.u32 v5, v1;
	_ =	sdelay $0x1  }
0x3cb: {  	v6 =	vor.u32 v6, v2  }
0x3cc: {  	v4 =	vadd.f32 v4, v3;
	_ =	sdelay $0x1  }
0x3cd: {  	[tilespmem:v5+s28+$0x0] =	vst.idx.msk $0xffff, v4;
	v5 =	vld [tilespmem:$0x1FCF0];
	_ =	sdelay $0x1  }
0x3ce: {  	v4 =	vld.idx.msk [tilespmem:v6+s17+$0x0], $0xffff  }
0x3cf: {  	v6 =	vld [tilespmem:$0x1FD00];
	_ =	sdelay $0x1  }
0x3d0: {  	v5 =	vor.u32 v5, v1;
	_ =	sdelay $0x2  }
0x3d1: {  	v6 =	vor.u32 v6, v2;
	v4 =	vadd.f32 v4, v3;
	_ =	sdelay $0x1  }
0x3d2: {  	[tilespmem:v5+s28+$0x0] =	vst.idx.msk $0xffff, v4;
	v5 =	vld [tilespmem:$0x1FD10];
	_ =	sdelay $0x2  }
0x3d3: {  	v4 =	vld.idx.msk [tilespmem:v6+s17+$0x0], $0xffff;
	_ =	sdelay $0x1  }
0x3d4: {  	v5 =	vor.u32 v5, v1  }
0x3d5: {  	v6 =	vor.u32 v13, v2;
	_ =	sdelay $0x1  }
0x3d6: {  	v4 =	vadd.f32 v4, v3;
	_ =	sdelay $0x1  }
0x3d7: {  	[tilespmem:v5+s28+$0x0] =	vst.idx.msk $0xffff, v4  }
0x3d8: {  	v4 =	vld.idx.msk [tilespmem:v6+s17+$0x0], $0xffff;
	_ =	sdelay $0x1  }
0x3d9: {  	v5 =	vor.u32 v14, v1  }
0x3da: {  	v6 =	vor.u32 v15, v2;
	_ =	sdelay $0x1  }
0x3db: {  	v4 =	vadd.f32 v4, v3;
	_ =	sdelay $0x1  }
0x3dc: {  	[tilespmem:v5+s28+$0x0] =	vst.idx.msk $0xffff, v4  }
0x3dd: {  	v4 =	vld.idx.msk [tilespmem:v6+s17+$0x0], $0xffff;
	_ =	sdelay $0x1  }
0x3de: {  	v5 =	vor.u32 v16, v1  }
0x3df: {  	v6 =	vor.u32 v17, v2;
	_ =	sdelay $0x1  }
0x3e0: {  	v4 =	vadd.f32 v4, v3;
	_ =	sdelay $0x1  }
0x3e1: {  	[tilespmem:v5+s28+$0x0] =	vst.idx.msk $0xffff, v4  }
0x3e2: {  	v4 =	vld.idx.msk [tilespmem:v6+s17+$0x0], $0xffff;
	_ =	sdelay $0x1  }
0x3e3: {  	v5 =	vor.u32 v18, v1  }
0x3e4: {  	v2 =	vor.u32 v19, v2;
	_ =	sdelay $0x1  }
0x3e5: {  	v4 =	vadd.f32 v4, v3;
	_ =	sdelay $0x1  }
0x3e6: {  	[tilespmem:v5+s28+$0x0] =	vst.idx.msk $0xffff, v4  }
0x3e7: {  	v7 =	vld.idx.msk [tilespmem:v2+s17+$0x0], $0xffff  }
0x3e8: {  	s15 =	smov.u32 s14;
	v2 =	vld [tilespmem:$0x1FC70]  }
0x3e9: {  	s6 =	sand.u32 $0xF, s15  }
0x3ea: {  	v6 =	vadd.s32 s6, v9  }
0x3eb: {  	s16 =	sand.u32 $0x10, s15;
	v4 =	vand.u32 $0xF, v6  }
0x3ec: {  	v8 =	vor.u32 s16, v4  }
0x3ed: {  	v4 =	vor.u32 v2, v1;
	v1 =	vmul.u32 $0x108, v8  }
0x3ee: {  	v5 =	vshll.u32 v6, $0x7  }
0x3ef: {  	v9 =	vand.u32 $0x380, v5;
	v5 =	vadd.s32 v24, v1;
	v1 =	vld [tilespmem:$0x1FD20]  }
0x3f0: {  	p0 =	sne.s32 s14, $0x1F  }
.Ltmp2:
0x3f1: {  	_ = 	snop;
	(pc) =	sbr.rel @p0 .LBB2_7-.Ltmp2, $4  }
0x3f2: {  	v6 =	vand.u32 $0x7, v6;
	v2 =	vand.u32 $0x18, v8  }
0x3f3: {  	v8 =	vshll.u32 v8, $0x9;
	v2 =	vor.u32 v6, v2  }
0x3f4: {  	v6 =	vor.u32 v1, v2;
	v1 =	vand.u32 $0x3000, v8  }
0x3f5: {  	s14 =	sadd.s32 $0x1, s14;
	v3 =	vadd.f32 v7, v3;
	v1 =	vor.u32 v9, v1;
	v9 =	vlaneseq.u32  }
0x3f6: {  	_ =	sdelay $0x3  }
0x3f7: {  	[tilespmem:v4+s28+$0x0] =	vst.idx.msk $0xffff, v3  }
0x3f8: {  	v7 =	vld.idx.msk [tilespmem:v5+s22+$0x0], $0xffff  }
0x3f9: {  	v3 =	vld.idx.msk [tilespmem:v6+s17+$0x0], $0xffff;
	_ =	sdelay $0x1  }
0x3fa: {  	v4 =	vor.u32 v9, v1  }
0x3fb: {  	v5 =	vor.u32 v11, v2;
	_ =	sdelay $0x1  }
0x3fc: {  	v3 =	vadd.f32 v3, v7;
	_ =	sdelay $0x1  }
0x3fd: {  	[tilespmem:v4+s28+$0x0] =	vst.idx.msk $0xffff, v3  }
0x3fe: {  	v3 =	vld.idx.msk [tilespmem:v5+s17+$0x0], $0xffff;
	_ =	sdelay $0x1  }
0x3ff: {  	v4 =	vor.u32 v12, v1  }
0x400: {  	v5 =	vor.u32 v0, v2;
	_ =	sdelay $0x1  }
0x401: {  	v3 =	vadd.f32 v3, v7;
	_ =	sdelay $0x1  }
0x402: {  	[tilespmem:v4+s28+$0x0] =	vst.idx.msk $0xffff, v3  }
0x403: {  	v3 =	vld.idx.msk [tilespmem:v5+s17+$0x0], $0xffff;
	_ =	sdelay $0x1  }
0x404: {  	v4 =	vor.u32 v20, v1  }
0x405: {  	v5 =	vor.u32 v21, v2;
	_ =	sdelay $0x1  }
0x406: {  	v3 =	vadd.f32 v3, v7;
	_ =	sdelay $0x1  }
0x407: {  	[tilespmem:v4+s28+$0x0] =	vst.idx.msk $0xffff, v3  }
0x408: {  	v3 =	vld.idx.msk [tilespmem:v5+s17+$0x0], $0xffff;
	_ =	sdelay $0x1  }
0x409: {  	v4 =	vor.u32 v22, v1  }
0x40a: {  	v5 =	vor.u32 v23, v2;
	_ =	sdelay $0x1  }
0x40b: {  	v3 =	vadd.f32 v3, v7;
	_ =	sdelay $0x1  }
0x40c: {  	[tilespmem:v4+s28+$0x0] =	vst.idx.msk $0xffff, v3  }
0x40d: {  	v3 =	vld.idx.msk [tilespmem:v5+s17+$0x0], $0xffff;
	_ =	sdelay $0x1  }
0x40e: {  	v4 =	vor.u32 v10, v1  }
0x40f: {  	v5 =	vor.u32 v25, v2;
	_ =	sdelay $0x1  }
0x410: {  	v3 =	vadd.f32 v3, v7;
	_ =	sdelay $0x1  }
0x411: {  	[tilespmem:v4+s28+$0x0] =	vst.idx.msk $0xffff, v3  }
0x412: {  	v3 =	vld.idx.msk [tilespmem:v5+s17+$0x0], $0xffff;
	_ =	sdelay $0x1  }
0x413: {  	v4 =	vor.u32 v26, v1  }
0x414: {  	v5 =	vor.u32 v27, v2;
	_ =	sdelay $0x1  }
0x415: {  	v3 =	vadd.f32 v3, v7;
	_ =	sdelay $0x1  }
0x416: {  	[tilespmem:v4+s28+$0x0] =	vst.idx.msk $0xffff, v3  }
0x417: {  	v3 =	vld.idx.msk [tilespmem:v5+s17+$0x0], $0xffff;
	_ =	sdelay $0x1  }
0x418: {  	v4 =	vor.u32 v28, v1  }
0x419: {  	v5 =	vor.u32 v29, v2;
	_ =	sdelay $0x1  }
0x41a: {  	v3 =	vadd.f32 v3, v7;
	_ =	sdelay $0x1  }
0x41b: {  	[tilespmem:v4+s28+$0x0] =	vst.idx.msk $0xffff, v3  }
0x41c: {  	v3 =	vld.idx.msk [tilespmem:v5+s17+$0x0], $0xffff;
	_ =	sdelay $0x1  }
0x41d: {  	v4 =	vor.u32 v30, v1  }
0x41e: {  	v5 =	vor.u32 v31, v2;
	_ =	sdelay $0x1  }
0x41f: {  	v3 =	vadd.f32 v3, v7;
	_ =	sdelay $0x1  }
0x420: {  	[tilespmem:v4+s28+$0x0] =	vst.idx.msk $0xffff, v3  }
0x421: {  	v3 =	vld.idx.msk [tilespmem:v5+s17+$0x0], $0xffff;
	_ =	sdelay $0x1  }
0x422: {  	v4 =	vor.u32 v32, v1  }
0x423: {  	v5 =	vor.u32 v33, v2;
	_ =	sdelay $0x1  }
0x424: {  	v3 =	vadd.f32 v3, v7;
	_ =	sdelay $0x1  }
0x425: {  	[tilespmem:v4+s28+$0x0] =	vst.idx.msk $0xffff, v3  }
0x426: {  	v3 =	vld.idx.msk [tilespmem:v5+s17+$0x0], $0xffff;
	_ =	sdelay $0x1  }
0x427: {  	v4 =	vor.u32 v34, v1  }
0x428: {  	v5 =	vor.u32 v35, v2;
	_ =	sdelay $0x1  }
0x429: {  	v3 =	vadd.f32 v3, v7;
	_ =	sdelay $0x1  }
0x42a: {  	[tilespmem:v4+s28+$0x0] =	vst.idx.msk $0xffff, v3  }
0x42b: {  	v3 =	vld.idx.msk [tilespmem:v5+s17+$0x0], $0xffff;
	_ =	sdelay $0x1  }
0x42c: {  	v4 =	vor.u32 v36, v1  }
0x42d: {  	v5 =	vor.u32 v37, v2;
	_ =	sdelay $0x1  }
0x42e: {  	v3 =	vadd.f32 v3, v7;
	_ =	sdelay $0x1  }
0x42f: {  	[tilespmem:v4+s28+$0x0] =	vst.idx.msk $0xffff, v3  }
0x430: {  	v3 =	vld.idx.msk [tilespmem:v5+s17+$0x0], $0xffff;
	_ =	sdelay $0x1  }
0x431: {  	v4 =	vor.u32 v38, v1  }
0x432: {  	v5 =	vor.u32 v39, v2;
	_ =	sdelay $0x1  }
0x433: {  	v3 =	vadd.f32 v3, v7;
	_ =	sdelay $0x1  }
0x434: {  	[tilespmem:v4+s28+$0x0] =	vst.idx.msk $0xffff, v3  }
0x435: {  	v3 =	vld.idx.msk [tilespmem:v5+s17+$0x0], $0xffff;
	_ =	sdelay $0x1  }
0x436: {  	v4 =	vor.u32 v40, v1  }
0x437: {  	v5 =	vor.u32 v41, v2;
	_ =	sdelay $0x1  }
0x438: {  	v3 =	vadd.f32 v3, v7;
	_ =	sdelay $0x1  }
0x439: {  	[tilespmem:v4+s28+$0x0] =	vst.idx.msk $0xffff, v3  }
0x43a: {  	v3 =	vld.idx.msk [tilespmem:v5+s17+$0x0], $0xffff;
	_ =	sdelay $0x1  }
0x43b: {  	v4 =	vor.u32 v42, v1  }
0x43c: {  	v5 =	vor.u32 v43, v2;
	_ =	sdelay $0x1  }
0x43d: {  	v3 =	vadd.f32 v3, v7;
	_ =	sdelay $0x1  }
0x43e: {  	[tilespmem:v4+s28+$0x0] =	vst.idx.msk $0xffff, v3  }
0x43f: {  	v3 =	vld.idx.msk [tilespmem:v5+s17+$0x0], $0xffff;
	_ =	sdelay $0x1  }
0x440: {  	v4 =	vor.u32 v44, v1  }
0x441: {  	v5 =	vor.u32 v45, v2;
	_ =	sdelay $0x1  }
0x442: {  	v3 =	vadd.f32 v3, v7;
	_ =	sdelay $0x1  }
0x443: {  	[tilespmem:v4+s28+$0x0] =	vst.idx.msk $0xffff, v3  }
0x444: {  	v3 =	vld.idx.msk [tilespmem:v5+s17+$0x0], $0xffff;
	_ =	sdelay $0x1  }
0x445: {  	v4 =	vor.u32 v46, v1  }
0x446: {  	v5 =	vor.u32 v47, v2;
	_ =	sdelay $0x1  }
0x447: {  	v3 =	vadd.f32 v3, v7;
	_ =	sdelay $0x1  }
0x448: {  	[tilespmem:v4+s28+$0x0] =	vst.idx.msk $0xffff, v3  }
0x449: {  	v3 =	vld.idx.msk [tilespmem:v5+s17+$0x0], $0xffff;
	_ =	sdelay $0x1  }
0x44a: {  	v4 =	vor.u32 v48, v1  }
0x44b: {  	v5 =	vor.u32 v49, v2;
	_ =	sdelay $0x1  }
0x44c: {  	v3 =	vadd.f32 v3, v7;
	_ =	sdelay $0x1  }
0x44d: {  	[tilespmem:v4+s28+$0x0] =	vst.idx.msk $0xffff, v3  }
0x44e: {  	v3 =	vld.idx.msk [tilespmem:v5+s17+$0x0], $0xffff;
	_ =	sdelay $0x1  }
0x44f: {  	v4 =	vor.u32 v50, v1  }
0x450: {  	v5 =	vor.u32 v51, v2;
	_ =	sdelay $0x1  }
0x451: {  	v3 =	vadd.f32 v3, v7;
	_ =	sdelay $0x1  }
0x452: {  	[tilespmem:v4+s28+$0x0] =	vst.idx.msk $0xffff, v3  }
0x453: {  	v3 =	vld.idx.msk [tilespmem:v5+s17+$0x0], $0xffff;
	_ =	sdelay $0x1  }
0x454: {  	v4 =	vor.u32 v52, v1  }
0x455: {  	v5 =	vor.u32 v53, v2;
	_ =	sdelay $0x1  }
0x456: {  	v3 =	vadd.f32 v3, v7;
	_ =	sdelay $0x1  }
0x457: {  	[tilespmem:v4+s28+$0x0] =	vst.idx.msk $0xffff, v3  }
0x458: {  	v3 =	vld.idx.msk [tilespmem:v5+s17+$0x0], $0xffff;
	_ =	sdelay $0x1  }
0x459: {  	v4 =	vor.u32 v54, v1  }
0x45a: {  	v5 =	vor.u32 v55, v2;
	_ =	sdelay $0x1  }
0x45b: {  	v3 =	vadd.f32 v3, v7;
	_ =	sdelay $0x1  }
0x45c: {  	[tilespmem:v4+s28+$0x0] =	vst.idx.msk $0xffff, v3  }
0x45d: {  	v3 =	vld.idx.msk [tilespmem:v5+s17+$0x0], $0xffff;
	_ =	sdelay $0x1  }
0x45e: {  	v4 =	vor.u32 v56, v1  }
0x45f: {  	v5 =	vor.u32 v57, v2;
	_ =	sdelay $0x1  }
0x460: {  	v3 =	vadd.f32 v3, v7;
	_ =	sdelay $0x1  }
0x461: {  	[tilespmem:v4+s28+$0x0] =	vst.idx.msk $0xffff, v3  }
0x462: {  	v3 =	vld.idx.msk [tilespmem:v5+s17+$0x0], $0xffff;
	_ =	sdelay $0x1  }
0x463: {  	v4 =	vor.u32 v58, v1  }
0x464: {  	v5 =	vor.u32 v59, v2;
	_ =	sdelay $0x1  }
0x465: {  	v3 =	vadd.f32 v3, v7;
	_ =	sdelay $0x1  }
0x466: {  	[tilespmem:v4+s28+$0x0] =	vst.idx.msk $0xffff, v3  }
0x467: {  	v3 =	vld.idx.msk [tilespmem:v5+s17+$0x0], $0xffff;
	_ =	sdelay $0x1  }
0x468: {  	v4 =	vor.u32 v60, v1  }
0x469: {  	v5 =	vor.u32 v61, v2;
	_ =	sdelay $0x1  }
0x46a: {  	v3 =	vadd.f32 v3, v7;
	_ =	sdelay $0x1  }
0x46b: {  	[tilespmem:v4+s28+$0x0] =	vst.idx.msk $0xffff, v3  }
0x46c: {  	v3 =	vld.idx.msk [tilespmem:v5+s17+$0x0], $0xffff;
	_ =	sdelay $0x1  }
0x46d: {  	v4 =	vor.u32 v62, v1  }
0x46e: {  	v5 =	vor.u32 v63, v2  }
0x46f: {  	v24 =	vld [tilespmem:$0x1FCB0]  }
0x470: {  	v62 =	vld [tilespmem:$0x1FCC0];
	v3 =	vadd.f32 v3, v7;
	_ =	sdelay $0x1  }
0x471: {  	[tilespmem:v4+s28+$0x0] =	vst.idx.msk $0xffff, v3  }
0x472: {  	v3 =	vld.idx.msk [tilespmem:v5+s17+$0x0], $0xffff;
	_ =	sdelay $0x1  }
0x473: {  	v4 =	vor.u32 v24, v1;
	v5 =	vor.u32 v62, v2;
	v62 =	vld [tilespmem:$0x1FCD0];
	_ =	sdelay $0x2  }
0x474: {  	v3 =	vadd.f32 v3, v7;
	_ =	sdelay $0x1  }
0x475: {  	[tilespmem:v4+s28+$0x0] =	vst.idx.msk $0xffff, v3;
	v4 =	vor.u32 v62, v1;
	v62 =	vld [tilespmem:$0x1FCE0];
	_ =	sdelay $0x1  }
0x476: {  	v3 =	vld.idx.msk [tilespmem:v5+s17+$0x0], $0xffff;
	_ =	sdelay $0x2  }
0x477: {  	v5 =	vor.u32 v62, v2;
	_ =	sdelay $0x1  }
0x478: {  	v20 =	vld [tilespmem:$0x1FCF0];
	v3 =	vadd.f32 v3, v7  }
0x479: {  	v10 =	vld [tilespmem:$0x1FD00]  }
0x47a: {  	[tilespmem:v4+s28+$0x0] =	vst.idx.msk $0xffff, v3  }
0x47b: {  	v3 =	vld.idx.msk [tilespmem:v5+s17+$0x0], $0xffff;
	_ =	sdelay $0x1  }
0x47c: {  	v4 =	vor.u32 v20, v1  }
0x47d: {  	v5 =	vor.u32 v10, v2;
	_ =	sdelay $0x1  }
0x47e: {  	v6 =	vld [tilespmem:$0x1FD10];
	v3 =	vadd.f32 v3, v7;
	_ =	sdelay $0x1  }
0x47f: {  	[tilespmem:v4+s28+$0x0] =	vst.idx.msk $0xffff, v3  }
0x480: {  	v3 =	vld.idx.msk [tilespmem:v5+s17+$0x0], $0xffff;
	_ =	sdelay $0x1  }
0x481: {  	v4 =	vor.u32 v6, v1  }
0x482: {  	v5 =	vor.u32 v13, v2;
	_ =	sdelay $0x1  }
0x483: {  	v3 =	vadd.f32 v3, v7;
	_ =	sdelay $0x1  }
0x484: {  	[tilespmem:v4+s28+$0x0] =	vst.idx.msk $0xffff, v3  }
0x485: {  	v3 =	vld.idx.msk [tilespmem:v5+s17+$0x0], $0xffff;
	_ =	sdelay $0x1  }
0x486: {  	v4 =	vor.u32 v14, v1  }
0x487: {  	v5 =	vor.u32 v15, v2;
	_ =	sdelay $0x1  }
0x488: {  	v3 =	vadd.f32 v3, v7;
	_ =	sdelay $0x1  }
0x489: {  	[tilespmem:v4+s28+$0x0] =	vst.idx.msk $0xffff, v3  }
0x48a: {  	v3 =	vld.idx.msk [tilespmem:v5+s17+$0x0], $0xffff;
	_ =	sdelay $0x1  }
0x48b: {  	v4 =	vor.u32 v16, v1  }
0x48c: {  	v5 =	vor.u32 v17, v2;
	_ =	sdelay $0x1  }
0x48d: {  	v3 =	vadd.f32 v3, v7;
	_ =	sdelay $0x1  }
0x48e: {  	[tilespmem:v4+s28+$0x0] =	vst.idx.msk $0xffff, v3  }
0x48f: {  	v3 =	vld.idx.msk [tilespmem:v5+s17+$0x0], $0xffff;
	_ =	sdelay $0x1  }
0x490: {  	v4 =	vor.u32 v18, v1  }
0x491: {  	v2 =	vor.u32 v19, v2;
	_ =	sdelay $0x1  }
0x492: {  	v0 =	vld [tilespmem:$0x1FC70];
	v3 =	vadd.f32 v3, v7;
	_ =	sdelay $0x1  }
0x493: {  	[tilespmem:v4+s28+$0x0] =	vst.idx.msk $0xffff, v3  }
0x494: {  	v2 =	vld.idx.msk [tilespmem:v2+s17+$0x0], $0xffff;
	_ =	sdelay $0x1  }
0x495: {  	s2 =	sadd.s32 $0x1, s2;
	v8 =	vmov v12;
	v12 =	vld [tilespmem:$0x1FD40];
	v1 =	vor.u32 v0, v1  }
0x496: {  	p0 =	sne.s32 s2, $0x19;
	v5 =	vld [tilespmem:$0x1FE90]  }
.Ltmp3:
0x497: {  	s6 =	sshll.u32 s12, $0x9;
	v3 =	vld [tilespmem:$0x1FE80];
	(pc) =	sbr.rel @p0 .LBB2_4-.Ltmp3, $4  }
0x498: {  	s6 =	sand.u32 $0xE00, s6;
	v4 =	vld [tilespmem:$0x1FD30];
	v0 =	vadd.f32 v2, v7  }
0x499: {  	s16 =	sshll.u32 s13, $0xE;
	s6 =	sadd.s32 s1, s6;
	v2 =	vld [tilespmem:$0x1FFF0]  }
0x49a: {  	s6 =	sadd.s32 s16, s6;
	v7 =	vmov v11;
	v11 =	vmov v13;
	v13 =	vmov v14;
	[tilespmem:v1+s28+$0x0] =	vst.idx.msk $0xffff, v0;
	v0 =	vld [tilespmem:$0x1FD20]  }
0x49b: {  	v14 =	vmovc v15;
	v15 =	vmovc v16;
	v16 =	vmov v17;
	v17 =	vmov v18;
	v18 =	vmov v19;
	v1 =	vld [tilespmem:$0x1FFE0];
	[hbm4b:s6+s24] =	stream.strided.scatter [tilespmem:s28], [sflag:$0x4], $0x4000, s25, s24, $0x38  }
0x49c: {  	s31 =	sadd.s32 $0x1, s31  }
0x49d: {  	_ =	swait.ge [sflag:s29], $0x4000;
	p0 =	sne.s32 s31, s8  }
.Ltmp4:
0x49e: {  	[sflag:s29] =	ssyncset.done $0x0;
	(pc) =	sbr.rel @p0 .LBB2_1-.Ltmp4, $4  }
0x49f: {  	[sflag:s29] =	ssyncadd.s32 $0xFFFFC000  }
0x4a0: {  	_ =	swait.ge [sflag:s30], $0x4000  }
0x4a1: {  	[sflag:s30] =	ssyncset.done $0x0  }
0x4a2: {  	[sflag:s30] =	ssyncadd.s32 $0xFFFFC000  }
0x4a3: {  	_ =	sfence.sel $0x180000  }
0x4a4: {  	[bflag:$0x0] =	sbarrier.arrive $0xFFFF  }
0x4a5: {  	_ =	strace $0x90000047  }
0x4a6: {  	s0 =	stileid.u32;
	[bflag:$0x2] =	sbarrier.arrive $0xFFFF  }
0x4a7: {  	p0 =	sne.s32 s0, $0x0;
	s0 =	rddreg [dreg:$0x3]  }
0x4a8: {  	s0 =	sadd.s32 @!p0 $0x100000, s0  }
0x4a9: {  	[sflag:s0] =	ssyncadd.tile.s32 @!p0 $0x1;
	_ =	shalt  }
.Lfunc_end2:
_tile_overlayer_lowered:
.L_overlay_start_2:
0x4aa: {  	(tag) =	ssettag $0x2  }
0x4ab: {  	s0 =	rddreg [dreg:$0x0];
	s2 =	stileid.u32  }
0x4ac: {  	s1 =	rddreg [dreg:$0x1];
	p0 =	sne.s32 s2, $0x0  }
0x4ad: {  	s3 =	rddreg [dreg:$0x2];
	[bflag:$0x3] =	sbarrier.arrive $0xFFFF;
	s2 =	simm.s32 @!p0 $0x1C05  }
0x4ae: {  	[timem:s3], [sflag:s2] =	dma.local @!p0 [hbm:s0], s1  }
0x4af: {  	s0 =	simm.s32 @!p0 $0x5  }
0x4b0: {  	_ =	swait.ge @!p0 [sflag:s0], s1  }
0x4b1: {  	s1 =	ssub.s32 @!p0 $0x0, s1;
	[sflag:s0] =	ssyncset.done @!p0 $0x0  }
0x4b2: {  	[sflag:s0] =	ssyncadd.s32 @!p0 s1  }
0x4b3: {  	[bflag:$0x3] =	sbarrier.arrive $0xFFFF  }
0x4b4: {  	_ =	shalt  }

</sc_bundles>
